<compile_context>
chip_gen: v7x
topology: tpu7x:2x2x1
jax: 0.10.2.dev20260603
libtpu: 0.0.44.dev20260713+nightly
codegen_flags: <defaults>
</compile_context>

<pallas_src>
import functools

import jax
import jax.numpy as jnp
from jax import lax
from jax.experimental import pallas as pl
from jax.experimental.pallas import tpu as pltpu
from jax.experimental.pallas import tpu_sc as plsc

M, G, DZ = 16, 16384, 128
NT, DY = 8192, 64
B = M * NT

NC, NS = 2, 16
NW = NC * NS
CH = 128
NBUF = 4

SLICE_ROWS = (4, 4, 4, 4)
SLICE_START = tuple(sum(SLICE_ROWS[:s]) for s in range(len(SLICE_ROWS)))
NSLICE = len(SLICE_ROWS)


def _sc_gather(slice_idx):
    ms = SLICE_ROWS[slice_idx]
    row0 = SLICE_START[slice_idx]
    b_per_w = ms * NT // NW
    w_per_row = NT // b_per_w
    nchunk = b_per_w // CH
    mesh = plsc.VectorSubcoreMesh(core_axis_name="c", subcore_axis_name="s")

    @functools.partial(
        pl.kernel,
        mesh=mesh,
        out_type=jax.ShapeDtypeStruct((ms, NT, DZ), jnp.float32),
        scratch_types=[
            pltpu.VMEM((b_per_w,), jnp.int32),
            *[pltpu.VMEM((CH, DZ), jnp.float32) for _ in range(NBUF)],
            *[pltpu.SemaphoreType.DMA for _ in range(2 * NBUF)],
        ],
    )
    def gather(table_hbm, mt_hbm, out_hbm, idx_v, *bufs_and_sems):
        rows = bufs_and_sems[:NBUF]
        gsem = bufs_and_sems[NBUF : 2 * NBUF]
        ssem = bufs_and_sems[2 * NBUF :]
        wid = lax.axis_index("s") * NC + lax.axis_index("c")
        iloc = wid // w_per_row
        i = row0 + iloc
        h = wid % w_per_row
        col0 = h * b_per_w
        pltpu.sync_copy(mt_hbm.at[i, pl.ds(col0, b_per_w)], idx_v)

        def gather_chunk(c, b):
            return pltpu.async_copy(
                table_hbm.at[i].at[idx_v.at[pl.ds(c * CH, CH)]], rows[b], gsem[b]
            )

        gcp = [None] * NBUF
        scp = [None] * NBUF
        gcp[0] = gather_chunk(0, 0)
        for c in range(nchunk):
            b = c % NBUF
            nb = (c + 1) % NBUF
            if c + 1 < nchunk:
                if scp[nb] is not None:
                    scp[nb].wait()
                gcp[nb] = gather_chunk(c + 1, nb)
            gcp[b].wait()
            scp[b] = pltpu.async_copy(
                rows[b], out_hbm.at[iloc, pl.ds(col0 + c * CH, CH)], ssem[b]
            )
        for b in range(NBUF):
            if scp[b] is not None:
                scp[b].wait()

    return gather


_gather_fns = [_sc_gather(s) for s in range(NSLICE)]


def _mm_body(zt_ref, wt_ref, b_ref, o_ref):
    o_ref[0] = (
        lax.dot_general(
            wt_ref[...],
            zt_ref[0],
            (((1,), (1,)), ((), ())),
            preferred_element_type=jnp.float32,
        )
        + b_ref[...]
    )


def _tc_linear_slice(slice_idx, zt_s, Wt, b2, out_prev):
    BN = 8192
    ms = SLICE_ROWS[slice_idx]
    row0 = SLICE_START[slice_idx]
    args = [zt_s, Wt, b2]
    in_specs = [
        pl.BlockSpec((1, BN, DZ), lambda i, j: (i, j, 0)),
        pl.BlockSpec((DY, DZ), lambda i, j: (0, 0)),
        pl.BlockSpec((DY, 1), lambda i, j: (0, 0)),
    ]
    aliases = {}
    if out_prev is not None:
        args.append(out_prev)
        in_specs.append(pl.BlockSpec(memory_space=pl.ANY))
        aliases = {3: 0}

    def body(zt_ref, wt_ref, b_ref, *rest):
        _mm_body(zt_ref, wt_ref, b_ref, rest[-1])

    return pl.pallas_call(
        body,
        grid=(ms, NT // BN),
        in_specs=in_specs,
        out_specs=pl.BlockSpec((1, DY, BN), lambda i, j: (row0 + i, 0, j)),
        out_shape=jax.ShapeDtypeStruct((M, DY, NT), jnp.float32),
        input_output_aliases=aliases,
    )(*args)


@jax.jit
def kernel(z_grid, mt, W, b):
    mt32 = mt.astype(jnp.int32)
    Wt = W.T
    b2 = b.reshape(DY, 1)
    zts = [_gather_fns[s](z_grid, mt32) for s in range(NSLICE)]
    out_t = None
    for s in range(NSLICE):
        out_t = _tc_linear_slice(s, zts[s], Wt, b2, out_t)
    return jnp.transpose(out_t, (0, 2, 1))

# --- scband reference (transcript-rebuilt; emitter-appended) ---
"""Pipeline reference for scband-gridded-conv-cnpdecoder-19533511262680 (READ-ONLY COPY).

The authoritative reference and input builder live on the scoring server;
editing this copy changes nothing except your own understanding.
"""

import jax, jax.numpy as jnp
import numpy as np

M, G, DZ = 16, 16384, 128
NT, DY = 8192, 64


def setup_inputs(seed: int = 0) -> dict:
    key = jax.random.key(seed)
    k1, k2, k3 = jax.random.split(key, 3)
    z_grid = jax.random.normal(k1, (M, G, DZ), dtype=jnp.float32)
    mt = jax.random.randint(k2, (M, NT), 0, G, dtype=jnp.int64)
    # resizer = nn.Linear(DZ, DY) parameters
    W = jax.random.normal(k3, (DZ, DY), dtype=jnp.float32) * (1.0 / np.sqrt(DZ))
    b = jnp.zeros((DY,), dtype=jnp.float32)
    return {"z_grid": z_grid, "mt": mt, "W": W, "b": b}


def reference(z_grid, mt, W, b):
    # torch: zt = torch.stack([z_grid[i][mt[i]] for i in range(m)])
    # With integer target indices this is a batched gather along the grid axis.
    zt = jnp.take_along_axis(z_grid, mt[..., None], axis=1)  # [m, nt, dz]
    # resizer (Linear dz -> dy)
    zt = zt @ W + b  # [m, nt, dy]
    return zt

if __name__ == "__main__":
    import jax
    _d = setup_inputs()
    print(jax.jit(kernel)(*tuple(_d.values())))

</pallas_src>

<mosaic_0001>
#map = affine_map<(d0, d1) -> (0, 0, 0)>
#map1 = affine_map<(d0, d1) -> (0, 0)>
module attributes {stable_mosaic.version = 14 : i64} {
  func.func @gather(%arg0: i32, %arg1: i32, %arg2: memref<16x16384x128xf32, #tpu.memory_space<hbm>>, %arg3: memref<16x8192xi32, #tpu.memory_space<hbm>>, %arg4: memref<4x8192x128xf32, #tpu.memory_space<hbm>>, %arg5: memref<1024xi32, #tpu.memory_space<vmem>>, %arg6: memref<128x128xf32, #tpu.memory_space<vmem>>, %arg7: memref<128x128xf32, #tpu.memory_space<vmem>>, %arg8: memref<128x128xf32, #tpu.memory_space<vmem>>, %arg9: memref<128x128xf32, #tpu.memory_space<vmem>>, %arg10: memref<!tpu.dma_semaphore, #tpu.memory_space<semaphore_mem>>, %arg11: memref<!tpu.dma_semaphore, #tpu.memory_space<semaphore_mem>>, %arg12: memref<!tpu.dma_semaphore, #tpu.memory_space<semaphore_mem>>, %arg13: memref<!tpu.dma_semaphore, #tpu.memory_space<semaphore_mem>>, %arg14: memref<!tpu.dma_semaphore, #tpu.memory_space<semaphore_mem>>, %arg15: memref<!tpu.dma_semaphore, #tpu.memory_space<semaphore_mem>>, %arg16: memref<!tpu.dma_semaphore, #tpu.memory_space<semaphore_mem>>, %arg17: memref<!tpu.dma_semaphore, #tpu.memory_space<semaphore_mem>>) attributes {dimension_semantics = [#tpu.dimension_semantics<core_parallel>, #tpu.dimension_semantics<subcore_parallel>], iteration_bounds = array<i64: 2, 16>, scalar_prefetch = 0 : i64, scratch_operands = 13 : i64, tpu.core_type = #tpu.core_type<sc_vector_subcore>, window_params = [{transform_indices = #map}, {transform_indices = #map1}, {transform_indices = #map}]} {
    %mul3A = arith.constant 2 : i32
    %mul3A_0 = arith.muli %arg1, %mul3A : i32
    %add3A = arith.addi %mul3A_0, %arg0 : i32
    %jit3A = arith.constant 8 : i32
    %div3A = arith.divsi %add3A, %jit3A : i32
    %sign3A = arith.constant 0 : i32
    %sign3A_1 = arith.cmpi sgt, %add3A, %sign3A : i32
    %sign3A_2 = arith.extui %sign3A_1 : i1 to i32
    %sign3A_3 = arith.constant 0 : i32
    %sign3A_4 = arith.cmpi slt, %add3A, %sign3A_3 : i32
    %sign3A_5 = arith.extui %sign3A_4 : i1 to i32
    %sign3A_6 = arith.subi %sign3A_2, %sign3A_5 : i32
    %sign3A_7 = arith.constant 0 : i32
    %sign3A_8 = arith.cmpi sgt, %jit3A, %sign3A_7 : i32
    %sign3A_9 = arith.extui %sign3A_8 : i1 to i32
    %sign3A_10 = arith.constant 0 : i32
    %sign3A_11 = arith.cmpi slt, %jit3A, %sign3A_10 : i32
    %sign3A_12 = arith.extui %sign3A_11 : i1 to i32
    %sign3A_13 = arith.subi %sign3A_9, %sign3A_12 : i32
    %ne3A = arith.cmpi ne, %sign3A_6, %sign3A_13 : i32
    %rem3A = arith.remsi %add3A, %jit3A : i32
    %ne3A_14 = arith.constant 0 : i32
    %ne3A_15 = arith.cmpi ne, %rem3A, %ne3A_14 : i32
    %and3A = arith.andi %ne3A, %ne3A_15 : i1
    %sub3A = arith.constant 1 : i32
    %sub3A_16 = arith.subi %div3A, %sub3A : i32
    %select_n3A = arith.select %and3A, %sub3A_16, %div3A : i32
    %add3A_17 = arith.constant 0 : i32
    %add3A_18 = arith.addi %add3A_17, %select_n3A : i32
    %jit3A_19 = arith.constant 8 : i32
    %eq3A = arith.constant 0 : i32
    %eq3A_20 = arith.cmpi eq, %jit3A_19, %eq3A : i32
    %jit3A_21 = arith.constant 1 : i32
    %select_n3A_22 = arith.select %eq3A_20, %jit3A_21, %jit3A_19 : i32
    %rem3A_23 = arith.remsi %add3A, %select_n3A_22 : i32
    %ne3A_24 = arith.constant 0 : i32
    %ne3A_25 = arith.cmpi ne, %rem3A_23, %ne3A_24 : i32
    %lt3A = arith.constant 0 : i32
    %lt3A_26 = arith.cmpi slt, %rem3A_23, %lt3A : i32
    %lt3A_27 = arith.constant 0 : i32
    %lt3A_28 = arith.cmpi slt, %select_n3A_22, %lt3A_27 : i32
    %ne3A_29 = arith.xori %lt3A_26, %lt3A_28 : i1
    %and3A_30 = arith.andi %ne3A_29, %ne3A_25 : i1
    %add3A_31 = arith.addi %rem3A_23, %select_n3A_22 : i32
    %select_n3A_32 = arith.select %and3A_30, %add3A_31, %rem3A_23 : i32
    %mul3A_33 = arith.constant 1024 : i32
    %mul3A_34 = arith.muli %select_n3A_32, %mul3A_33 : i32
    "tpu.region"() ({
      %run_scoped3A = tpu.sem_alloc : memref<!tpu.dma_semaphore, #tpu.memory_space<semaphore_mem>>
      %dma_start3A_289 = tpu.memref_slice %arg3[%add3A_18, %mul3A_34] : memref<16x8192xi32, #tpu.memory_space<hbm>> -> memref<1x1024xi32, #tpu.memory_space<hbm>>
      %dma_start3A_290 = tpu.memref_squeeze %dma_start3A_289 : memref<1x1024xi32, #tpu.memory_space<hbm>> -> memref<1024xi32, #tpu.memory_space<hbm>>
      %dma_start3A_291 = tpu.memref_slice %arg3[%add3A_18, %mul3A_34] : memref<16x8192xi32, #tpu.memory_space<hbm>> -> memref<1x1024xi32, #tpu.memory_space<hbm>>
      %dma_start3A_292 = tpu.memref_squeeze %dma_start3A_291 : memref<1x1024xi32, #tpu.memory_space<hbm>> -> memref<1024xi32, #tpu.memory_space<hbm>>
      tpu.enqueue_dma source(%dma_start3A_292 : memref<1024xi32, #tpu.memory_space<hbm>>) target(%arg5 : memref<1024xi32, #tpu.memory_space<vmem>>) target_semaphore(%run_scoped3A : memref<!tpu.dma_semaphore, #tpu.memory_space<semaphore_mem>>)
      %dma_wait3A_293 = tpu.memref_slice %arg3[%add3A_18, %mul3A_34] : memref<16x8192xi32, #tpu.memory_space<hbm>> -> memref<1x1024xi32, #tpu.memory_space<hbm>>
      %dma_wait3A_294 = tpu.memref_squeeze %dma_wait3A_293 : memref<1x1024xi32, #tpu.memory_space<hbm>> -> memref<1024xi32, #tpu.memory_space<hbm>>
      %dma_wait3A_295 = tpu.memref_slice %arg3[%add3A_18, %mul3A_34] : memref<16x8192xi32, #tpu.memory_space<hbm>> -> memref<1x1024xi32, #tpu.memory_space<hbm>>
      %dma_wait3A_296 = tpu.memref_squeeze %dma_wait3A_295 : memref<1x1024xi32, #tpu.memory_space<hbm>> -> memref<1024xi32, #tpu.memory_space<hbm>>
      tpu.wait_dma2 semaphore(%run_scoped3A : memref<!tpu.dma_semaphore, #tpu.memory_space<semaphore_mem>>) src(%dma_wait3A_296 : memref<1024xi32, #tpu.memory_space<hbm>>) dst(%arg5 : memref<1024xi32, #tpu.memory_space<vmem>>)
      tpu.yield
    }) : () -> ()
    %dma_start3A = arith.constant 0 : i32
    %dma_start3A_35 = tpu.memref_slice %arg5[%dma_start3A] : memref<1024xi32, #tpu.memory_space<vmem>> -> memref<128xi32, #tpu.memory_space<vmem>>
    %dma_start3A_36 = arith.constant 0 : i32
    %dma_start3A_37 = arith.constant 0 : i32
    %dma_start3A_38 = tpu.memref_slice %arg2[%add3A_18, %dma_start3A_36, %dma_start3A_37] : memref<16x16384x128xf32, #tpu.memory_space<hbm>> -> memref<1x16384x128xf32, #tpu.memory_space<hbm>>
    %dma_start3A_39 = tpu.memref_squeeze %dma_start3A_38 : memref<1x16384x128xf32, #tpu.memory_space<hbm>> -> memref<16384x128xf32, #tpu.memory_space<hbm>>
    %dma_start3A_40 = arith.constant 0 : i32
    %dma_start3A_41 = arith.constant 0 : i32
    %dma_start3A_42 = tpu.memref_slice %dma_start3A_39[%dma_start3A_40, %dma_start3A_41] : memref<16384x128xf32, #tpu.memory_space<hbm>> -> memref<16384x128xf32, #tpu.memory_space<hbm>>
    tpu.enqueue_indirect_dma source(%dma_start3A_42 : memref<16384x128xf32, #tpu.memory_space<hbm>>) target(%arg6 : memref<128x128xf32, #tpu.memory_space<vmem>>) offsets(%dma_start3A_35 : memref<128xi32, #tpu.memory_space<vmem>>) semaphore(%arg10 : memref<!tpu.dma_semaphore, #tpu.memory_space<semaphore_mem>>)
    %dma_start3A_43 = arith.constant 128 : i32
    %dma_start3A_44 = tpu.memref_slice %arg5[%dma_start3A_43] : memref<1024xi32, #tpu.memory_space<vmem>> -> memref<128xi32, #tpu.memory_space<vmem>>
    %dma_start3A_45 = arith.constant 0 : i32
    %dma_start3A_46 = arith.constant 0 : i32
    %dma_start3A_47 = tpu.memref_slice %arg2[%add3A_18, %dma_start3A_45, %dma_start3A_46] : memref<16x16384x128xf32, #tpu.memory_space<hbm>> -> memref<1x16384x128xf32, #tpu.memory_space<hbm>>
    %dma_start3A_48 = tpu.memref_squeeze %dma_start3A_47 : memref<1x16384x128xf32, #tpu.memory_space<hbm>> -> memref<16384x128xf32, #tpu.memory_space<hbm>>
    %dma_start3A_49 = arith.constant 0 : i32
    %dma_start3A_50 = arith.constant 0 : i32
    %dma_start3A_51 = tpu.memref_slice %dma_start3A_48[%dma_start3A_49, %dma_start3A_50] : memref<16384x128xf32, #tpu.memory_space<hbm>> -> memref<16384x128xf32, #tpu.memory_space<hbm>>
    tpu.enqueue_indirect_dma source(%dma_start3A_51 : memref<16384x128xf32, #tpu.memory_space<hbm>>) target(%arg7 : memref<128x128xf32, #tpu.memory_space<vmem>>) offsets(%dma_start3A_44 : memref<128xi32, #tpu.memory_space<vmem>>) semaphore(%arg11 : memref<!tpu.dma_semaphore, #tpu.memory_space<semaphore_mem>>)
    %dma_wait3A = arith.constant 0 : i32
    %dma_wait3A_52 = tpu.memref_slice %arg5[%dma_wait3A] : memref<1024xi32, #tpu.memory_space<vmem>> -> memref<128xi32, #tpu.memory_space<vmem>>
    %dma_wait3A_53 = arith.constant 0 : i32
    %dma_wait3A_54 = arith.constant 0 : i32
    %dma_wait3A_55 = tpu.memref_slice %arg2[%add3A_18, %dma_wait3A_53, %dma_wait3A_54] : memref<16x16384x128xf32, #tpu.memory_space<hbm>> -> memref<1x16384x128xf32, #tpu.memory_space<hbm>>
    %dma_wait3A_56 = tpu.memref_squeeze %dma_wait3A_55 : memref<1x16384x128xf32, #tpu.memory_space<hbm>> -> memref<16384x128xf32, #tpu.memory_space<hbm>>
    %dma_wait3A_57 = arith.constant 0 : i32
    %dma_wait3A_58 = arith.constant 0 : i32
    %dma_wait3A_59 = tpu.memref_slice %dma_wait3A_56[%dma_wait3A_57, %dma_wait3A_58] : memref<16384x128xf32, #tpu.memory_space<hbm>> -> memref<16384x128xf32, #tpu.memory_space<hbm>>
    tpu.wait_indirect_dma semaphore(%arg10 : memref<!tpu.dma_semaphore, #tpu.memory_space<semaphore_mem>>) src(%dma_wait3A_59 : memref<16384x128xf32, #tpu.memory_space<hbm>>) dst(%arg6 : memref<128x128xf32, #tpu.memory_space<vmem>>)
    %add3A_60 = arith.constant 0 : i32
    %add3A_61 = arith.addi %mul3A_34, %add3A_60 : i32
    %dma_start3A_62 = arith.constant 0 : i32
    %dma_start3A_63 = tpu.memref_slice %arg4[%select_n3A, %add3A_61, %dma_start3A_62] : memref<4x8192x128xf32, #tpu.memory_space<hbm>> -> memref<1x128x128xf32, #tpu.memory_space<hbm>>
    %dma_start3A_64 = tpu.memref_squeeze %dma_start3A_63 : memref<1x128x128xf32, #tpu.memory_space<hbm>> -> memref<128x128xf32, #tpu.memory_space<hbm>>
    %dma_start3A_65 = arith.constant 0 : i32
    %dma_start3A_66 = tpu.memref_slice %arg4[%select_n3A, %add3A_61, %dma_start3A_65] : memref<4x8192x128xf32, #tpu.memory_space<hbm>> -> memref<1x128x128xf32, #tpu.memory_space<hbm>>
    %dma_start3A_67 = tpu.memref_squeeze %dma_start3A_66 : memref<1x128x128xf32, #tpu.memory_space<hbm>> -> memref<128x128xf32, #tpu.memory_space<hbm>>
    tpu.enqueue_dma source(%arg6 : memref<128x128xf32, #tpu.memory_space<vmem>>) target(%dma_start3A_67 : memref<128x128xf32, #tpu.memory_space<hbm>>) target_semaphore(%arg14 : memref<!tpu.dma_semaphore, #tpu.memory_space<semaphore_mem>>)
    %dma_start3A_68 = arith.constant 256 : i32
    %dma_start3A_69 = tpu.memref_slice %arg5[%dma_start3A_68] : memref<1024xi32, #tpu.memory_space<vmem>> -> memref<128xi32, #tpu.memory_space<vmem>>
    %dma_start3A_70 = arith.constant 0 : i32
    %dma_start3A_71 = arith.constant 0 : i32
    %dma_start3A_72 = tpu.memref_slice %arg2[%add3A_18, %dma_start3A_70, %dma_start3A_71] : memref<16x16384x128xf32, #tpu.memory_space<hbm>> -> memref<1x16384x128xf32, #tpu.memory_space<hbm>>
    %dma_start3A_73 = tpu.memref_squeeze %dma_start3A_72 : memref<1x16384x128xf32, #tpu.memory_space<hbm>> -> memref<16384x128xf32, #tpu.memory_space<hbm>>
    %dma_start3A_74 = arith.constant 0 : i32
    %dma_start3A_75 = arith.constant 0 : i32
    %dma_start3A_76 = tpu.memref_slice %dma_start3A_73[%dma_start3A_74, %dma_start3A_75] : memref<16384x128xf32, #tpu.memory_space<hbm>> -> memref<16384x128xf32, #tpu.memory_space<hbm>>
    tpu.enqueue_indirect_dma source(%dma_start3A_76 : memref<16384x128xf32, #tpu.memory_space<hbm>>) target(%arg8 : memref<128x128xf32, #tpu.memory_space<vmem>>) offsets(%dma_start3A_69 : memref<128xi32, #tpu.memory_space<vmem>>) semaphore(%arg12 : memref<!tpu.dma_semaphore, #tpu.memory_space<semaphore_mem>>)
    %dma_wait3A_77 = arith.constant 128 : i32
    %dma_wait3A_78 = tpu.memref_slice %arg5[%dma_wait3A_77] : memref<1024xi32, #tpu.memory_space<vmem>> -> memref<128xi32, #tpu.memory_space<vmem>>
    %dma_wait3A_79 = arith.constant 0 : i32
    %dma_wait3A_80 = arith.constant 0 : i32
    %dma_wait3A_81 = tpu.memref_slice %arg2[%add3A_18, %dma_wait3A_79, %dma_wait3A_80] : memref<16x16384x128xf32, #tpu.memory_space<hbm>> -> memref<1x16384x128xf32, #tpu.memory_space<hbm>>
    %dma_wait3A_82 = tpu.memref_squeeze %dma_wait3A_81 : memref<1x16384x128xf32, #tpu.memory_space<hbm>> -> memref<16384x128xf32, #tpu.memory_space<hbm>>
    %dma_wait3A_83 = arith.constant 0 : i32
    %dma_wait3A_84 = arith.constant 0 : i32
    %dma_wait3A_85 = tpu.memref_slice %dma_wait3A_82[%dma_wait3A_83, %dma_wait3A_84] : memref<16384x128xf32, #tpu.memory_space<hbm>> -> memref<16384x128xf32, #tpu.memory_space<hbm>>
    tpu.wait_indirect_dma semaphore(%arg11 : memref<!tpu.dma_semaphore, #tpu.memory_space<semaphore_mem>>) src(%dma_wait3A_85 : memref<16384x128xf32, #tpu.memory_space<hbm>>) dst(%arg7 : memref<128x128xf32, #tpu.memory_space<vmem>>)
    %add3A_86 = arith.constant 128 : i32
    %add3A_87 = arith.addi %mul3A_34, %add3A_86 : i32
    %dma_start3A_88 = arith.constant 0 : i32
    %dma_start3A_89 = tpu.memref_slice %arg4[%select_n3A, %add3A_87, %dma_start3A_88] : memref<4x8192x128xf32, #tpu.memory_space<hbm>> -> memref<1x128x128xf32, #tpu.memory_space<hbm>>
    %dma_start3A_90 = tpu.memref_squeeze %dma_start3A_89 : memref<1x128x128xf32, #tpu.memory_space<hbm>> -> memref<128x128xf32, #tpu.memory_space<hbm>>
    %dma_start3A_91 = arith.constant 0 : i32
    %dma_start3A_92 = tpu.memref_slice %arg4[%select_n3A, %add3A_87, %dma_start3A_91] : memref<4x8192x128xf32, #tpu.memory_space<hbm>> -> memref<1x128x128xf32, #tpu.memory_space<hbm>>
    %dma_start3A_93 = tpu.memref_squeeze %dma_start3A_92 : memref<1x128x128xf32, #tpu.memory_space<hbm>> -> memref<128x128xf32, #tpu.memory_space<hbm>>
    tpu.enqueue_dma source(%arg7 : memref<128x128xf32, #tpu.memory_space<vmem>>) target(%dma_start3A_93 : memref<128x128xf32, #tpu.memory_space<hbm>>) target_semaphore(%arg15 : memref<!tpu.dma_semaphore, #tpu.memory_space<semaphore_mem>>)
    %dma_start3A_94 = arith.constant 384 : i32
    %dma_start3A_95 = tpu.memref_slice %arg5[%dma_start3A_94] : memref<1024xi32, #tpu.memory_space<vmem>> -> memref<128xi32, #tpu.memory_space<vmem>>
    %dma_start3A_96 = arith.constant 0 : i32
    %dma_start3A_97 = arith.constant 0 : i32
    %dma_start3A_98 = tpu.memref_slice %arg2[%add3A_18, %dma_start3A_96, %dma_start3A_97] : memref<16x16384x128xf32, #tpu.memory_space<hbm>> -> memref<1x16384x128xf32, #tpu.memory_space<hbm>>
    %dma_start3A_99 = tpu.memref_squeeze %dma_start3A_98 : memref<1x16384x128xf32, #tpu.memory_space<hbm>> -> memref<16384x128xf32, #tpu.memory_space<hbm>>
    %dma_start3A_100 = arith.constant 0 : i32
    %dma_start3A_101 = arith.constant 0 : i32
    %dma_start3A_102 = tpu.memref_slice %dma_start3A_99[%dma_start3A_100, %dma_start3A_101] : memref<16384x128xf32, #tpu.memory_space<hbm>> -> memref<16384x128xf32, #tpu.memory_space<hbm>>
    tpu.enqueue_indirect_dma source(%dma_start3A_102 : memref<16384x128xf32, #tpu.memory_space<hbm>>) target(%arg9 : memref<128x128xf32, #tpu.memory_space<vmem>>) offsets(%dma_start3A_95 : memref<128xi32, #tpu.memory_space<vmem>>) semaphore(%arg13 : memref<!tpu.dma_semaphore, #tpu.memory_space<semaphore_mem>>)
    %dma_wait3A_103 = arith.constant 256 : i32
    %dma_wait3A_104 = tpu.memref_slice %arg5[%dma_wait3A_103] : memref<1024xi32, #tpu.memory_space<vmem>> -> memref<128xi32, #tpu.memory_space<vmem>>
    %dma_wait3A_105 = arith.constant 0 : i32
    %dma_wait3A_106 = arith.constant 0 : i32
    %dma_wait3A_107 = tpu.memref_slice %arg2[%add3A_18, %dma_wait3A_105, %dma_wait3A_106] : memref<16x16384x128xf32, #tpu.memory_space<hbm>> -> memref<1x16384x128xf32, #tpu.memory_space<hbm>>
    %dma_wait3A_108 = tpu.memref_squeeze %dma_wait3A_107 : memref<1x16384x128xf32, #tpu.memory_space<hbm>> -> memref<16384x128xf32, #tpu.memory_space<hbm>>
    %dma_wait3A_109 = arith.constant 0 : i32
    %dma_wait3A_110 = arith.constant 0 : i32
    %dma_wait3A_111 = tpu.memref_slice %dma_wait3A_108[%dma_wait3A_109, %dma_wait3A_110] : memref<16384x128xf32, #tpu.memory_space<hbm>> -> memref<16384x128xf32, #tpu.memory_space<hbm>>
    tpu.wait_indirect_dma semaphore(%arg12 : memref<!tpu.dma_semaphore, #tpu.memory_space<semaphore_mem>>) src(%dma_wait3A_111 : memref<16384x128xf32, #tpu.memory_space<hbm>>) dst(%arg8 : memref<128x128xf32, #tpu.memory_space<vmem>>)
    %add3A_112 = arith.constant 256 : i32
    %add3A_113 = arith.addi %mul3A_34, %add3A_112 : i32
    %dma_start3A_114 = arith.constant 0 : i32
    %dma_start3A_115 = tpu.memref_slice %arg4[%select_n3A, %add3A_113, %dma_start3A_114] : memref<4x8192x128xf32, #tpu.memory_space<hbm>> -> memref<1x128x128xf32, #tpu.memory_space<hbm>>
    %dma_start3A_116 = tpu.memref_squeeze %dma_start3A_115 : memref<1x128x128xf32, #tpu.memory_space<hbm>> -> memref<128x128xf32, #tpu.memory_space<hbm>>
    %dma_start3A_117 = arith.constant 0 : i32
    %dma_start3A_118 = tpu.memref_slice %arg4[%select_n3A, %add3A_113, %dma_start3A_117] : memref<4x8192x128xf32, #tpu.memory_space<hbm>> -> memref<1x128x128xf32, #tpu.memory_space<hbm>>
    %dma_start3A_119 = tpu.memref_squeeze %dma_start3A_118 : memref<1x128x128xf32, #tpu.memory_space<hbm>> -> memref<128x128xf32, #tpu.memory_space<hbm>>
    tpu.enqueue_dma source(%arg8 : memref<128x128xf32, #tpu.memory_space<vmem>>) target(%dma_start3A_119 : memref<128x128xf32, #tpu.memory_space<hbm>>) target_semaphore(%arg16 : memref<!tpu.dma_semaphore, #tpu.memory_space<semaphore_mem>>)
    %dma_wait3A_120 = arith.constant 0 : i32
    %dma_wait3A_121 = tpu.memref_slice %arg4[%select_n3A, %add3A_61, %dma_wait3A_120] : memref<4x8192x128xf32, #tpu.memory_space<hbm>> -> memref<1x128x128xf32, #tpu.memory_space<hbm>>
    %dma_wait3A_122 = tpu.memref_squeeze %dma_wait3A_121 : memref<1x128x128xf32, #tpu.memory_space<hbm>> -> memref<128x128xf32, #tpu.memory_space<hbm>>
    %dma_wait3A_123 = arith.constant 0 : i32
    %dma_wait3A_124 = tpu.memref_slice %arg4[%select_n3A, %add3A_61, %dma_wait3A_123] : memref<4x8192x128xf32, #tpu.memory_space<hbm>> -> memref<1x128x128xf32, #tpu.memory_space<hbm>>
    %dma_wait3A_125 = tpu.memref_squeeze %dma_wait3A_124 : memref<1x128x128xf32, #tpu.memory_space<hbm>> -> memref<128x128xf32, #tpu.memory_space<hbm>>
    tpu.wait_dma2 semaphore(%arg14 : memref<!tpu.dma_semaphore, #tpu.memory_space<semaphore_mem>>) src(%arg6 : memref<128x128xf32, #tpu.memory_space<vmem>>) dst(%dma_wait3A_125 : memref<128x128xf32, #tpu.memory_space<hbm>>)
    %dma_start3A_126 = arith.constant 512 : i32
    %dma_start3A_127 = tpu.memref_slice %arg5[%dma_start3A_126] : memref<1024xi32, #tpu.memory_space<vmem>> -> memref<128xi32, #tpu.memory_space<vmem>>
    %dma_start3A_128 = arith.constant 0 : i32
    %dma_start3A_129 = arith.constant 0 : i32
    %dma_start3A_130 = tpu.memref_slice %arg2[%add3A_18, %dma_start3A_128, %dma_start3A_129] : memref<16x16384x128xf32, #tpu.memory_space<hbm>> -> memref<1x16384x128xf32, #tpu.memory_space<hbm>>
    %dma_start3A_131 = tpu.memref_squeeze %dma_start3A_130 : memref<1x16384x128xf32, #tpu.memory_space<hbm>> -> memref<16384x128xf32, #tpu.memory_space<hbm>>
    %dma_start3A_132 = arith.constant 0 : i32
    %dma_start3A_133 = arith.constant 0 : i32
    %dma_start3A_134 = tpu.memref_slice %dma_start3A_131[%dma_start3A_132, %dma_start3A_133] : memref<16384x128xf32, #tpu.memory_space<hbm>> -> memref<16384x128xf32, #tpu.memory_space<hbm>>
    tpu.enqueue_indirect_dma source(%dma_start3A_134 : memref<16384x128xf32, #tpu.memory_space<hbm>>) target(%arg6 : memref<128x128xf32, #tpu.memory_space<vmem>>) offsets(%dma_start3A_127 : memref<128xi32, #tpu.memory_space<vmem>>) semaphore(%arg10 : memref<!tpu.dma_semaphore, #tpu.memory_space<semaphore_mem>>)
    %dma_wait3A_135 = arith.constant 384 : i32
    %dma_wait3A_136 = tpu.memref_slice %arg5[%dma_wait3A_135] : memref<1024xi32, #tpu.memory_space<vmem>> -> memref<128xi32, #tpu.memory_space<vmem>>
    %dma_wait3A_137 = arith.constant 0 : i32
    %dma_wait3A_138 = arith.constant 0 : i32
    %dma_wait3A_139 = tpu.memref_slice %arg2[%add3A_18, %dma_wait3A_137, %dma_wait3A_138] : memref<16x16384x128xf32, #tpu.memory_space<hbm>> -> memref<1x16384x128xf32, #tpu.memory_space<hbm>>
    %dma_wait3A_140 = tpu.memref_squeeze %dma_wait3A_139 : memref<1x16384x128xf32, #tpu.memory_space<hbm>> -> memref<16384x128xf32, #tpu.memory_space<hbm>>
    %dma_wait3A_141 = arith.constant 0 : i32
    %dma_wait3A_142 = arith.constant 0 : i32
    %dma_wait3A_143 = tpu.memref_slice %dma_wait3A_140[%dma_wait3A_141, %dma_wait3A_142] : memref<16384x128xf32, #tpu.memory_space<hbm>> -> memref<16384x128xf32, #tpu.memory_space<hbm>>
    tpu.wait_indirect_dma semaphore(%arg13 : memref<!tpu.dma_semaphore, #tpu.memory_space<semaphore_mem>>) src(%dma_wait3A_143 : memref<16384x128xf32, #tpu.memory_space<hbm>>) dst(%arg9 : memref<128x128xf32, #tpu.memory_space<vmem>>)
    %add3A_144 = arith.constant 384 : i32
    %add3A_145 = arith.addi %mul3A_34, %add3A_144 : i32
    %dma_start3A_146 = arith.constant 0 : i32
    %dma_start3A_147 = tpu.memref_slice %arg4[%select_n3A, %add3A_145, %dma_start3A_146] : memref<4x8192x128xf32, #tpu.memory_space<hbm>> -> memref<1x128x128xf32, #tpu.memory_space<hbm>>
    %dma_start3A_148 = tpu.memref_squeeze %dma_start3A_147 : memref<1x128x128xf32, #tpu.memory_space<hbm>> -> memref<128x128xf32, #tpu.memory_space<hbm>>
    %dma_start3A_149 = arith.constant 0 : i32
    %dma_start3A_150 = tpu.memref_slice %arg4[%select_n3A, %add3A_145, %dma_start3A_149] : memref<4x8192x128xf32, #tpu.memory_space<hbm>> -> memref<1x128x128xf32, #tpu.memory_space<hbm>>
    %dma_start3A_151 = tpu.memref_squeeze %dma_start3A_150 : memref<1x128x128xf32, #tpu.memory_space<hbm>> -> memref<128x128xf32, #tpu.memory_space<hbm>>
    tpu.enqueue_dma source(%arg9 : memref<128x128xf32, #tpu.memory_space<vmem>>) target(%dma_start3A_151 : memref<128x128xf32, #tpu.memory_space<hbm>>) target_semaphore(%arg17 : memref<!tpu.dma_semaphore, #tpu.memory_space<semaphore_mem>>)
    %dma_wait3A_152 = arith.constant 0 : i32
    %dma_wait3A_153 = tpu.memref_slice %arg4[%select_n3A, %add3A_87, %dma_wait3A_152] : memref<4x8192x128xf32, #tpu.memory_space<hbm>> -> memref<1x128x128xf32, #tpu.memory_space<hbm>>
    %dma_wait3A_154 = tpu.memref_squeeze %dma_wait3A_153 : memref<1x128x128xf32, #tpu.memory_space<hbm>> -> memref<128x128xf32, #tpu.memory_space<hbm>>
    %dma_wait3A_155 = arith.constant 0 : i32
    %dma_wait3A_156 = tpu.memref_slice %arg4[%select_n3A, %add3A_87, %dma_wait3A_155] : memref<4x8192x128xf32, #tpu.memory_space<hbm>> -> memref<1x128x128xf32, #tpu.memory_space<hbm>>
    %dma_wait3A_157 = tpu.memref_squeeze %dma_wait3A_156 : memref<1x128x128xf32, #tpu.memory_space<hbm>> -> memref<128x128xf32, #tpu.memory_space<hbm>>
    tpu.wait_dma2 semaphore(%arg15 : memref<!tpu.dma_semaphore, #tpu.memory_space<semaphore_mem>>) src(%arg7 : memref<128x128xf32, #tpu.memory_space<vmem>>) dst(%dma_wait3A_157 : memref<128x128xf32, #tpu.memory_space<hbm>>)
    %dma_start3A_158 = arith.constant 640 : i32
    %dma_start3A_159 = tpu.memref_slice %arg5[%dma_start3A_158] : memref<1024xi32, #tpu.memory_space<vmem>> -> memref<128xi32, #tpu.memory_space<vmem>>
    %dma_start3A_160 = arith.constant 0 : i32
    %dma_start3A_161 = arith.constant 0 : i32
    %dma_start3A_162 = tpu.memref_slice %arg2[%add3A_18, %dma_start3A_160, %dma_start3A_161] : memref<16x16384x128xf32, #tpu.memory_space<hbm>> -> memref<1x16384x128xf32, #tpu.memory_space<hbm>>
    %dma_start3A_163 = tpu.memref_squeeze %dma_start3A_162 : memref<1x16384x128xf32, #tpu.memory_space<hbm>> -> memref<16384x128xf32, #tpu.memory_space<hbm>>
    %dma_start3A_164 = arith.constant 0 : i32
    %dma_start3A_165 = arith.constant 0 : i32
    %dma_start3A_166 = tpu.memref_slice %dma_start3A_163[%dma_start3A_164, %dma_start3A_165] : memref<16384x128xf32, #tpu.memory_space<hbm>> -> memref<16384x128xf32, #tpu.memory_space<hbm>>
    tpu.enqueue_indirect_dma source(%dma_start3A_166 : memref<16384x128xf32, #tpu.memory_space<hbm>>) target(%arg7 : memref<128x128xf32, #tpu.memory_space<vmem>>) offsets(%dma_start3A_159 : memref<128xi32, #tpu.memory_space<vmem>>) semaphore(%arg11 : memref<!tpu.dma_semaphore, #tpu.memory_space<semaphore_mem>>)
    %dma_wait3A_167 = arith.constant 512 : i32
    %dma_wait3A_168 = tpu.memref_slice %arg5[%dma_wait3A_167] : memref<1024xi32, #tpu.memory_space<vmem>> -> memref<128xi32, #tpu.memory_space<vmem>>
    %dma_wait3A_169 = arith.constant 0 : i32
    %dma_wait3A_170 = arith.constant 0 : i32
    %dma_wait3A_171 = tpu.memref_slice %arg2[%add3A_18, %dma_wait3A_169, %dma_wait3A_170] : memref<16x16384x128xf32, #tpu.memory_space<hbm>> -> memref<1x16384x128xf32, #tpu.memory_space<hbm>>
    %dma_wait3A_172 = tpu.memref_squeeze %dma_wait3A_171 : memref<1x16384x128xf32, #tpu.memory_space<hbm>> -> memref<16384x128xf32, #tpu.memory_space<hbm>>
    %dma_wait3A_173 = arith.constant 0 : i32
    %dma_wait3A_174 = arith.constant 0 : i32
    %dma_wait3A_175 = tpu.memref_slice %dma_wait3A_172[%dma_wait3A_173, %dma_wait3A_174] : memref<16384x128xf32, #tpu.memory_space<hbm>> -> memref<16384x128xf32, #tpu.memory_space<hbm>>
    tpu.wait_indirect_dma semaphore(%arg10 : memref<!tpu.dma_semaphore, #tpu.memory_space<semaphore_mem>>) src(%dma_wait3A_175 : memref<16384x128xf32, #tpu.memory_space<hbm>>) dst(%arg6 : memref<128x128xf32, #tpu.memory_space<vmem>>)
    %add3A_176 = arith.constant 512 : i32
    %add3A_177 = arith.addi %mul3A_34, %add3A_176 : i32
    %dma_start3A_178 = arith.constant 0 : i32
    %dma_start3A_179 = tpu.memref_slice %arg4[%select_n3A, %add3A_177, %dma_start3A_178] : memref<4x8192x128xf32, #tpu.memory_space<hbm>> -> memref<1x128x128xf32, #tpu.memory_space<hbm>>
    %dma_start3A_180 = tpu.memref_squeeze %dma_start3A_179 : memref<1x128x128xf32, #tpu.memory_space<hbm>> -> memref<128x128xf32, #tpu.memory_space<hbm>>
    %dma_start3A_181 = arith.constant 0 : i32
    %dma_start3A_182 = tpu.memref_slice %arg4[%select_n3A, %add3A_177, %dma_start3A_181] : memref<4x8192x128xf32, #tpu.memory_space<hbm>> -> memref<1x128x128xf32, #tpu.memory_space<hbm>>
    %dma_start3A_183 = tpu.memref_squeeze %dma_start3A_182 : memref<1x128x128xf32, #tpu.memory_space<hbm>> -> memref<128x128xf32, #tpu.memory_space<hbm>>
    tpu.enqueue_dma source(%arg6 : memref<128x128xf32, #tpu.memory_space<vmem>>) target(%dma_start3A_183 : memref<128x128xf32, #tpu.memory_space<hbm>>) target_semaphore(%arg14 : memref<!tpu.dma_semaphore, #tpu.memory_space<semaphore_mem>>)
    %dma_wait3A_184 = arith.constant 0 : i32
    %dma_wait3A_185 = tpu.memref_slice %arg4[%select_n3A, %add3A_113, %dma_wait3A_184] : memref<4x8192x128xf32, #tpu.memory_space<hbm>> -> memref<1x128x128xf32, #tpu.memory_space<hbm>>
    %dma_wait3A_186 = tpu.memref_squeeze %dma_wait3A_185 : memref<1x128x128xf32, #tpu.memory_space<hbm>> -> memref<128x128xf32, #tpu.memory_space<hbm>>
    %dma_wait3A_187 = arith.constant 0 : i32
    %dma_wait3A_188 = tpu.memref_slice %arg4[%select_n3A, %add3A_113, %dma_wait3A_187] : memref<4x8192x128xf32, #tpu.memory_space<hbm>> -> memref<1x128x128xf32, #tpu.memory_space<hbm>>
    %dma_wait3A_189 = tpu.memref_squeeze %dma_wait3A_188 : memref<1x128x128xf32, #tpu.memory_space<hbm>> -> memref<128x128xf32, #tpu.memory_space<hbm>>
    tpu.wait_dma2 semaphore(%arg16 : memref<!tpu.dma_semaphore, #tpu.memory_space<semaphore_mem>>) src(%arg8 : memref<128x128xf32, #tpu.memory_space<vmem>>) dst(%dma_wait3A_189 : memref<128x128xf32, #tpu.memory_space<hbm>>)
    %dma_start3A_190 = arith.constant 768 : i32
    %dma_start3A_191 = tpu.memref_slice %arg5[%dma_start3A_190] : memref<1024xi32, #tpu.memory_space<vmem>> -> memref<128xi32, #tpu.memory_space<vmem>>
    %dma_start3A_192 = arith.constant 0 : i32
    %dma_start3A_193 = arith.constant 0 : i32
    %dma_start3A_194 = tpu.memref_slice %arg2[%add3A_18, %dma_start3A_192, %dma_start3A_193] : memref<16x16384x128xf32, #tpu.memory_space<hbm>> -> memref<1x16384x128xf32, #tpu.memory_space<hbm>>
    %dma_start3A_195 = tpu.memref_squeeze %dma_start3A_194 : memref<1x16384x128xf32, #tpu.memory_space<hbm>> -> memref<16384x128xf32, #tpu.memory_space<hbm>>
    %dma_start3A_196 = arith.constant 0 : i32
    %dma_start3A_197 = arith.constant 0 : i32
    %dma_start3A_198 = tpu.memref_slice %dma_start3A_195[%dma_start3A_196, %dma_start3A_197] : memref<16384x128xf32, #tpu.memory_space<hbm>> -> memref<16384x128xf32, #tpu.memory_space<hbm>>
    tpu.enqueue_indirect_dma source(%dma_start3A_198 : memref<16384x128xf32, #tpu.memory_space<hbm>>) target(%arg8 : memref<128x128xf32, #tpu.memory_space<vmem>>) offsets(%dma_start3A_191 : memref<128xi32, #tpu.memory_space<vmem>>) semaphore(%arg12 : memref<!tpu.dma_semaphore, #tpu.memory_space<semaphore_mem>>)
    %dma_wait3A_199 = arith.constant 640 : i32
    %dma_wait3A_200 = tpu.memref_slice %arg5[%dma_wait3A_199] : memref<1024xi32, #tpu.memory_space<vmem>> -> memref<128xi32, #tpu.memory_space<vmem>>
    %dma_wait3A_201 = arith.constant 0 : i32
    %dma_wait3A_202 = arith.constant 0 : i32
    %dma_wait3A_203 = tpu.memref_slice %arg2[%add3A_18, %dma_wait3A_201, %dma_wait3A_202] : memref<16x16384x128xf32, #tpu.memory_space<hbm>> -> memref<1x16384x128xf32, #tpu.memory_space<hbm>>
    %dma_wait3A_204 = tpu.memref_squeeze %dma_wait3A_203 : memref<1x16384x128xf32, #tpu.memory_space<hbm>> -> memref<16384x128xf32, #tpu.memory_space<hbm>>
    %dma_wait3A_205 = arith.constant 0 : i32
    %dma_wait3A_206 = arith.constant 0 : i32
    %dma_wait3A_207 = tpu.memref_slice %dma_wait3A_204[%dma_wait3A_205, %dma_wait3A_206] : memref<16384x128xf32, #tpu.memory_space<hbm>> -> memref<16384x128xf32, #tpu.memory_space<hbm>>
    tpu.wait_indirect_dma semaphore(%arg11 : memref<!tpu.dma_semaphore, #tpu.memory_space<semaphore_mem>>) src(%dma_wait3A_207 : memref<16384x128xf32, #tpu.memory_space<hbm>>) dst(%arg7 : memref<128x128xf32, #tpu.memory_space<vmem>>)
    %add3A_208 = arith.constant 640 : i32
    %add3A_209 = arith.addi %mul3A_34, %add3A_208 : i32
    %dma_start3A_210 = arith.constant 0 : i32
    %dma_start3A_211 = tpu.memref_slice %arg4[%select_n3A, %add3A_209, %dma_start3A_210] : memref<4x8192x128xf32, #tpu.memory_space<hbm>> -> memref<1x128x128xf32, #tpu.memory_space<hbm>>
    %dma_start3A_212 = tpu.memref_squeeze %dma_start3A_211 : memref<1x128x128xf32, #tpu.memory_space<hbm>> -> memref<128x128xf32, #tpu.memory_space<hbm>>
    %dma_start3A_213 = arith.constant 0 : i32
    %dma_start3A_214 = tpu.memref_slice %arg4[%select_n3A, %add3A_209, %dma_start3A_213] : memref<4x8192x128xf32, #tpu.memory_space<hbm>> -> memref<1x128x128xf32, #tpu.memory_space<hbm>>
    %dma_start3A_215 = tpu.memref_squeeze %dma_start3A_214 : memref<1x128x128xf32, #tpu.memory_space<hbm>> -> memref<128x128xf32, #tpu.memory_space<hbm>>
    tpu.enqueue_dma source(%arg7 : memref<128x128xf32, #tpu.memory_space<vmem>>) target(%dma_start3A_215 : memref<128x128xf32, #tpu.memory_space<hbm>>) target_semaphore(%arg15 : memref<!tpu.dma_semaphore, #tpu.memory_space<semaphore_mem>>)
    %dma_wait3A_216 = arith.constant 0 : i32
    %dma_wait3A_217 = tpu.memref_slice %arg4[%select_n3A, %add3A_145, %dma_wait3A_216] : memref<4x8192x128xf32, #tpu.memory_space<hbm>> -> memref<1x128x128xf32, #tpu.memory_space<hbm>>
    %dma_wait3A_218 = tpu.memref_squeeze %dma_wait3A_217 : memref<1x128x128xf32, #tpu.memory_space<hbm>> -> memref<128x128xf32, #tpu.memory_space<hbm>>
    %dma_wait3A_219 = arith.constant 0 : i32
    %dma_wait3A_220 = tpu.memref_slice %arg4[%select_n3A, %add3A_145, %dma_wait3A_219] : memref<4x8192x128xf32, #tpu.memory_space<hbm>> -> memref<1x128x128xf32, #tpu.memory_space<hbm>>
    %dma_wait3A_221 = tpu.memref_squeeze %dma_wait3A_220 : memref<1x128x128xf32, #tpu.memory_space<hbm>> -> memref<128x128xf32, #tpu.memory_space<hbm>>
    tpu.wait_dma2 semaphore(%arg17 : memref<!tpu.dma_semaphore, #tpu.memory_space<semaphore_mem>>) src(%arg9 : memref<128x128xf32, #tpu.memory_space<vmem>>) dst(%dma_wait3A_221 : memref<128x128xf32, #tpu.memory_space<hbm>>)
    %dma_start3A_222 = arith.constant 896 : i32
    %dma_start3A_223 = tpu.memref_slice %arg5[%dma_start3A_222] : memref<1024xi32, #tpu.memory_space<vmem>> -> memref<128xi32, #tpu.memory_space<vmem>>
    %dma_start3A_224 = arith.constant 0 : i32
    %dma_start3A_225 = arith.constant 0 : i32
    %dma_start3A_226 = tpu.memref_slice %arg2[%add3A_18, %dma_start3A_224, %dma_start3A_225] : memref<16x16384x128xf32, #tpu.memory_space<hbm>> -> memref<1x16384x128xf32, #tpu.memory_space<hbm>>
    %dma_start3A_227 = tpu.memref_squeeze %dma_start3A_226 : memref<1x16384x128xf32, #tpu.memory_space<hbm>> -> memref<16384x128xf32, #tpu.memory_space<hbm>>
    %dma_start3A_228 = arith.constant 0 : i32
    %dma_start3A_229 = arith.constant 0 : i32
    %dma_start3A_230 = tpu.memref_slice %dma_start3A_227[%dma_start3A_228, %dma_start3A_229] : memref<16384x128xf32, #tpu.memory_space<hbm>> -> memref<16384x128xf32, #tpu.memory_space<hbm>>
    tpu.enqueue_indirect_dma source(%dma_start3A_230 : memref<16384x128xf32, #tpu.memory_space<hbm>>) target(%arg9 : memref<128x128xf32, #tpu.memory_space<vmem>>) offsets(%dma_start3A_223 : memref<128xi32, #tpu.memory_space<vmem>>) semaphore(%arg13 : memref<!tpu.dma_semaphore, #tpu.memory_space<semaphore_mem>>)
    %dma_wait3A_231 = arith.constant 768 : i32
    %dma_wait3A_232 = tpu.memref_slice %arg5[%dma_wait3A_231] : memref<1024xi32, #tpu.memory_space<vmem>> -> memref<128xi32, #tpu.memory_space<vmem>>
    %dma_wait3A_233 = arith.constant 0 : i32
    %dma_wait3A_234 = arith.constant 0 : i32
    %dma_wait3A_235 = tpu.memref_slice %arg2[%add3A_18, %dma_wait3A_233, %dma_wait3A_234] : memref<16x16384x128xf32, #tpu.memory_space<hbm>> -> memref<1x16384x128xf32, #tpu.memory_space<hbm>>
    %dma_wait3A_236 = tpu.memref_squeeze %dma_wait3A_235 : memref<1x16384x128xf32, #tpu.memory_space<hbm>> -> memref<16384x128xf32, #tpu.memory_space<hbm>>
    %dma_wait3A_237 = arith.constant 0 : i32
    %dma_wait3A_238 = arith.constant 0 : i32
    %dma_wait3A_239 = tpu.memref_slice %dma_wait3A_236[%dma_wait3A_237, %dma_wait3A_238] : memref<16384x128xf32, #tpu.memory_space<hbm>> -> memref<16384x128xf32, #tpu.memory_space<hbm>>
    tpu.wait_indirect_dma semaphore(%arg12 : memref<!tpu.dma_semaphore, #tpu.memory_space<semaphore_mem>>) src(%dma_wait3A_239 : memref<16384x128xf32, #tpu.memory_space<hbm>>) dst(%arg8 : memref<128x128xf32, #tpu.memory_space<vmem>>)
    %add3A_240 = arith.constant 768 : i32
    %add3A_241 = arith.addi %mul3A_34, %add3A_240 : i32
    %dma_start3A_242 = arith.constant 0 : i32
    %dma_start3A_243 = tpu.memref_slice %arg4[%select_n3A, %add3A_241, %dma_start3A_242] : memref<4x8192x128xf32, #tpu.memory_space<hbm>> -> memref<1x128x128xf32, #tpu.memory_space<hbm>>
    %dma_start3A_244 = tpu.memref_squeeze %dma_start3A_243 : memref<1x128x128xf32, #tpu.memory_space<hbm>> -> memref<128x128xf32, #tpu.memory_space<hbm>>
    %dma_start3A_245 = arith.constant 0 : i32
    %dma_start3A_246 = tpu.memref_slice %arg4[%select_n3A, %add3A_241, %dma_start3A_245] : memref<4x8192x128xf32, #tpu.memory_space<hbm>> -> memref<1x128x128xf32, #tpu.memory_space<hbm>>
    %dma_start3A_247 = tpu.memref_squeeze %dma_start3A_246 : memref<1x128x128xf32, #tpu.memory_space<hbm>> -> memref<128x128xf32, #tpu.memory_space<hbm>>
    tpu.enqueue_dma source(%arg8 : memref<128x128xf32, #tpu.memory_space<vmem>>) target(%dma_start3A_247 : memref<128x128xf32, #tpu.memory_space<hbm>>) target_semaphore(%arg16 : memref<!tpu.dma_semaphore, #tpu.memory_space<semaphore_mem>>)
    %dma_wait3A_248 = arith.constant 896 : i32
    %dma_wait3A_249 = tpu.memref_slice %arg5[%dma_wait3A_248] : memref<1024xi32, #tpu.memory_space<vmem>> -> memref<128xi32, #tpu.memory_space<vmem>>
    %dma_wait3A_250 = arith.constant 0 : i32
    %dma_wait3A_251 = arith.constant 0 : i32
    %dma_wait3A_252 = tpu.memref_slice %arg2[%add3A_18, %dma_wait3A_250, %dma_wait3A_251] : memref<16x16384x128xf32, #tpu.memory_space<hbm>> -> memref<1x16384x128xf32, #tpu.memory_space<hbm>>
    %dma_wait3A_253 = tpu.memref_squeeze %dma_wait3A_252 : memref<1x16384x128xf32, #tpu.memory_space<hbm>> -> memref<16384x128xf32, #tpu.memory_space<hbm>>
    %dma_wait3A_254 = arith.constant 0 : i32
    %dma_wait3A_255 = arith.constant 0 : i32
    %dma_wait3A_256 = tpu.memref_slice %dma_wait3A_253[%dma_wait3A_254, %dma_wait3A_255] : memref<16384x128xf32, #tpu.memory_space<hbm>> -> memref<16384x128xf32, #tpu.memory_space<hbm>>
    tpu.wait_indirect_dma semaphore(%arg13 : memref<!tpu.dma_semaphore, #tpu.memory_space<semaphore_mem>>) src(%dma_wait3A_256 : memref<16384x128xf32, #tpu.memory_space<hbm>>) dst(%arg9 : memref<128x128xf32, #tpu.memory_space<vmem>>)
    %add3A_257 = arith.constant 896 : i32
    %add3A_258 = arith.addi %mul3A_34, %add3A_257 : i32
    %dma_start3A_259 = arith.constant 0 : i32
    %dma_start3A_260 = tpu.memref_slice %arg4[%select_n3A, %add3A_258, %dma_start3A_259] : memref<4x8192x128xf32, #tpu.memory_space<hbm>> -> memref<1x128x128xf32, #tpu.memory_space<hbm>>
    %dma_start3A_261 = tpu.memref_squeeze %dma_start3A_260 : memref<1x128x128xf32, #tpu.memory_space<hbm>> -> memref<128x128xf32, #tpu.memory_space<hbm>>
    %dma_start3A_262 = arith.constant 0 : i32
    %dma_start3A_263 = tpu.memref_slice %arg4[%select_n3A, %add3A_258, %dma_start3A_262] : memref<4x8192x128xf32, #tpu.memory_space<hbm>> -> memref<1x128x128xf32, #tpu.memory_space<hbm>>
    %dma_start3A_264 = tpu.memref_squeeze %dma_start3A_263 : memref<1x128x128xf32, #tpu.memory_space<hbm>> -> memref<128x128xf32, #tpu.memory_space<hbm>>
    tpu.enqueue_dma source(%arg9 : memref<128x128xf32, #tpu.memory_space<vmem>>) target(%dma_start3A_264 : memref<128x128xf32, #tpu.memory_space<hbm>>) target_semaphore(%arg17 : memref<!tpu.dma_semaphore, #tpu.memory_space<semaphore_mem>>)
    %dma_wait3A_265 = arith.constant 0 : i32
    %dma_wait3A_266 = tpu.memref_slice %arg4[%select_n3A, %add3A_177, %dma_wait3A_265] : memref<4x8192x128xf32, #tpu.memory_space<hbm>> -> memref<1x128x128xf32, #tpu.memory_space<hbm>>
    %dma_wait3A_267 = tpu.memref_squeeze %dma_wait3A_266 : memref<1x128x128xf32, #tpu.memory_space<hbm>> -> memref<128x128xf32, #tpu.memory_space<hbm>>
    %dma_wait3A_268 = arith.constant 0 : i32
    %dma_wait3A_269 = tpu.memref_slice %arg4[%select_n3A, %add3A_177, %dma_wait3A_268] : memref<4x8192x128xf32, #tpu.memory_space<hbm>> -> memref<1x128x128xf32, #tpu.memory_space<hbm>>
    %dma_wait3A_270 = tpu.memref_squeeze %dma_wait3A_269 : memref<1x128x128xf32, #tpu.memory_space<hbm>> -> memref<128x128xf32, #tpu.memory_space<hbm>>
    tpu.wait_dma2 semaphore(%arg14 : memref<!tpu.dma_semaphore, #tpu.memory_space<semaphore_mem>>) src(%arg6 : memref<128x128xf32, #tpu.memory_space<vmem>>) dst(%dma_wait3A_270 : memref<128x128xf32, #tpu.memory_space<hbm>>)
    %dma_wait3A_271 = arith.constant 0 : i32
    %dma_wait3A_272 = tpu.memref_slice %arg4[%select_n3A, %add3A_209, %dma_wait3A_271] : memref<4x8192x128xf32, #tpu.memory_space<hbm>> -> memref<1x128x128xf32, #tpu.memory_space<hbm>>
    %dma_wait3A_273 = tpu.memref_squeeze %dma_wait3A_272 : memref<1x128x128xf32, #tpu.memory_space<hbm>> -> memref<128x128xf32, #tpu.memory_space<hbm>>
    %dma_wait3A_274 = arith.constant 0 : i32
    %dma_wait3A_275 = tpu.memref_slice %arg4[%select_n3A, %add3A_209, %dma_wait3A_274] : memref<4x8192x128xf32, #tpu.memory_space<hbm>> -> memref<1x128x128xf32, #tpu.memory_space<hbm>>
    %dma_wait3A_276 = tpu.memref_squeeze %dma_wait3A_275 : memref<1x128x128xf32, #tpu.memory_space<hbm>> -> memref<128x128xf32, #tpu.memory_space<hbm>>
    tpu.wait_dma2 semaphore(%arg15 : memref<!tpu.dma_semaphore, #tpu.memory_space<semaphore_mem>>) src(%arg7 : memref<128x128xf32, #tpu.memory_space<vmem>>) dst(%dma_wait3A_276 : memref<128x128xf32, #tpu.memory_space<hbm>>)
    %dma_wait3A_277 = arith.constant 0 : i32
    %dma_wait3A_278 = tpu.memref_slice %arg4[%select_n3A, %add3A_241, %dma_wait3A_277] : memref<4x8192x128xf32, #tpu.memory_space<hbm>> -> memref<1x128x128xf32, #tpu.memory_space<hbm>>
    %dma_wait3A_279 = tpu.memref_squeeze %dma_wait3A_278 : memref<1x128x128xf32, #tpu.memory_space<hbm>> -> memref<128x128xf32, #tpu.memory_space<hbm>>
    %dma_wait3A_280 = arith.constant 0 : i32
    %dma_wait3A_281 = tpu.memref_slice %arg4[%select_n3A, %add3A_241, %dma_wait3A_280] : memref<4x8192x128xf32, #tpu.memory_space<hbm>> -> memref<1x128x128xf32, #tpu.memory_space<hbm>>
    %dma_wait3A_282 = tpu.memref_squeeze %dma_wait3A_281 : memref<1x128x128xf32, #tpu.memory_space<hbm>> -> memref<128x128xf32, #tpu.memory_space<hbm>>
    tpu.wait_dma2 semaphore(%arg16 : memref<!tpu.dma_semaphore, #tpu.memory_space<semaphore_mem>>) src(%arg8 : memref<128x128xf32, #tpu.memory_space<vmem>>) dst(%dma_wait3A_282 : memref<128x128xf32, #tpu.memory_space<hbm>>)
    %dma_wait3A_283 = arith.constant 0 : i32
    %dma_wait3A_284 = tpu.memref_slice %arg4[%select_n3A, %add3A_258, %dma_wait3A_283] : memref<4x8192x128xf32, #tpu.memory_space<hbm>> -> memref<1x128x128xf32, #tpu.memory_space<hbm>>
    %dma_wait3A_285 = tpu.memref_squeeze %dma_wait3A_284 : memref<1x128x128xf32, #tpu.memory_space<hbm>> -> memref<128x128xf32, #tpu.memory_space<hbm>>
    %dma_wait3A_286 = arith.constant 0 : i32
    %dma_wait3A_287 = tpu.memref_slice %arg4[%select_n3A, %add3A_258, %dma_wait3A_286] : memref<4x8192x128xf32, #tpu.memory_space<hbm>> -> memref<1x128x128xf32, #tpu.memory_space<hbm>>
    %dma_wait3A_288 = tpu.memref_squeeze %dma_wait3A_287 : memref<1x128x128xf32, #tpu.memory_space<hbm>> -> memref<128x128xf32, #tpu.memory_space<hbm>>
    tpu.wait_dma2 semaphore(%arg17 : memref<!tpu.dma_semaphore, #tpu.memory_space<semaphore_mem>>) src(%arg9 : memref<128x128xf32, #tpu.memory_space<vmem>>) dst(%dma_wait3A_288 : memref<128x128xf32, #tpu.memory_space<hbm>>)
    return
  }
}

#map = affine_map<(d0, d1) -> (0, 0, 0)>
#map1 = affine_map<(d0, d1) -> (0, 0)>
module attributes {stable_mosaic.version = 14 : i64} {
  func.func @gather(%arg0: i32, %arg1: i32, %arg2: memref<16x16384x128xf32, #tpu.memory_space<hbm>>, %arg3: memref<16x8192xi32, #tpu.memory_space<hbm>>, %arg4: memref<4x8192x128xf32, #tpu.memory_space<hbm>>, %arg5: memref<1024xi32, #tpu.memory_space<vmem>>, %arg6: memref<128x128xf32, #tpu.memory_space<vmem>>, %arg7: memref<128x128xf32, #tpu.memory_space<vmem>>, %arg8: memref<128x128xf32, #tpu.memory_space<vmem>>, %arg9: memref<128x128xf32, #tpu.memory_space<vmem>>, %arg10: memref<!tpu.dma_semaphore, #tpu.memory_space<semaphore_mem>>, %arg11: memref<!tpu.dma_semaphore, #tpu.memory_space<semaphore_mem>>, %arg12: memref<!tpu.dma_semaphore, #tpu.memory_space<semaphore_mem>>, %arg13: memref<!tpu.dma_semaphore, #tpu.memory_space<semaphore_mem>>, %arg14: memref<!tpu.dma_semaphore, #tpu.memory_space<semaphore_mem>>, %arg15: memref<!tpu.dma_semaphore, #tpu.memory_space<semaphore_mem>>, %arg16: memref<!tpu.dma_semaphore, #tpu.memory_space<semaphore_mem>>, %arg17: memref<!tpu.dma_semaphore, #tpu.memory_space<semaphore_mem>>) attributes {dimension_semantics = [#tpu.dimension_semantics<core_parallel>, #tpu.dimension_semantics<subcore_parallel>], iteration_bounds = array<i64: 2, 16>, scalar_prefetch = 0 : i64, scratch_operands = 13 : i64, tpu.core_type = #tpu.core_type<sc_vector_subcore>, window_params = [{transform_indices = #map}, {transform_indices = #map1}, {transform_indices = #map}]} {
    %mul3A = arith.constant 2 : i32
    %mul3A_0 = arith.muli %arg1, %mul3A : i32
    %add3A = arith.addi %mul3A_0, %arg0 : i32
    %jit3A = arith.constant 8 : i32
    %div3A = arith.divsi %add3A, %jit3A : i32
    %sign3A = arith.constant 0 : i32
    %sign3A_1 = arith.cmpi sgt, %add3A, %sign3A : i32
    %sign3A_2 = arith.extui %sign3A_1 : i1 to i32
    %sign3A_3 = arith.constant 0 : i32
    %sign3A_4 = arith.cmpi slt, %add3A, %sign3A_3 : i32
    %sign3A_5 = arith.extui %sign3A_4 : i1 to i32
    %sign3A_6 = arith.subi %sign3A_2, %sign3A_5 : i32
    %sign3A_7 = arith.constant 0 : i32
    %sign3A_8 = arith.cmpi sgt, %jit3A, %sign3A_7 : i32
    %sign3A_9 = arith.extui %sign3A_8 : i1 to i32
    %sign3A_10 = arith.constant 0 : i32
    %sign3A_11 = arith.cmpi slt, %jit3A, %sign3A_10 : i32
    %sign3A_12 = arith.extui %sign3A_11 : i1 to i32
    %sign3A_13 = arith.subi %sign3A_9, %sign3A_12 : i32
    %ne3A = arith.cmpi ne, %sign3A_6, %sign3A_13 : i32
    %rem3A = arith.remsi %add3A, %jit3A : i32
    %ne3A_14 = arith.constant 0 : i32
    %ne3A_15 = arith.cmpi ne, %rem3A, %ne3A_14 : i32
    %and3A = arith.andi %ne3A, %ne3A_15 : i1
    %sub3A = arith.constant 1 : i32
    %sub3A_16 = arith.subi %div3A, %sub3A : i32
    %select_n3A = arith.select %and3A, %sub3A_16, %div3A : i32
    %add3A_17 = arith.constant 12 : i32
    %add3A_18 = arith.addi %add3A_17, %select_n3A : i32
    %jit3A_19 = arith.constant 8 : i32
    %eq3A = arith.constant 0 : i32
    %eq3A_20 = arith.cmpi eq, %jit3A_19, %eq3A : i32
    %jit3A_21 = arith.constant 1 : i32
    %select_n3A_22 = arith.select %eq3A_20, %jit3A_21, %jit3A_19 : i32
    %rem3A_23 = arith.remsi %add3A, %select_n3A_22 : i32
    %ne3A_24 = arith.constant 0 : i32
    %ne3A_25 = arith.cmpi ne, %rem3A_23, %ne3A_24 : i32
    %lt3A = arith.constant 0 : i32
    %lt3A_26 = arith.cmpi slt, %rem3A_23, %lt3A : i32
    %lt3A_27 = arith.constant 0 : i32
    %lt3A_28 = arith.cmpi slt, %select_n3A_22, %lt3A_27 : i32
    %ne3A_29 = arith.xori %lt3A_26, %lt3A_28 : i1
    %and3A_30 = arith.andi %ne3A_29, %ne3A_25 : i1
    %add3A_31 = arith.addi %rem3A_23, %select_n3A_22 : i32
    %select_n3A_32 = arith.select %and3A_30, %add3A_31, %rem3A_23 : i32
    %mul3A_33 = arith.constant 1024 : i32
    %mul3A_34 = arith.muli %select_n3A_32, %mul3A_33 : i32
    "tpu.region"() ({
      %run_scoped3A = tpu.sem_alloc : memref<!tpu.dma_semaphore, #tpu.memory_space<semaphore_mem>>
      %dma_start3A_289 = tpu.memref_slice %arg3[%add3A_18, %mul3A_34] : memref<16x8192xi32, #tpu.memory_space<hbm>> -> memref<1x1024xi32, #tpu.memory_space<hbm>>
      %dma_start3A_290 = tpu.memref_squeeze %dma_start3A_289 : memref<1x1024xi32, #tpu.memory_space<hbm>> -> memref<1024xi32, #tpu.memory_space<hbm>>
      %dma_start3A_291 = tpu.memref_slice %arg3[%add3A_18, %mul3A_34] : memref<16x8192xi32, #tpu.memory_space<hbm>> -> memref<1x1024xi32, #tpu.memory_space<hbm>>
      %dma_start3A_292 = tpu.memref_squeeze %dma_start3A_291 : memref<1x1024xi32, #tpu.memory_space<hbm>> -> memref<1024xi32, #tpu.memory_space<hbm>>
      tpu.enqueue_dma source(%dma_start3A_292 : memref<1024xi32, #tpu.memory_space<hbm>>) target(%arg5 : memref<1024xi32, #tpu.memory_space<vmem>>) target_semaphore(%run_scoped3A : memref<!tpu.dma_semaphore, #tpu.memory_space<semaphore_mem>>)
      %dma_wait3A_293 = tpu.memref_slice %arg3[%add3A_18, %mul3A_34] : memref<16x8192xi32, #tpu.memory_space<hbm>> -> memref<1x1024xi32, #tpu.memory_space<hbm>>
      %dma_wait3A_294 = tpu.memref_squeeze %dma_wait3A_293 : memref<1x1024xi32, #tpu.memory_space<hbm>> -> memref<1024xi32, #tpu.memory_space<hbm>>
      %dma_wait3A_295 = tpu.memref_slice %arg3[%add3A_18, %mul3A_34] : memref<16x8192xi32, #tpu.memory_space<hbm>> -> memref<1x1024xi32, #tpu.memory_space<hbm>>
      %dma_wait3A_296 = tpu.memref_squeeze %dma_wait3A_295 : memref<1x1024xi32, #tpu.memory_space<hbm>> -> memref<1024xi32, #tpu.memory_space<hbm>>
      tpu.wait_dma2 semaphore(%run_scoped3A : memref<!tpu.dma_semaphore, #tpu.memory_space<semaphore_mem>>) src(%dma_wait3A_296 : memref<1024xi32, #tpu.memory_space<hbm>>) dst(%arg5 : memref<1024xi32, #tpu.memory_space<vmem>>)
      tpu.yield
    }) : () -> ()
    %dma_start3A = arith.constant 0 : i32
    %dma_start3A_35 = tpu.memref_slice %arg5[%dma_start3A] : memref<1024xi32, #tpu.memory_space<vmem>> -> memref<128xi32, #tpu.memory_space<vmem>>
    %dma_start3A_36 = arith.constant 0 : i32
    %dma_start3A_37 = arith.constant 0 : i32
    %dma_start3A_38 = tpu.memref_slice %arg2[%add3A_18, %dma_start3A_36, %dma_start3A_37] : memref<16x16384x128xf32, #tpu.memory_space<hbm>> -> memref<1x16384x128xf32, #tpu.memory_space<hbm>>
    %dma_start3A_39 = tpu.memref_squeeze %dma_start3A_38 : memref<1x16384x128xf32, #tpu.memory_space<hbm>> -> memref<16384x128xf32, #tpu.memory_space<hbm>>
    %dma_start3A_40 = arith.constant 0 : i32
    %dma_start3A_41 = arith.constant 0 : i32
    %dma_start3A_42 = tpu.memref_slice %dma_start3A_39[%dma_start3A_40, %dma_start3A_41] : memref<16384x128xf32, #tpu.memory_space<hbm>> -> memref<16384x128xf32, #tpu.memory_space<hbm>>
    tpu.enqueue_indirect_dma source(%dma_start3A_42 : memref<16384x128xf32, #tpu.memory_space<hbm>>) target(%arg6 : memref<128x128xf32, #tpu.memory_space<vmem>>) offsets(%dma_start3A_35 : memref<128xi32, #tpu.memory_space<vmem>>) semaphore(%arg10 : memref<!tpu.dma_semaphore, #tpu.memory_space<semaphore_mem>>)
    %dma_start3A_43 = arith.constant 128 : i32
    %dma_start3A_44 = tpu.memref_slice %arg5[%dma_start3A_43] : memref<1024xi32, #tpu.memory_space<vmem>> -> memref<128xi32, #tpu.memory_space<vmem>>
    %dma_start3A_45 = arith.constant 0 : i32
    %dma_start3A_46 = arith.constant 0 : i32
    %dma_start3A_47 = tpu.memref_slice %arg2[%add3A_18, %dma_start3A_45, %dma_start3A_46] : memref<16x16384x128xf32, #tpu.memory_space<hbm>> -> memref<1x16384x128xf32, #tpu.memory_space<hbm>>
    %dma_start3A_48 = tpu.memref_squeeze %dma_start3A_47 : memref<1x16384x128xf32, #tpu.memory_space<hbm>> -> memref<16384x128xf32, #tpu.memory_space<hbm>>
    %dma_start3A_49 = arith.constant 0 : i32
    %dma_start3A_50 = arith.constant 0 : i32
    %dma_start3A_51 = tpu.memref_slice %dma_start3A_48[%dma_start3A_49, %dma_start3A_50] : memref<16384x128xf32, #tpu.memory_space<hbm>> -> memref<16384x128xf32, #tpu.memory_space<hbm>>
    tpu.enqueue_indirect_dma source(%dma_start3A_51 : memref<16384x128xf32, #tpu.memory_space<hbm>>) target(%arg7 : memref<128x128xf32, #tpu.memory_space<vmem>>) offsets(%dma_start3A_44 : memref<128xi32, #tpu.memory_space<vmem>>) semaphore(%arg11 : memref<!tpu.dma_semaphore, #tpu.memory_space<semaphore_mem>>)
    %dma_wait3A = arith.constant 0 : i32
    %dma_wait3A_52 = tpu.memref_slice %arg5[%dma_wait3A] : memref<1024xi32, #tpu.memory_space<vmem>> -> memref<128xi32, #tpu.memory_space<vmem>>
    %dma_wait3A_53 = arith.constant 0 : i32
    %dma_wait3A_54 = arith.constant 0 : i32
    %dma_wait3A_55 = tpu.memref_slice %arg2[%add3A_18, %dma_wait3A_53, %dma_wait3A_54] : memref<16x16384x128xf32, #tpu.memory_space<hbm>> -> memref<1x16384x128xf32, #tpu.memory_space<hbm>>
    %dma_wait3A_56 = tpu.memref_squeeze %dma_wait3A_55 : memref<1x16384x128xf32, #tpu.memory_space<hbm>> -> memref<16384x128xf32, #tpu.memory_space<hbm>>
    %dma_wait3A_57 = arith.constant 0 : i32
    %dma_wait3A_58 = arith.constant 0 : i32
    %dma_wait3A_59 = tpu.memref_slice %dma_wait3A_56[%dma_wait3A_57, %dma_wait3A_58] : memref<16384x128xf32, #tpu.memory_space<hbm>> -> memref<16384x128xf32, #tpu.memory_space<hbm>>
    tpu.wait_indirect_dma semaphore(%arg10 : memref<!tpu.dma_semaphore, #tpu.memory_space<semaphore_mem>>) src(%dma_wait3A_59 : memref<16384x128xf32, #tpu.memory_space<hbm>>) dst(%arg6 : memref<128x128xf32, #tpu.memory_space<vmem>>)
    %add3A_60 = arith.constant 0 : i32
    %add3A_61 = arith.addi %mul3A_34, %add3A_60 : i32
    %dma_start3A_62 = arith.constant 0 : i32
    %dma_start3A_63 = tpu.memref_slice %arg4[%select_n3A, %add3A_61, %dma_start3A_62] : memref<4x8192x128xf32, #tpu.memory_space<hbm>> -> memref<1x128x128xf32, #tpu.memory_space<hbm>>
    %dma_start3A_64 = tpu.memref_squeeze %dma_start3A_63 : memref<1x128x128xf32, #tpu.memory_space<hbm>> -> memref<128x128xf32, #tpu.memory_space<hbm>>
    %dma_start3A_65 = arith.constant 0 : i32
    %dma_start3A_66 = tpu.memref_slice %arg4[%select_n3A, %add3A_61, %dma_start3A_65] : memref<4x8192x128xf32, #tpu.memory_space<hbm>> -> memref<1x128x128xf32, #tpu.memory_space<hbm>>
    %dma_start3A_67 = tpu.memref_squeeze %dma_start3A_66 : memref<1x128x128xf32, #tpu.memory_space<hbm>> -> memref<128x128xf32, #tpu.memory_space<hbm>>
    tpu.enqueue_dma source(%arg6 : memref<128x128xf32, #tpu.memory_space<vmem>>) target(%dma_start3A_67 : memref<128x128xf32, #tpu.memory_space<hbm>>) target_semaphore(%arg14 : memref<!tpu.dma_semaphore, #tpu.memory_space<semaphore_mem>>)
    %dma_start3A_68 = arith.constant 256 : i32
    %dma_start3A_69 = tpu.memref_slice %arg5[%dma_start3A_68] : memref<1024xi32, #tpu.memory_space<vmem>> -> memref<128xi32, #tpu.memory_space<vmem>>
    %dma_start3A_70 = arith.constant 0 : i32
    %dma_start3A_71 = arith.constant 0 : i32
    %dma_start3A_72 = tpu.memref_slice %arg2[%add3A_18, %dma_start3A_70, %dma_start3A_71] : memref<16x16384x128xf32, #tpu.memory_space<hbm>> -> memref<1x16384x128xf32, #tpu.memory_space<hbm>>
    %dma_start3A_73 = tpu.memref_squeeze %dma_start3A_72 : memref<1x16384x128xf32, #tpu.memory_space<hbm>> -> memref<16384x128xf32, #tpu.memory_space<hbm>>
    %dma_start3A_74 = arith.constant 0 : i32
    %dma_start3A_75 = arith.constant 0 : i32
    %dma_start3A_76 = tpu.memref_slice %dma_start3A_73[%dma_start3A_74, %dma_start3A_75] : memref<16384x128xf32, #tpu.memory_space<hbm>> -> memref<16384x128xf32, #tpu.memory_space<hbm>>
    tpu.enqueue_indirect_dma source(%dma_start3A_76 : memref<16384x128xf32, #tpu.memory_space<hbm>>) target(%arg8 : memref<128x128xf32, #tpu.memory_space<vmem>>) offsets(%dma_start3A_69 : memref<128xi32, #tpu.memory_space<vmem>>) semaphore(%arg12 : memref<!tpu.dma_semaphore, #tpu.memory_space<semaphore_mem>>)
    %dma_wait3A_77 = arith.constant 128 : i32
    %dma_wait3A_78 = tpu.memref_slice %arg5[%dma_wait3A_77] : memref<1024xi32, #tpu.memory_space<vmem>> -> memref<128xi32, #tpu.memory_space<vmem>>
    %dma_wait3A_79 = arith.constant 0 : i32
    %dma_wait3A_80 = arith.constant 0 : i32
    %dma_wait3A_81 = tpu.memref_slice %arg2[%add3A_18, %dma_wait3A_79, %dma_wait3A_80] : memref<16x16384x128xf32, #tpu.memory_space<hbm>> -> memref<1x16384x128xf32, #tpu.memory_space<hbm>>
    %dma_wait3A_82 = tpu.memref_squeeze %dma_wait3A_81 : memref<1x16384x128xf32, #tpu.memory_space<hbm>> -> memref<16384x128xf32, #tpu.memory_space<hbm>>
    %dma_wait3A_83 = arith.constant 0 : i32
    %dma_wait3A_84 = arith.constant 0 : i32
    %dma_wait3A_85 = tpu.memref_slice %dma_wait3A_82[%dma_wait3A_83, %dma_wait3A_84] : memref<16384x128xf32, #tpu.memory_space<hbm>> -> memref<16384x128xf32, #tpu.memory_space<hbm>>
    tpu.wait_indirect_dma semaphore(%arg11 : memref<!tpu.dma_semaphore, #tpu.memory_space<semaphore_mem>>) src(%dma_wait3A_85 : memref<16384x128xf32, #tpu.memory_space<hbm>>) dst(%arg7 : memref<128x128xf32, #tpu.memory_space<vmem>>)
    %add3A_86 = arith.constant 128 : i32
    %add3A_87 = arith.addi %mul3A_34, %add3A_86 : i32
    %dma_start3A_88 = arith.constant 0 : i32
    %dma_start3A_89 = tpu.memref_slice %arg4[%select_n3A, %add3A_87, %dma_start3A_88] : memref<4x8192x128xf32, #tpu.memory_space<hbm>> -> memref<1x128x128xf32, #tpu.memory_space<hbm>>
    %dma_start3A_90 = tpu.memref_squeeze %dma_start3A_89 : memref<1x128x128xf32, #tpu.memory_space<hbm>> -> memref<128x128xf32, #tpu.memory_space<hbm>>
    %dma_start3A_91 = arith.constant 0 : i32
    %dma_start3A_92 = tpu.memref_slice %arg4[%select_n3A, %add3A_87, %dma_start3A_91] : memref<4x8192x128xf32, #tpu.memory_space<hbm>> -> memref<1x128x128xf32, #tpu.memory_space<hbm>>
    %dma_start3A_93 = tpu.memref_squeeze %dma_start3A_92 : memref<1x128x128xf32, #tpu.memory_space<hbm>> -> memref<128x128xf32, #tpu.memory_space<hbm>>
    tpu.enqueue_dma source(%arg7 : memref<128x128xf32, #tpu.memory_space<vmem>>) target(%dma_start3A_93 : memref<128x128xf32, #tpu.memory_space<hbm>>) target_semaphore(%arg15 : memref<!tpu.dma_semaphore, #tpu.memory_space<semaphore_mem>>)
    %dma_start3A_94 = arith.constant 384 : i32
    %dma_start3A_95 = tpu.memref_slice %arg5[%dma_start3A_94] : memref<1024xi32, #tpu.memory_space<vmem>> -> memref<128xi32, #tpu.memory_space<vmem>>
    %dma_start3A_96 = arith.constant 0 : i32
    %dma_start3A_97 = arith.constant 0 : i32
    %dma_start3A_98 = tpu.memref_slice %arg2[%add3A_18, %dma_start3A_96, %dma_start3A_97] : memref<16x16384x128xf32, #tpu.memory_space<hbm>> -> memref<1x16384x128xf32, #tpu.memory_space<hbm>>
    %dma_start3A_99 = tpu.memref_squeeze %dma_start3A_98 : memref<1x16384x128xf32, #tpu.memory_space<hbm>> -> memref<16384x128xf32, #tpu.memory_space<hbm>>
    %dma_start3A_100 = arith.constant 0 : i32
    %dma_start3A_101 = arith.constant 0 : i32
    %dma_start3A_102 = tpu.memref_slice %dma_start3A_99[%dma_start3A_100, %dma_start3A_101] : memref<16384x128xf32, #tpu.memory_space<hbm>> -> memref<16384x128xf32, #tpu.memory_space<hbm>>
    tpu.enqueue_indirect_dma source(%dma_start3A_102 : memref<16384x128xf32, #tpu.memory_space<hbm>>) target(%arg9 : memref<128x128xf32, #tpu.memory_space<vmem>>) offsets(%dma_start3A_95 : memref<128xi32, #tpu.memory_space<vmem>>) semaphore(%arg13 : memref<!tpu.dma_semaphore, #tpu.memory_space<semaphore_mem>>)
    %dma_wait3A_103 = arith.constant 256 : i32
    %dma_wait3A_104 = tpu.memref_slice %arg5[%dma_wait3A_103] : memref<1024xi32, #tpu.memory_space<vmem>> -> memref<128xi32, #tpu.memory_space<vmem>>
    %dma_wait3A_105 = arith.constant 0 : i32
    %dma_wait3A_106 = arith.constant 0 : i32
    %dma_wait3A_107 = tpu.memref_slice %arg2[%add3A_18, %dma_wait3A_105, %dma_wait3A_106] : memref<16x16384x128xf32, #tpu.memory_space<hbm>> -> memref<1x16384x128xf32, #tpu.memory_space<hbm>>
    %dma_wait3A_108 = tpu.memref_squeeze %dma_wait3A_107 : memref<1x16384x128xf32, #tpu.memory_space<hbm>> -> memref<16384x128xf32, #tpu.memory_space<hbm>>
    %dma_wait3A_109 = arith.constant 0 : i32
    %dma_wait3A_110 = arith.constant 0 : i32
    %dma_wait3A_111 = tpu.memref_slice %dma_wait3A_108[%dma_wait3A_109, %dma_wait3A_110] : memref<16384x128xf32, #tpu.memory_space<hbm>> -> memref<16384x128xf32, #tpu.memory_space<hbm>>
    tpu.wait_indirect_dma semaphore(%arg12 : memref<!tpu.dma_semaphore, #tpu.memory_space<semaphore_mem>>) src(%dma_wait3A_111 : memref<16384x128xf32, #tpu.memory_space<hbm>>) dst(%arg8 : memref<128x128xf32, #tpu.memory_space<vmem>>)
    %add3A_112 = arith.constant 256 : i32
    %add3A_113 = arith.addi %mul3A_34, %add3A_112 : i32
    %dma_start3A_114 = arith.constant 0 : i32
    %dma_start3A_115 = tpu.memref_slice %arg4[%select_n3A, %add3A_113, %dma_start3A_114] : memref<4x8192x128xf32, #tpu.memory_space<hbm>> -> memref<1x128x128xf32, #tpu.memory_space<hbm>>
    %dma_start3A_116 = tpu.memref_squeeze %dma_start3A_115 : memref<1x128x128xf32, #tpu.memory_space<hbm>> -> memref<128x128xf32, #tpu.memory_space<hbm>>
    %dma_start3A_117 = arith.constant 0 : i32
    %dma_start3A_118 = tpu.memref_slice %arg4[%select_n3A, %add3A_113, %dma_start3A_117] : memref<4x8192x128xf32, #tpu.memory_space<hbm>> -> memref<1x128x128xf32, #tpu.memory_space<hbm>>
    %dma_start3A_119 = tpu.memref_squeeze %dma_start3A_118 : memref<1x128x128xf32, #tpu.memory_space<hbm>> -> memref<128x128xf32, #tpu.memory_space<hbm>>
    tpu.enqueue_dma source(%arg8 : memref<128x128xf32, #tpu.memory_space<vmem>>) target(%dma_start3A_119 : memref<128x128xf32, #tpu.memory_space<hbm>>) target_semaphore(%arg16 : memref<!tpu.dma_semaphore, #tpu.memory_space<semaphore_mem>>)
    %dma_wait3A_120 = arith.constant 0 : i32
    %dma_wait3A_121 = tpu.memref_slice %arg4[%select_n3A, %add3A_61, %dma_wait3A_120] : memref<4x8192x128xf32, #tpu.memory_space<hbm>> -> memref<1x128x128xf32, #tpu.memory_space<hbm>>
    %dma_wait3A_122 = tpu.memref_squeeze %dma_wait3A_121 : memref<1x128x128xf32, #tpu.memory_space<hbm>> -> memref<128x128xf32, #tpu.memory_space<hbm>>
    %dma_wait3A_123 = arith.constant 0 : i32
    %dma_wait3A_124 = tpu.memref_slice %arg4[%select_n3A, %add3A_61, %dma_wait3A_123] : memref<4x8192x128xf32, #tpu.memory_space<hbm>> -> memref<1x128x128xf32, #tpu.memory_space<hbm>>
    %dma_wait3A_125 = tpu.memref_squeeze %dma_wait3A_124 : memref<1x128x128xf32, #tpu.memory_space<hbm>> -> memref<128x128xf32, #tpu.memory_space<hbm>>
    tpu.wait_dma2 semaphore(%arg14 : memref<!tpu.dma_semaphore, #tpu.memory_space<semaphore_mem>>) src(%arg6 : memref<128x128xf32, #tpu.memory_space<vmem>>) dst(%dma_wait3A_125 : memref<128x128xf32, #tpu.memory_space<hbm>>)
    %dma_start3A_126 = arith.constant 512 : i32
    %dma_start3A_127 = tpu.memref_slice %arg5[%dma_start3A_126] : memref<1024xi32, #tpu.memory_space<vmem>> -> memref<128xi32, #tpu.memory_space<vmem>>
    %dma_start3A_128 = arith.constant 0 : i32
    %dma_start3A_129 = arith.constant 0 : i32
    %dma_start3A_130 = tpu.memref_slice %arg2[%add3A_18, %dma_start3A_128, %dma_start3A_129] : memref<16x16384x128xf32, #tpu.memory_space<hbm>> -> memref<1x16384x128xf32, #tpu.memory_space<hbm>>
    %dma_start3A_131 = tpu.memref_squeeze %dma_start3A_130 : memref<1x16384x128xf32, #tpu.memory_space<hbm>> -> memref<16384x128xf32, #tpu.memory_space<hbm>>
    %dma_start3A_132 = arith.constant 0 : i32
    %dma_start3A_133 = arith.constant 0 : i32
    %dma_start3A_134 = tpu.memref_slice %dma_start3A_131[%dma_start3A_132, %dma_start3A_133] : memref<16384x128xf32, #tpu.memory_space<hbm>> -> memref<16384x128xf32, #tpu.memory_space<hbm>>
    tpu.enqueue_indirect_dma source(%dma_start3A_134 : memref<16384x128xf32, #tpu.memory_space<hbm>>) target(%arg6 : memref<128x128xf32, #tpu.memory_space<vmem>>) offsets(%dma_start3A_127 : memref<128xi32, #tpu.memory_space<vmem>>) semaphore(%arg10 : memref<!tpu.dma_semaphore, #tpu.memory_space<semaphore_mem>>)
    %dma_wait3A_135 = arith.constant 384 : i32
    %dma_wait3A_136 = tpu.memref_slice %arg5[%dma_wait3A_135] : memref<1024xi32, #tpu.memory_space<vmem>> -> memref<128xi32, #tpu.memory_space<vmem>>
    %dma_wait3A_137 = arith.constant 0 : i32
    %dma_wait3A_138 = arith.constant 0 : i32
    %dma_wait3A_139 = tpu.memref_slice %arg2[%add3A_18, %dma_wait3A_137, %dma_wait3A_138] : memref<16x16384x128xf32, #tpu.memory_space<hbm>> -> memref<1x16384x128xf32, #tpu.memory_space<hbm>>
    %dma_wait3A_140 = tpu.memref_squeeze %dma_wait3A_139 : memref<1x16384x128xf32, #tpu.memory_space<hbm>> -> memref<16384x128xf32, #tpu.memory_space<hbm>>
    %dma_wait3A_141 = arith.constant 0 : i32
    %dma_wait3A_142 = arith.constant 0 : i32
    %dma_wait3A_143 = tpu.memref_slice %dma_wait3A_140[%dma_wait3A_141, %dma_wait3A_142] : memref<16384x128xf32, #tpu.memory_space<hbm>> -> memref<16384x128xf32, #tpu.memory_space<hbm>>
    tpu.wait_indirect_dma semaphore(%arg13 : memref<!tpu.dma_semaphore, #tpu.memory_space<semaphore_mem>>) src(%dma_wait3A_143 : memref<16384x128xf32, #tpu.memory_space<hbm>>) dst(%arg9 : memref<128x128xf32, #tpu.memory_space<vmem>>)
    %add3A_144 = arith.constant 384 : i32
    %add3A_145 = arith.addi %mul3A_34, %add3A_144 : i32
    %dma_start3A_146 = arith.constant 0 : i32
    %dma_start3A_147 = tpu.memref_slice %arg4[%select_n3A, %add3A_145, %dma_start3A_146] : memref<4x8192x128xf32, #tpu.memory_space<hbm>> -> memref<1x128x128xf32, #tpu.memory_space<hbm>>
    %dma_start3A_148 = tpu.memref_squeeze %dma_start3A_147 : memref<1x128x128xf32, #tpu.memory_space<hbm>> -> memref<128x128xf32, #tpu.memory_space<hbm>>
    %dma_start3A_149 = arith.constant 0 : i32
    %dma_start3A_150 = tpu.memref_slice %arg4[%select_n3A, %add3A_145, %dma_start3A_149] : memref<4x8192x128xf32, #tpu.memory_space<hbm>> -> memref<1x128x128xf32, #tpu.memory_space<hbm>>
    %dma_start3A_151 = tpu.memref_squeeze %dma_start3A_150 : memref<1x128x128xf32, #tpu.memory_space<hbm>> -> memref<128x128xf32, #tpu.memory_space<hbm>>
    tpu.enqueue_dma source(%arg9 : memref<128x128xf32, #tpu.memory_space<vmem>>) target(%dma_start3A_151 : memref<128x128xf32, #tpu.memory_space<hbm>>) target_semaphore(%arg17 : memref<!tpu.dma_semaphore, #tpu.memory_space<semaphore_mem>>)
    %dma_wait3A_152 = arith.constant 0 : i32
    %dma_wait3A_153 = tpu.memref_slice %arg4[%select_n3A, %add3A_87, %dma_wait3A_152] : memref<4x8192x128xf32, #tpu.memory_space<hbm>> -> memref<1x128x128xf32, #tpu.memory_space<hbm>>
    %dma_wait3A_154 = tpu.memref_squeeze %dma_wait3A_153 : memref<1x128x128xf32, #tpu.memory_space<hbm>> -> memref<128x128xf32, #tpu.memory_space<hbm>>
    %dma_wait3A_155 = arith.constant 0 : i32
    %dma_wait3A_156 = tpu.memref_slice %arg4[%select_n3A, %add3A_87, %dma_wait3A_155] : memref<4x8192x128xf32, #tpu.memory_space<hbm>> -> memref<1x128x128xf32, #tpu.memory_space<hbm>>
    %dma_wait3A_157 = tpu.memref_squeeze %dma_wait3A_156 : memref<1x128x128xf32, #tpu.memory_space<hbm>> -> memref<128x128xf32, #tpu.memory_space<hbm>>
    tpu.wait_dma2 semaphore(%arg15 : memref<!tpu.dma_semaphore, #tpu.memory_space<semaphore_mem>>) src(%arg7 : memref<128x128xf32, #tpu.memory_space<vmem>>) dst(%dma_wait3A_157 : memref<128x128xf32, #tpu.memory_space<hbm>>)
    %dma_start3A_158 = arith.constant 640 : i32
    %dma_start3A_159 = tpu.memref_slice %arg5[%dma_start3A_158] : memref<1024xi32, #tpu.memory_space<vmem>> -> memref<128xi32, #tpu.memory_space<vmem>>
    %dma_start3A_160 = arith.constant 0 : i32
    %dma_start3A_161 = arith.constant 0 : i32
    %dma_start3A_162 = tpu.memref_slice %arg2[%add3A_18, %dma_start3A_160, %dma_start3A_161] : memref<16x16384x128xf32, #tpu.memory_space<hbm>> -> memref<1x16384x128xf32, #tpu.memory_space<hbm>>
    %dma_start3A_163 = tpu.memref_squeeze %dma_start3A_162 : memref<1x16384x128xf32, #tpu.memory_space<hbm>> -> memref<16384x128xf32, #tpu.memory_space<hbm>>
    %dma_start3A_164 = arith.constant 0 : i32
    %dma_start3A_165 = arith.constant 0 : i32
    %dma_start3A_166 = tpu.memref_slice %dma_start3A_163[%dma_start3A_164, %dma_start3A_165] : memref<16384x128xf32, #tpu.memory_space<hbm>> -> memref<16384x128xf32, #tpu.memory_space<hbm>>
    tpu.enqueue_indirect_dma source(%dma_start3A_166 : memref<16384x128xf32, #tpu.memory_space<hbm>>) target(%arg7 : memref<128x128xf32, #tpu.memory_space<vmem>>) offsets(%dma_start3A_159 : memref<128xi32, #tpu.memory_space<vmem>>) semaphore(%arg11 : memref<!tpu.dma_semaphore, #tpu.memory_space<semaphore_mem>>)
    %dma_wait3A_167 = arith.constant 512 : i32
    %dma_wait3A_168 = tpu.memref_slice %arg5[%dma_wait3A_167] : memref<1024xi32, #tpu.memory_space<vmem>> -> memref<128xi32, #tpu.memory_space<vmem>>
    %dma_wait3A_169 = arith.constant 0 : i32
    %dma_wait3A_170 = arith.constant 0 : i32
    %dma_wait3A_171 = tpu.memref_slice %arg2[%add3A_18, %dma_wait3A_169, %dma_wait3A_170] : memref<16x16384x128xf32, #tpu.memory_space<hbm>> -> memref<1x16384x128xf32, #tpu.memory_space<hbm>>
    %dma_wait3A_172 = tpu.memref_squeeze %dma_wait3A_171 : memref<1x16384x128xf32, #tpu.memory_space<hbm>> -> memref<16384x128xf32, #tpu.memory_space<hbm>>
    %dma_wait3A_173 = arith.constant 0 : i32
    %dma_wait3A_174 = arith.constant 0 : i32
    %dma_wait3A_175 = tpu.memref_slice %dma_wait3A_172[%dma_wait3A_173, %dma_wait3A_174] : memref<16384x128xf32, #tpu.memory_space<hbm>> -> memref<16384x128xf32, #tpu.memory_space<hbm>>
    tpu.wait_indirect_dma semaphore(%arg10 : memref<!tpu.dma_semaphore, #tpu.memory_space<semaphore_mem>>) src(%dma_wait3A_175 : memref<16384x128xf32, #tpu.memory_space<hbm>>) dst(%arg6 : memref<128x128xf32, #tpu.memory_space<vmem>>)
    %add3A_176 = arith.constant 512 : i32
    %add3A_177 = arith.addi %mul3A_34, %add3A_176 : i32
    %dma_start3A_178 = arith.constant 0 : i32
    %dma_start3A_179 = tpu.memref_slice %arg4[%select_n3A, %add3A_177, %dma_start3A_178] : memref<4x8192x128xf32, #tpu.memory_space<hbm>> -> memref<1x128x128xf32, #tpu.memory_space<hbm>>
    %dma_start3A_180 = tpu.memref_squeeze %dma_start3A_179 : memref<1x128x128xf32, #tpu.memory_space<hbm>> -> memref<128x128xf32, #tpu.memory_space<hbm>>
    %dma_start3A_181 = arith.constant 0 : i32
    %dma_start3A_182 = tpu.memref_slice %arg4[%select_n3A, %add3A_177, %dma_start3A_181] : memref<4x8192x128xf32, #tpu.memory_space<hbm>> -> memref<1x128x128xf32, #tpu.memory_space<hbm>>
    %dma_start3A_183 = tpu.memref_squeeze %dma_start3A_182 : memref<1x128x128xf32, #tpu.memory_space<hbm>> -> memref<128x128xf32, #tpu.memory_space<hbm>>
    tpu.enqueue_dma source(%arg6 : memref<128x128xf32, #tpu.memory_space<vmem>>) target(%dma_start3A_183 : memref<128x128xf32, #tpu.memory_space<hbm>>) target_semaphore(%arg14 : memref<!tpu.dma_semaphore, #tpu.memory_space<semaphore_mem>>)
    %dma_wait3A_184 = arith.constant 0 : i32
    %dma_wait3A_185 = tpu.memref_slice %arg4[%select_n3A, %add3A_113, %dma_wait3A_184] : memref<4x8192x128xf32, #tpu.memory_space<hbm>> -> memref<1x128x128xf32, #tpu.memory_space<hbm>>
    %dma_wait3A_186 = tpu.memref_squeeze %dma_wait3A_185 : memref<1x128x128xf32, #tpu.memory_space<hbm>> -> memref<128x128xf32, #tpu.memory_space<hbm>>
    %dma_wait3A_187 = arith.constant 0 : i32
    %dma_wait3A_188 = tpu.memref_slice %arg4[%select_n3A, %add3A_113, %dma_wait3A_187] : memref<4x8192x128xf32, #tpu.memory_space<hbm>> -> memref<1x128x128xf32, #tpu.memory_space<hbm>>
    %dma_wait3A_189 = tpu.memref_squeeze %dma_wait3A_188 : memref<1x128x128xf32, #tpu.memory_space<hbm>> -> memref<128x128xf32, #tpu.memory_space<hbm>>
    tpu.wait_dma2 semaphore(%arg16 : memref<!tpu.dma_semaphore, #tpu.memory_space<semaphore_mem>>) src(%arg8 : memref<128x128xf32, #tpu.memory_space<vmem>>) dst(%dma_wait3A_189 : memref<128x128xf32, #tpu.memory_space<hbm>>)
    %dma_start3A_190 = arith.constant 768 : i32
    %dma_start3A_191 = tpu.memref_slice %arg5[%dma_start3A_190] : memref<1024xi32, #tpu.memory_space<vmem>> -> memref<128xi32, #tpu.memory_space<vmem>>
    %dma_start3A_192 = arith.constant 0 : i32
    %dma_start3A_193 = arith.constant 0 : i32
    %dma_start3A_194 = tpu.memref_slice %arg2[%add3A_18, %dma_start3A_192, %dma_start3A_193] : memref<16x16384x128xf32, #tpu.memory_space<hbm>> -> memref<1x16384x128xf32, #tpu.memory_space<hbm>>
    %dma_start3A_195 = tpu.memref_squeeze %dma_start3A_194 : memref<1x16384x128xf32, #tpu.memory_space<hbm>> -> memref<16384x128xf32, #tpu.memory_space<hbm>>
    %dma_start3A_196 = arith.constant 0 : i32
    %dma_start3A_197 = arith.constant 0 : i32
    %dma_start3A_198 = tpu.memref_slice %dma_start3A_195[%dma_start3A_196, %dma_start3A_197] : memref<16384x128xf32, #tpu.memory_space<hbm>> -> memref<16384x128xf32, #tpu.memory_space<hbm>>
    tpu.enqueue_indirect_dma source(%dma_start3A_198 : memref<16384x128xf32, #tpu.memory_space<hbm>>) target(%arg8 : memref<128x128xf32, #tpu.memory_space<vmem>>) offsets(%dma_start3A_191 : memref<128xi32, #tpu.memory_space<vmem>>) semaphore(%arg12 : memref<!tpu.dma_semaphore, #tpu.memory_space<semaphore_mem>>)
    %dma_wait3A_199 = arith.constant 640 : i32
    %dma_wait3A_200 = tpu.memref_slice %arg5[%dma_wait3A_199] : memref<1024xi32, #tpu.memory_space<vmem>> -> memref<128xi32, #tpu.memory_space<vmem>>
    %dma_wait3A_201 = arith.constant 0 : i32
    %dma_wait3A_202 = arith.constant 0 : i32
    %dma_wait3A_203 = tpu.memref_slice %arg2[%add3A_18, %dma_wait3A_201, %dma_wait3A_202] : memref<16x16384x128xf32, #tpu.memory_space<hbm>> -> memref<1x16384x128xf32, #tpu.memory_space<hbm>>
    %dma_wait3A_204 = tpu.memref_squeeze %dma_wait3A_203 : memref<1x16384x128xf32, #tpu.memory_space<hbm>> -> memref<16384x128xf32, #tpu.memory_space<hbm>>
    %dma_wait3A_205 = arith.constant 0 : i32
    %dma_wait3A_206 = arith.constant 0 : i32
    %dma_wait3A_207 = tpu.memref_slice %dma_wait3A_204[%dma_wait3A_205, %dma_wait3A_206] : memref<16384x128xf32, #tpu.memory_space<hbm>> -> memref<16384x128xf32, #tpu.memory_space<hbm>>
    tpu.wait_indirect_dma semaphore(%arg11 : memref<!tpu.dma_semaphore, #tpu.memory_space<semaphore_mem>>) src(%dma_wait3A_207 : memref<16384x128xf32, #tpu.memory_space<hbm>>) dst(%arg7 : memref<128x128xf32, #tpu.memory_space<vmem>>)
    %add3A_208 = arith.constant 640 : i32
    %add3A_209 = arith.addi %mul3A_34, %add3A_208 : i32
    %dma_start3A_210 = arith.constant 0 : i32
    %dma_start3A_211 = tpu.memref_slice %arg4[%select_n3A, %add3A_209, %dma_start3A_210] : memref<4x8192x128xf32, #tpu.memory_space<hbm>> -> memref<1x128x128xf32, #tpu.memory_space<hbm>>
    %dma_start3A_212 = tpu.memref_squeeze %dma_start3A_211 : memref<1x128x128xf32, #tpu.memory_space<hbm>> -> memref<128x128xf32, #tpu.memory_space<hbm>>
    %dma_start3A_213 = arith.constant 0 : i32
    %dma_start3A_214 = tpu.memref_slice %arg4[%select_n3A, %add3A_209, %dma_start3A_213] : memref<4x8192x128xf32, #tpu.memory_space<hbm>> -> memref<1x128x128xf32, #tpu.memory_space<hbm>>
    %dma_start3A_215 = tpu.memref_squeeze %dma_start3A_214 : memref<1x128x128xf32, #tpu.memory_space<hbm>> -> memref<128x128xf32, #tpu.memory_space<hbm>>
    tpu.enqueue_dma source(%arg7 : memref<128x128xf32, #tpu.memory_space<vmem>>) target(%dma_start3A_215 : memref<128x128xf32, #tpu.memory_space<hbm>>) target_semaphore(%arg15 : memref<!tpu.dma_semaphore, #tpu.memory_space<semaphore_mem>>)
    %dma_wait3A_216 = arith.constant 0 : i32
    %dma_wait3A_217 = tpu.memref_slice %arg4[%select_n3A, %add3A_145, %dma_wait3A_216] : memref<4x8192x128xf32, #tpu.memory_space<hbm>> -> memref<1x128x128xf32, #tpu.memory_space<hbm>>
    %dma_wait3A_218 = tpu.memref_squeeze %dma_wait3A_217 : memref<1x128x128xf32, #tpu.memory_space<hbm>> -> memref<128x128xf32, #tpu.memory_space<hbm>>
    %dma_wait3A_219 = arith.constant 0 : i32
    %dma_wait3A_220 = tpu.memref_slice %arg4[%select_n3A, %add3A_145, %dma_wait3A_219] : memref<4x8192x128xf32, #tpu.memory_space<hbm>> -> memref<1x128x128xf32, #tpu.memory_space<hbm>>
    %dma_wait3A_221 = tpu.memref_squeeze %dma_wait3A_220 : memref<1x128x128xf32, #tpu.memory_space<hbm>> -> memref<128x128xf32, #tpu.memory_space<hbm>>
    tpu.wait_dma2 semaphore(%arg17 : memref<!tpu.dma_semaphore, #tpu.memory_space<semaphore_mem>>) src(%arg9 : memref<128x128xf32, #tpu.memory_space<vmem>>) dst(%dma_wait3A_221 : memref<128x128xf32, #tpu.memory_space<hbm>>)
    %dma_start3A_222 = arith.constant 896 : i32
    %dma_start3A_223 = tpu.memref_slice %arg5[%dma_start3A_222] : memref<1024xi32, #tpu.memory_space<vmem>> -> memref<128xi32, #tpu.memory_space<vmem>>
    %dma_start3A_224 = arith.constant 0 : i32
    %dma_start3A_225 = arith.constant 0 : i32
    %dma_start3A_226 = tpu.memref_slice %arg2[%add3A_18, %dma_start3A_224, %dma_start3A_225] : memref<16x16384x128xf32, #tpu.memory_space<hbm>> -> memref<1x16384x128xf32, #tpu.memory_space<hbm>>
    %dma_start3A_227 = tpu.memref_squeeze %dma_start3A_226 : memref<1x16384x128xf32, #tpu.memory_space<hbm>> -> memref<16384x128xf32, #tpu.memory_space<hbm>>
    %dma_start3A_228 = arith.constant 0 : i32
    %dma_start3A_229 = arith.constant 0 : i32
    %dma_start3A_230 = tpu.memref_slice %dma_start3A_227[%dma_start3A_228, %dma_start3A_229] : memref<16384x128xf32, #tpu.memory_space<hbm>> -> memref<16384x128xf32, #tpu.memory_space<hbm>>
    tpu.enqueue_indirect_dma source(%dma_start3A_230 : memref<16384x128xf32, #tpu.memory_space<hbm>>) target(%arg9 : memref<128x128xf32, #tpu.memory_space<vmem>>) offsets(%dma_start3A_223 : memref<128xi32, #tpu.memory_space<vmem>>) semaphore(%arg13 : memref<!tpu.dma_semaphore, #tpu.memory_space<semaphore_mem>>)
    %dma_wait3A_231 = arith.constant 768 : i32
    %dma_wait3A_232 = tpu.memref_slice %arg5[%dma_wait3A_231] : memref<1024xi32, #tpu.memory_space<vmem>> -> memref<128xi32, #tpu.memory_space<vmem>>
    %dma_wait3A_233 = arith.constant 0 : i32
    %dma_wait3A_234 = arith.constant 0 : i32
    %dma_wait3A_235 = tpu.memref_slice %arg2[%add3A_18, %dma_wait3A_233, %dma_wait3A_234] : memref<16x16384x128xf32, #tpu.memory_space<hbm>> -> memref<1x16384x128xf32, #tpu.memory_space<hbm>>
    %dma_wait3A_236 = tpu.memref_squeeze %dma_wait3A_235 : memref<1x16384x128xf32, #tpu.memory_space<hbm>> -> memref<16384x128xf32, #tpu.memory_space<hbm>>
    %dma_wait3A_237 = arith.constant 0 : i32
    %dma_wait3A_238 = arith.constant 0 : i32
    %dma_wait3A_239 = tpu.memref_slice %dma_wait3A_236[%dma_wait3A_237, %dma_wait3A_238] : memref<16384x128xf32, #tpu.memory_space<hbm>> -> memref<16384x128xf32, #tpu.memory_space<hbm>>
    tpu.wait_indirect_dma semaphore(%arg12 : memref<!tpu.dma_semaphore, #tpu.memory_space<semaphore_mem>>) src(%dma_wait3A_239 : memref<16384x128xf32, #tpu.memory_space<hbm>>) dst(%arg8 : memref<128x128xf32, #tpu.memory_space<vmem>>)
    %add3A_240 = arith.constant 768 : i32
    %add3A_241 = arith.addi %mul3A_34, %add3A_240 : i32
    %dma_start3A_242 = arith.constant 0 : i32
    %dma_start3A_243 = tpu.memref_slice %arg4[%select_n3A, %add3A_241, %dma_start3A_242] : memref<4x8192x128xf32, #tpu.memory_space<hbm>> -> memref<1x128x128xf32, #tpu.memory_space<hbm>>
    %dma_start3A_244 = tpu.memref_squeeze %dma_start3A_243 : memref<1x128x128xf32, #tpu.memory_space<hbm>> -> memref<128x128xf32, #tpu.memory_space<hbm>>
    %dma_start3A_245 = arith.constant 0 : i32
    %dma_start3A_246 = tpu.memref_slice %arg4[%select_n3A, %add3A_241, %dma_start3A_245] : memref<4x8192x128xf32, #tpu.memory_space<hbm>> -> memref<1x128x128xf32, #tpu.memory_space<hbm>>
    %dma_start3A_247 = tpu.memref_squeeze %dma_start3A_246 : memref<1x128x128xf32, #tpu.memory_space<hbm>> -> memref<128x128xf32, #tpu.memory_space<hbm>>
    tpu.enqueue_dma source(%arg8 : memref<128x128xf32, #tpu.memory_space<vmem>>) target(%dma_start3A_247 : memref<128x128xf32, #tpu.memory_space<hbm>>) target_semaphore(%arg16 : memref<!tpu.dma_semaphore, #tpu.memory_space<semaphore_mem>>)
    %dma_wait3A_248 = arith.constant 896 : i32
    %dma_wait3A_249 = tpu.memref_slice %arg5[%dma_wait3A_248] : memref<1024xi32, #tpu.memory_space<vmem>> -> memref<128xi32, #tpu.memory_space<vmem>>
    %dma_wait3A_250 = arith.constant 0 : i32
    %dma_wait3A_251 = arith.constant 0 : i32
    %dma_wait3A_252 = tpu.memref_slice %arg2[%add3A_18, %dma_wait3A_250, %dma_wait3A_251] : memref<16x16384x128xf32, #tpu.memory_space<hbm>> -> memref<1x16384x128xf32, #tpu.memory_space<hbm>>
    %dma_wait3A_253 = tpu.memref_squeeze %dma_wait3A_252 : memref<1x16384x128xf32, #tpu.memory_space<hbm>> -> memref<16384x128xf32, #tpu.memory_space<hbm>>
    %dma_wait3A_254 = arith.constant 0 : i32
    %dma_wait3A_255 = arith.constant 0 : i32
    %dma_wait3A_256 = tpu.memref_slice %dma_wait3A_253[%dma_wait3A_254, %dma_wait3A_255] : memref<16384x128xf32, #tpu.memory_space<hbm>> -> memref<16384x128xf32, #tpu.memory_space<hbm>>
    tpu.wait_indirect_dma semaphore(%arg13 : memref<!tpu.dma_semaphore, #tpu.memory_space<semaphore_mem>>) src(%dma_wait3A_256 : memref<16384x128xf32, #tpu.memory_space<hbm>>) dst(%arg9 : memref<128x128xf32, #tpu.memory_space<vmem>>)
    %add3A_257 = arith.constant 896 : i32
    %add3A_258 = arith.addi %mul3A_34, %add3A_257 : i32
    %dma_start3A_259 = arith.constant 0 : i32
    %dma_start3A_260 = tpu.memref_slice %arg4[%select_n3A, %add3A_258, %dma_start3A_259] : memref<4x8192x128xf32, #tpu.memory_space<hbm>> -> memref<1x128x128xf32, #tpu.memory_space<hbm>>
    %dma_start3A_261 = tpu.memref_squeeze %dma_start3A_260 : memref<1x128x128xf32, #tpu.memory_space<hbm>> -> memref<128x128xf32, #tpu.memory_space<hbm>>
    %dma_start3A_262 = arith.constant 0 : i32
    %dma_start3A_263 = tpu.memref_slice %arg4[%select_n3A, %add3A_258, %dma_start3A_262] : memref<4x8192x128xf32, #tpu.memory_space<hbm>> -> memref<1x128x128xf32, #tpu.memory_space<hbm>>
    %dma_start3A_264 = tpu.memref_squeeze %dma_start3A_263 : memref<1x128x128xf32, #tpu.memory_space<hbm>> -> memref<128x128xf32, #tpu.memory_space<hbm>>
    tpu.enqueue_dma source(%arg9 : memref<128x128xf32, #tpu.memory_space<vmem>>) target(%dma_start3A_264 : memref<128x128xf32, #tpu.memory_space<hbm>>) target_semaphore(%arg17 : memref<!tpu.dma_semaphore, #tpu.memory_space<semaphore_mem>>)
    %dma_wait3A_265 = arith.constant 0 : i32
    %dma_wait3A_266 = tpu.memref_slice %arg4[%select_n3A, %add3A_177, %dma_wait3A_265] : memref<4x8192x128xf32, #tpu.memory_space<hbm>> -> memref<1x128x128xf32, #tpu.memory_space<hbm>>
    %dma_wait3A_267 = tpu.memref_squeeze %dma_wait3A_266 : memref<1x128x128xf32, #tpu.memory_space<hbm>> -> memref<128x128xf32, #tpu.memory_space<hbm>>
    %dma_wait3A_268 = arith.constant 0 : i32
    %dma_wait3A_269 = tpu.memref_slice %arg4[%select_n3A, %add3A_177, %dma_wait3A_268] : memref<4x8192x128xf32, #tpu.memory_space<hbm>> -> memref<1x128x128xf32, #tpu.memory_space<hbm>>
    %dma_wait3A_270 = tpu.memref_squeeze %dma_wait3A_269 : memref<1x128x128xf32, #tpu.memory_space<hbm>> -> memref<128x128xf32, #tpu.memory_space<hbm>>
    tpu.wait_dma2 semaphore(%arg14 : memref<!tpu.dma_semaphore, #tpu.memory_space<semaphore_mem>>) src(%arg6 : memref<128x128xf32, #tpu.memory_space<vmem>>) dst(%dma_wait3A_270 : memref<128x128xf32, #tpu.memory_space<hbm>>)
    %dma_wait3A_271 = arith.constant 0 : i32
    %dma_wait3A_272 = tpu.memref_slice %arg4[%select_n3A, %add3A_209, %dma_wait3A_271] : memref<4x8192x128xf32, #tpu.memory_space<hbm>> -> memref<1x128x128xf32, #tpu.memory_space<hbm>>
    %dma_wait3A_273 = tpu.memref_squeeze %dma_wait3A_272 : memref<1x128x128xf32, #tpu.memory_space<hbm>> -> memref<128x128xf32, #tpu.memory_space<hbm>>
    %dma_wait3A_274 = arith.constant 0 : i32
    %dma_wait3A_275 = tpu.memref_slice %arg4[%select_n3A, %add3A_209, %dma_wait3A_274] : memref<4x8192x128xf32, #tpu.memory_space<hbm>> -> memref<1x128x128xf32, #tpu.memory_space<hbm>>
    %dma_wait3A_276 = tpu.memref_squeeze %dma_wait3A_275 : memref<1x128x128xf32, #tpu.memory_space<hbm>> -> memref<128x128xf32, #tpu.memory_space<hbm>>
    tpu.wait_dma2 semaphore(%arg15 : memref<!tpu.dma_semaphore, #tpu.memory_space<semaphore_mem>>) src(%arg7 : memref<128x128xf32, #tpu.memory_space<vmem>>) dst(%dma_wait3A_276 : memref<128x128xf32, #tpu.memory_space<hbm>>)
    %dma_wait3A_277 = arith.constant 0 : i32
    %dma_wait3A_278 = tpu.memref_slice %arg4[%select_n3A, %add3A_241, %dma_wait3A_277] : memref<4x8192x128xf32, #tpu.memory_space<hbm>> -> memref<1x128x128xf32, #tpu.memory_space<hbm>>
    %dma_wait3A_279 = tpu.memref_squeeze %dma_wait3A_278 : memref<1x128x128xf32, #tpu.memory_space<hbm>> -> memref<128x128xf32, #tpu.memory_space<hbm>>
    %dma_wait3A_280 = arith.constant 0 : i32
    %dma_wait3A_281 = tpu.memref_slice %arg4[%select_n3A, %add3A_241, %dma_wait3A_280] : memref<4x8192x128xf32, #tpu.memory_space<hbm>> -> memref<1x128x128xf32, #tpu.memory_space<hbm>>
    %dma_wait3A_282 = tpu.memref_squeeze %dma_wait3A_281 : memref<1x128x128xf32, #tpu.memory_space<hbm>> -> memref<128x128xf32, #tpu.memory_space<hbm>>
    tpu.wait_dma2 semaphore(%arg16 : memref<!tpu.dma_semaphore, #tpu.memory_space<semaphore_mem>>) src(%arg8 : memref<128x128xf32, #tpu.memory_space<vmem>>) dst(%dma_wait3A_282 : memref<128x128xf32, #tpu.memory_space<hbm>>)
    %dma_wait3A_283 = arith.constant 0 : i32
    %dma_wait3A_284 = tpu.memref_slice %arg4[%select_n3A, %add3A_258, %dma_wait3A_283] : memref<4x8192x128xf32, #tpu.memory_space<hbm>> -> memref<1x128x128xf32, #tpu.memory_space<hbm>>
    %dma_wait3A_285 = tpu.memref_squeeze %dma_wait3A_284 : memref<1x128x128xf32, #tpu.memory_space<hbm>> -> memref<128x128xf32, #tpu.memory_space<hbm>>
    %dma_wait3A_286 = arith.constant 0 : i32
    %dma_wait3A_287 = tpu.memref_slice %arg4[%select_n3A, %add3A_258, %dma_wait3A_286] : memref<4x8192x128xf32, #tpu.memory_space<hbm>> -> memref<1x128x128xf32, #tpu.memory_space<hbm>>
    %dma_wait3A_288 = tpu.memref_squeeze %dma_wait3A_287 : memref<1x128x128xf32, #tpu.memory_space<hbm>> -> memref<128x128xf32, #tpu.memory_space<hbm>>
    tpu.wait_dma2 semaphore(%arg17 : memref<!tpu.dma_semaphore, #tpu.memory_space<semaphore_mem>>) src(%arg9 : memref<128x128xf32, #tpu.memory_space<vmem>>) dst(%dma_wait3A_288 : memref<128x128xf32, #tpu.memory_space<hbm>>)
    return
  }
}

#map = affine_map<(d0, d1) -> (0, 0, 0)>
#map1 = affine_map<(d0, d1) -> (0, 0)>
module attributes {stable_mosaic.version = 14 : i64} {
  func.func @gather(%arg0: i32, %arg1: i32, %arg2: memref<16x16384x128xf32, #tpu.memory_space<hbm>>, %arg3: memref<16x8192xi32, #tpu.memory_space<hbm>>, %arg4: memref<4x8192x128xf32, #tpu.memory_space<hbm>>, %arg5: memref<1024xi32, #tpu.memory_space<vmem>>, %arg6: memref<128x128xf32, #tpu.memory_space<vmem>>, %arg7: memref<128x128xf32, #tpu.memory_space<vmem>>, %arg8: memref<128x128xf32, #tpu.memory_space<vmem>>, %arg9: memref<128x128xf32, #tpu.memory_space<vmem>>, %arg10: memref<!tpu.dma_semaphore, #tpu.memory_space<semaphore_mem>>, %arg11: memref<!tpu.dma_semaphore, #tpu.memory_space<semaphore_mem>>, %arg12: memref<!tpu.dma_semaphore, #tpu.memory_space<semaphore_mem>>, %arg13: memref<!tpu.dma_semaphore, #tpu.memory_space<semaphore_mem>>, %arg14: memref<!tpu.dma_semaphore, #tpu.memory_space<semaphore_mem>>, %arg15: memref<!tpu.dma_semaphore, #tpu.memory_space<semaphore_mem>>, %arg16: memref<!tpu.dma_semaphore, #tpu.memory_space<semaphore_mem>>, %arg17: memref<!tpu.dma_semaphore, #tpu.memory_space<semaphore_mem>>) attributes {dimension_semantics = [#tpu.dimension_semantics<core_parallel>, #tpu.dimension_semantics<subcore_parallel>], iteration_bounds = array<i64: 2, 16>, scalar_prefetch = 0 : i64, scratch_operands = 13 : i64, tpu.core_type = #tpu.core_type<sc_vector_subcore>, window_params = [{transform_indices = #map}, {transform_indices = #map1}, {transform_indices = #map}]} {
    %mul3A = arith.constant 2 : i32
    %mul3A_0 = arith.muli %arg1, %mul3A : i32
    %add3A = arith.addi %mul3A_0, %arg0 : i32
    %jit3A = arith.constant 8 : i32
    %div3A = arith.divsi %add3A, %jit3A : i32
    %sign3A = arith.constant 0 : i32
    %sign3A_1 = arith.cmpi sgt, %add3A, %sign3A : i32
    %sign3A_2 = arith.extui %sign3A_1 : i1 to i32
    %sign3A_3 = arith.constant 0 : i32
    %sign3A_4 = arith.cmpi slt, %add3A, %sign3A_3 : i32
    %sign3A_5 = arith.extui %sign3A_4 : i1 to i32
    %sign3A_6 = arith.subi %sign3A_2, %sign3A_5 : i32
    %sign3A_7 = arith.constant 0 : i32
    %sign3A_8 = arith.cmpi sgt, %jit3A, %sign3A_7 : i32
    %sign3A_9 = arith.extui %sign3A_8 : i1 to i32
    %sign3A_10 = arith.constant 0 : i32
    %sign3A_11 = arith.cmpi slt, %jit3A, %sign3A_10 : i32
    %sign3A_12 = arith.extui %sign3A_11 : i1 to i32
    %sign3A_13 = arith.subi %sign3A_9, %sign3A_12 : i32
    %ne3A = arith.cmpi ne, %sign3A_6, %sign3A_13 : i32
    %rem3A = arith.remsi %add3A, %jit3A : i32
    %ne3A_14 = arith.constant 0 : i32
    %ne3A_15 = arith.cmpi ne, %rem3A, %ne3A_14 : i32
    %and3A = arith.andi %ne3A, %ne3A_15 : i1
    %sub3A = arith.constant 1 : i32
    %sub3A_16 = arith.subi %div3A, %sub3A : i32
    %select_n3A = arith.select %and3A, %sub3A_16, %div3A : i32
    %add3A_17 = arith.constant 8 : i32
    %add3A_18 = arith.addi %add3A_17, %select_n3A : i32
    %jit3A_19 = arith.constant 8 : i32
    %eq3A = arith.constant 0 : i32
    %eq3A_20 = arith.cmpi eq, %jit3A_19, %eq3A : i32
    %jit3A_21 = arith.constant 1 : i32
    %select_n3A_22 = arith.select %eq3A_20, %jit3A_21, %jit3A_19 : i32
    %rem3A_23 = arith.remsi %add3A, %select_n3A_22 : i32
    %ne3A_24 = arith.constant 0 : i32
    %ne3A_25 = arith.cmpi ne, %rem3A_23, %ne3A_24 : i32
    %lt3A = arith.constant 0 : i32
    %lt3A_26 = arith.cmpi slt, %rem3A_23, %lt3A : i32
    %lt3A_27 = arith.constant 0 : i32
    %lt3A_28 = arith.cmpi slt, %select_n3A_22, %lt3A_27 : i32
    %ne3A_29 = arith.xori %lt3A_26, %lt3A_28 : i1
    %and3A_30 = arith.andi %ne3A_29, %ne3A_25 : i1
    %add3A_31 = arith.addi %rem3A_23, %select_n3A_22 : i32
    %select_n3A_32 = arith.select %and3A_30, %add3A_31, %rem3A_23 : i32
    %mul3A_33 = arith.constant 1024 : i32
    %mul3A_34 = arith.muli %select_n3A_32, %mul3A_33 : i32
    "tpu.region"() ({
      %run_scoped3A = tpu.sem_alloc : memref<!tpu.dma_semaphore, #tpu.memory_space<semaphore_mem>>
      %dma_start3A_289 = tpu.memref_slice %arg3[%add3A_18, %mul3A_34] : memref<16x8192xi32, #tpu.memory_space<hbm>> -> memref<1x1024xi32, #tpu.memory_space<hbm>>
      %dma_start3A_290 = tpu.memref_squeeze %dma_start3A_289 : memref<1x1024xi32, #tpu.memory_space<hbm>> -> memref<1024xi32, #tpu.memory_space<hbm>>
      %dma_start3A_291 = tpu.memref_slice %arg3[%add3A_18, %mul3A_34] : memref<16x8192xi32, #tpu.memory_space<hbm>> -> memref<1x1024xi32, #tpu.memory_space<hbm>>
      %dma_start3A_292 = tpu.memref_squeeze %dma_start3A_291 : memref<1x1024xi32, #tpu.memory_space<hbm>> -> memref<1024xi32, #tpu.memory_space<hbm>>
      tpu.enqueue_dma source(%dma_start3A_292 : memref<1024xi32, #tpu.memory_space<hbm>>) target(%arg5 : memref<1024xi32, #tpu.memory_space<vmem>>) target_semaphore(%run_scoped3A : memref<!tpu.dma_semaphore, #tpu.memory_space<semaphore_mem>>)
      %dma_wait3A_293 = tpu.memref_slice %arg3[%add3A_18, %mul3A_34] : memref<16x8192xi32, #tpu.memory_space<hbm>> -> memref<1x1024xi32, #tpu.memory_space<hbm>>
      %dma_wait3A_294 = tpu.memref_squeeze %dma_wait3A_293 : memref<1x1024xi32, #tpu.memory_space<hbm>> -> memref<1024xi32, #tpu.memory_space<hbm>>
      %dma_wait3A_295 = tpu.memref_slice %arg3[%add3A_18, %mul3A_34] : memref<16x8192xi32, #tpu.memory_space<hbm>> -> memref<1x1024xi32, #tpu.memory_space<hbm>>
      %dma_wait3A_296 = tpu.memref_squeeze %dma_wait3A_295 : memref<1x1024xi32, #tpu.memory_space<hbm>> -> memref<1024xi32, #tpu.memory_space<hbm>>
      tpu.wait_dma2 semaphore(%run_scoped3A : memref<!tpu.dma_semaphore, #tpu.memory_space<semaphore_mem>>) src(%dma_wait3A_296 : memref<1024xi32, #tpu.memory_space<hbm>>) dst(%arg5 : memref<1024xi32, #tpu.memory_space<vmem>>)
      tpu.yield
    }) : () -> ()
    %dma_start3A = arith.constant 0 : i32
    %dma_start3A_35 = tpu.memref_slice %arg5[%dma_start3A] : memref<1024xi32, #tpu.memory_space<vmem>> -> memref<128xi32, #tpu.memory_space<vmem>>
    %dma_start3A_36 = arith.constant 0 : i32
    %dma_start3A_37 = arith.constant 0 : i32
    %dma_start3A_38 = tpu.memref_slice %arg2[%add3A_18, %dma_start3A_36, %dma_start3A_37] : memref<16x16384x128xf32, #tpu.memory_space<hbm>> -> memref<1x16384x128xf32, #tpu.memory_space<hbm>>
    %dma_start3A_39 = tpu.memref_squeeze %dma_start3A_38 : memref<1x16384x128xf32, #tpu.memory_space<hbm>> -> memref<16384x128xf32, #tpu.memory_space<hbm>>
    %dma_start3A_40 = arith.constant 0 : i32
    %dma_start3A_41 = arith.constant 0 : i32
    %dma_start3A_42 = tpu.memref_slice %dma_start3A_39[%dma_start3A_40, %dma_start3A_41] : memref<16384x128xf32, #tpu.memory_space<hbm>> -> memref<16384x128xf32, #tpu.memory_space<hbm>>
    tpu.enqueue_indirect_dma source(%dma_start3A_42 : memref<16384x128xf32, #tpu.memory_space<hbm>>) target(%arg6 : memref<128x128xf32, #tpu.memory_space<vmem>>) offsets(%dma_start3A_35 : memref<128xi32, #tpu.memory_space<vmem>>) semaphore(%arg10 : memref<!tpu.dma_semaphore, #tpu.memory_space<semaphore_mem>>)
    %dma_start3A_43 = arith.constant 128 : i32
    %dma_start3A_44 = tpu.memref_slice %arg5[%dma_start3A_43] : memref<1024xi32, #tpu.memory_space<vmem>> -> memref<128xi32, #tpu.memory_space<vmem>>
    %dma_start3A_45 = arith.constant 0 : i32
    %dma_start3A_46 = arith.constant 0 : i32
    %dma_start3A_47 = tpu.memref_slice %arg2[%add3A_18, %dma_start3A_45, %dma_start3A_46] : memref<16x16384x128xf32, #tpu.memory_space<hbm>> -> memref<1x16384x128xf32, #tpu.memory_space<hbm>>
    %dma_start3A_48 = tpu.memref_squeeze %dma_start3A_47 : memref<1x16384x128xf32, #tpu.memory_space<hbm>> -> memref<16384x128xf32, #tpu.memory_space<hbm>>
    %dma_start3A_49 = arith.constant 0 : i32
    %dma_start3A_50 = arith.constant 0 : i32
    %dma_start3A_51 = tpu.memref_slice %dma_start3A_48[%dma_start3A_49, %dma_start3A_50] : memref<16384x128xf32, #tpu.memory_space<hbm>> -> memref<16384x128xf32, #tpu.memory_space<hbm>>
    tpu.enqueue_indirect_dma source(%dma_start3A_51 : memref<16384x128xf32, #tpu.memory_space<hbm>>) target(%arg7 : memref<128x128xf32, #tpu.memory_space<vmem>>) offsets(%dma_start3A_44 : memref<128xi32, #tpu.memory_space<vmem>>) semaphore(%arg11 : memref<!tpu.dma_semaphore, #tpu.memory_space<semaphore_mem>>)
    %dma_wait3A = arith.constant 0 : i32
    %dma_wait3A_52 = tpu.memref_slice %arg5[%dma_wait3A] : memref<1024xi32, #tpu.memory_space<vmem>> -> memref<128xi32, #tpu.memory_space<vmem>>
    %dma_wait3A_53 = arith.constant 0 : i32
    %dma_wait3A_54 = arith.constant 0 : i32
    %dma_wait3A_55 = tpu.memref_slice %arg2[%add3A_18, %dma_wait3A_53, %dma_wait3A_54] : memref<16x16384x128xf32, #tpu.memory_space<hbm>> -> memref<1x16384x128xf32, #tpu.memory_space<hbm>>
    %dma_wait3A_56 = tpu.memref_squeeze %dma_wait3A_55 : memref<1x16384x128xf32, #tpu.memory_space<hbm>> -> memref<16384x128xf32, #tpu.memory_space<hbm>>
    %dma_wait3A_57 = arith.constant 0 : i32
    %dma_wait3A_58 = arith.constant 0 : i32
    %dma_wait3A_59 = tpu.memref_slice %dma_wait3A_56[%dma_wait3A_57, %dma_wait3A_58] : memref<16384x128xf32, #tpu.memory_space<hbm>> -> memref<16384x128xf32, #tpu.memory_space<hbm>>
    tpu.wait_indirect_dma semaphore(%arg10 : memref<!tpu.dma_semaphore, #tpu.memory_space<semaphore_mem>>) src(%dma_wait3A_59 : memref<16384x128xf32, #tpu.memory_space<hbm>>) dst(%arg6 : memref<128x128xf32, #tpu.memory_space<vmem>>)
    %add3A_60 = arith.constant 0 : i32
    %add3A_61 = arith.addi %mul3A_34, %add3A_60 : i32
    %dma_start3A_62 = arith.constant 0 : i32
    %dma_start3A_63 = tpu.memref_slice %arg4[%select_n3A, %add3A_61, %dma_start3A_62] : memref<4x8192x128xf32, #tpu.memory_space<hbm>> -> memref<1x128x128xf32, #tpu.memory_space<hbm>>
    %dma_start3A_64 = tpu.memref_squeeze %dma_start3A_63 : memref<1x128x128xf32, #tpu.memory_space<hbm>> -> memref<128x128xf32, #tpu.memory_space<hbm>>
    %dma_start3A_65 = arith.constant 0 : i32
    %dma_start3A_66 = tpu.memref_slice %arg4[%select_n3A, %add3A_61, %dma_start3A_65] : memref<4x8192x128xf32, #tpu.memory_space<hbm>> -> memref<1x128x128xf32, #tpu.memory_space<hbm>>
    %dma_start3A_67 = tpu.memref_squeeze %dma_start3A_66 : memref<1x128x128xf32, #tpu.memory_space<hbm>> -> memref<128x128xf32, #tpu.memory_space<hbm>>
    tpu.enqueue_dma source(%arg6 : memref<128x128xf32, #tpu.memory_space<vmem>>) target(%dma_start3A_67 : memref<128x128xf32, #tpu.memory_space<hbm>>) target_semaphore(%arg14 : memref<!tpu.dma_semaphore, #tpu.memory_space<semaphore_mem>>)
    %dma_start3A_68 = arith.constant 256 : i32
    %dma_start3A_69 = tpu.memref_slice %arg5[%dma_start3A_68] : memref<1024xi32, #tpu.memory_space<vmem>> -> memref<128xi32, #tpu.memory_space<vmem>>
    %dma_start3A_70 = arith.constant 0 : i32
    %dma_start3A_71 = arith.constant 0 : i32
    %dma_start3A_72 = tpu.memref_slice %arg2[%add3A_18, %dma_start3A_70, %dma_start3A_71] : memref<16x16384x128xf32, #tpu.memory_space<hbm>> -> memref<1x16384x128xf32, #tpu.memory_space<hbm>>
    %dma_start3A_73 = tpu.memref_squeeze %dma_start3A_72 : memref<1x16384x128xf32, #tpu.memory_space<hbm>> -> memref<16384x128xf32, #tpu.memory_space<hbm>>
    %dma_start3A_74 = arith.constant 0 : i32
    %dma_start3A_75 = arith.constant 0 : i32
    %dma_start3A_76 = tpu.memref_slice %dma_start3A_73[%dma_start3A_74, %dma_start3A_75] : memref<16384x128xf32, #tpu.memory_space<hbm>> -> memref<16384x128xf32, #tpu.memory_space<hbm>>
    tpu.enqueue_indirect_dma source(%dma_start3A_76 : memref<16384x128xf32, #tpu.memory_space<hbm>>) target(%arg8 : memref<128x128xf32, #tpu.memory_space<vmem>>) offsets(%dma_start3A_69 : memref<128xi32, #tpu.memory_space<vmem>>) semaphore(%arg12 : memref<!tpu.dma_semaphore, #tpu.memory_space<semaphore_mem>>)
    %dma_wait3A_77 = arith.constant 128 : i32
    %dma_wait3A_78 = tpu.memref_slice %arg5[%dma_wait3A_77] : memref<1024xi32, #tpu.memory_space<vmem>> -> memref<128xi32, #tpu.memory_space<vmem>>
    %dma_wait3A_79 = arith.constant 0 : i32
    %dma_wait3A_80 = arith.constant 0 : i32
    %dma_wait3A_81 = tpu.memref_slice %arg2[%add3A_18, %dma_wait3A_79, %dma_wait3A_80] : memref<16x16384x128xf32, #tpu.memory_space<hbm>> -> memref<1x16384x128xf32, #tpu.memory_space<hbm>>
    %dma_wait3A_82 = tpu.memref_squeeze %dma_wait3A_81 : memref<1x16384x128xf32, #tpu.memory_space<hbm>> -> memref<16384x128xf32, #tpu.memory_space<hbm>>
    %dma_wait3A_83 = arith.constant 0 : i32
    %dma_wait3A_84 = arith.constant 0 : i32
    %dma_wait3A_85 = tpu.memref_slice %dma_wait3A_82[%dma_wait3A_83, %dma_wait3A_84] : memref<16384x128xf32, #tpu.memory_space<hbm>> -> memref<16384x128xf32, #tpu.memory_space<hbm>>
    tpu.wait_indirect_dma semaphore(%arg11 : memref<!tpu.dma_semaphore, #tpu.memory_space<semaphore_mem>>) src(%dma_wait3A_85 : memref<16384x128xf32, #tpu.memory_space<hbm>>) dst(%arg7 : memref<128x128xf32, #tpu.memory_space<vmem>>)
    %add3A_86 = arith.constant 128 : i32
    %add3A_87 = arith.addi %mul3A_34, %add3A_86 : i32
    %dma_start3A_88 = arith.constant 0 : i32
    %dma_start3A_89 = tpu.memref_slice %arg4[%select_n3A, %add3A_87, %dma_start3A_88] : memref<4x8192x128xf32, #tpu.memory_space<hbm>> -> memref<1x128x128xf32, #tpu.memory_space<hbm>>
    %dma_start3A_90 = tpu.memref_squeeze %dma_start3A_89 : memref<1x128x128xf32, #tpu.memory_space<hbm>> -> memref<128x128xf32, #tpu.memory_space<hbm>>
    %dma_start3A_91 = arith.constant 0 : i32
    %dma_start3A_92 = tpu.memref_slice %arg4[%select_n3A, %add3A_87, %dma_start3A_91] : memref<4x8192x128xf32, #tpu.memory_space<hbm>> -> memref<1x128x128xf32, #tpu.memory_space<hbm>>
    %dma_start3A_93 = tpu.memref_squeeze %dma_start3A_92 : memref<1x128x128xf32, #tpu.memory_space<hbm>> -> memref<128x128xf32, #tpu.memory_space<hbm>>
    tpu.enqueue_dma source(%arg7 : memref<128x128xf32, #tpu.memory_space<vmem>>) target(%dma_start3A_93 : memref<128x128xf32, #tpu.memory_space<hbm>>) target_semaphore(%arg15 : memref<!tpu.dma_semaphore, #tpu.memory_space<semaphore_mem>>)
    %dma_start3A_94 = arith.constant 384 : i32
    %dma_start3A_95 = tpu.memref_slice %arg5[%dma_start3A_94] : memref<1024xi32, #tpu.memory_space<vmem>> -> memref<128xi32, #tpu.memory_space<vmem>>
    %dma_start3A_96 = arith.constant 0 : i32
    %dma_start3A_97 = arith.constant 0 : i32
    %dma_start3A_98 = tpu.memref_slice %arg2[%add3A_18, %dma_start3A_96, %dma_start3A_97] : memref<16x16384x128xf32, #tpu.memory_space<hbm>> -> memref<1x16384x128xf32, #tpu.memory_space<hbm>>
    %dma_start3A_99 = tpu.memref_squeeze %dma_start3A_98 : memref<1x16384x128xf32, #tpu.memory_space<hbm>> -> memref<16384x128xf32, #tpu.memory_space<hbm>>
    %dma_start3A_100 = arith.constant 0 : i32
    %dma_start3A_101 = arith.constant 0 : i32
    %dma_start3A_102 = tpu.memref_slice %dma_start3A_99[%dma_start3A_100, %dma_start3A_101] : memref<16384x128xf32, #tpu.memory_space<hbm>> -> memref<16384x128xf32, #tpu.memory_space<hbm>>
    tpu.enqueue_indirect_dma source(%dma_start3A_102 : memref<16384x128xf32, #tpu.memory_space<hbm>>) target(%arg9 : memref<128x128xf32, #tpu.memory_space<vmem>>) offsets(%dma_start3A_95 : memref<128xi32, #tpu.memory_space<vmem>>) semaphore(%arg13 : memref<!tpu.dma_semaphore, #tpu.memory_space<semaphore_mem>>)
    %dma_wait3A_103 = arith.constant 256 : i32
    %dma_wait3A_104 = tpu.memref_slice %arg5[%dma_wait3A_103] : memref<1024xi32, #tpu.memory_space<vmem>> -> memref<128xi32, #tpu.memory_space<vmem>>
    %dma_wait3A_105 = arith.constant 0 : i32
    %dma_wait3A_106 = arith.constant 0 : i32
    %dma_wait3A_107 = tpu.memref_slice %arg2[%add3A_18, %dma_wait3A_105, %dma_wait3A_106] : memref<16x16384x128xf32, #tpu.memory_space<hbm>> -> memref<1x16384x128xf32, #tpu.memory_space<hbm>>
    %dma_wait3A_108 = tpu.memref_squeeze %dma_wait3A_107 : memref<1x16384x128xf32, #tpu.memory_space<hbm>> -> memref<16384x128xf32, #tpu.memory_space<hbm>>
    %dma_wait3A_109 = arith.constant 0 : i32
    %dma_wait3A_110 = arith.constant 0 : i32
    %dma_wait3A_111 = tpu.memref_slice %dma_wait3A_108[%dma_wait3A_109, %dma_wait3A_110] : memref<16384x128xf32, #tpu.memory_space<hbm>> -> memref<16384x128xf32, #tpu.memory_space<hbm>>
    tpu.wait_indirect_dma semaphore(%arg12 : memref<!tpu.dma_semaphore, #tpu.memory_space<semaphore_mem>>) src(%dma_wait3A_111 : memref<16384x128xf32, #tpu.memory_space<hbm>>) dst(%arg8 : memref<128x128xf32, #tpu.memory_space<vmem>>)
    %add3A_112 = arith.constant 256 : i32
    %add3A_113 = arith.addi %mul3A_34, %add3A_112 : i32
    %dma_start3A_114 = arith.constant 0 : i32
    %dma_start3A_115 = tpu.memref_slice %arg4[%select_n3A, %add3A_113, %dma_start3A_114] : memref<4x8192x128xf32, #tpu.memory_space<hbm>> -> memref<1x128x128xf32, #tpu.memory_space<hbm>>
    %dma_start3A_116 = tpu.memref_squeeze %dma_start3A_115 : memref<1x128x128xf32, #tpu.memory_space<hbm>> -> memref<128x128xf32, #tpu.memory_space<hbm>>
    %dma_start3A_117 = arith.constant 0 : i32
    %dma_start3A_118 = tpu.memref_slice %arg4[%select_n3A, %add3A_113, %dma_start3A_117] : memref<4x8192x128xf32, #tpu.memory_space<hbm>> -> memref<1x128x128xf32, #tpu.memory_space<hbm>>
    %dma_start3A_119 = tpu.memref_squeeze %dma_start3A_118 : memref<1x128x128xf32, #tpu.memory_space<hbm>> -> memref<128x128xf32, #tpu.memory_space<hbm>>
    tpu.enqueue_dma source(%arg8 : memref<128x128xf32, #tpu.memory_space<vmem>>) target(%dma_start3A_119 : memref<128x128xf32, #tpu.memory_space<hbm>>) target_semaphore(%arg16 : memref<!tpu.dma_semaphore, #tpu.memory_space<semaphore_mem>>)
    %dma_wait3A_120 = arith.constant 0 : i32
    %dma_wait3A_121 = tpu.memref_slice %arg4[%select_n3A, %add3A_61, %dma_wait3A_120] : memref<4x8192x128xf32, #tpu.memory_space<hbm>> -> memref<1x128x128xf32, #tpu.memory_space<hbm>>
    %dma_wait3A_122 = tpu.memref_squeeze %dma_wait3A_121 : memref<1x128x128xf32, #tpu.memory_space<hbm>> -> memref<128x128xf32, #tpu.memory_space<hbm>>
    %dma_wait3A_123 = arith.constant 0 : i32
    %dma_wait3A_124 = tpu.memref_slice %arg4[%select_n3A, %add3A_61, %dma_wait3A_123] : memref<4x8192x128xf32, #tpu.memory_space<hbm>> -> memref<1x128x128xf32, #tpu.memory_space<hbm>>
    %dma_wait3A_125 = tpu.memref_squeeze %dma_wait3A_124 : memref<1x128x128xf32, #tpu.memory_space<hbm>> -> memref<128x128xf32, #tpu.memory_space<hbm>>
    tpu.wait_dma2 semaphore(%arg14 : memref<!tpu.dma_semaphore, #tpu.memory_space<semaphore_mem>>) src(%arg6 : memref<128x128xf32, #tpu.memory_space<vmem>>) dst(%dma_wait3A_125 : memref<128x128xf32, #tpu.memory_space<hbm>>)
    %dma_start3A_126 = arith.constant 512 : i32
    %dma_start3A_127 = tpu.memref_slice %arg5[%dma_start3A_126] : memref<1024xi32, #tpu.memory_space<vmem>> -> memref<128xi32, #tpu.memory_space<vmem>>
    %dma_start3A_128 = arith.constant 0 : i32
    %dma_start3A_129 = arith.constant 0 : i32
    %dma_start3A_130 = tpu.memref_slice %arg2[%add3A_18, %dma_start3A_128, %dma_start3A_129] : memref<16x16384x128xf32, #tpu.memory_space<hbm>> -> memref<1x16384x128xf32, #tpu.memory_space<hbm>>
    %dma_start3A_131 = tpu.memref_squeeze %dma_start3A_130 : memref<1x16384x128xf32, #tpu.memory_space<hbm>> -> memref<16384x128xf32, #tpu.memory_space<hbm>>
    %dma_start3A_132 = arith.constant 0 : i32
    %dma_start3A_133 = arith.constant 0 : i32
    %dma_start3A_134 = tpu.memref_slice %dma_start3A_131[%dma_start3A_132, %dma_start3A_133] : memref<16384x128xf32, #tpu.memory_space<hbm>> -> memref<16384x128xf32, #tpu.memory_space<hbm>>
    tpu.enqueue_indirect_dma source(%dma_start3A_134 : memref<16384x128xf32, #tpu.memory_space<hbm>>) target(%arg6 : memref<128x128xf32, #tpu.memory_space<vmem>>) offsets(%dma_start3A_127 : memref<128xi32, #tpu.memory_space<vmem>>) semaphore(%arg10 : memref<!tpu.dma_semaphore, #tpu.memory_space<semaphore_mem>>)
    %dma_wait3A_135 = arith.constant 384 : i32
    %dma_wait3A_136 = tpu.memref_slice %arg5[%dma_wait3A_135] : memref<1024xi32, #tpu.memory_space<vmem>> -> memref<128xi32, #tpu.memory_space<vmem>>
    %dma_wait3A_137 = arith.constant 0 : i32
    %dma_wait3A_138 = arith.constant 0 : i32
    %dma_wait3A_139 = tpu.memref_slice %arg2[%add3A_18, %dma_wait3A_137, %dma_wait3A_138] : memref<16x16384x128xf32, #tpu.memory_space<hbm>> -> memref<1x16384x128xf32, #tpu.memory_space<hbm>>
    %dma_wait3A_140 = tpu.memref_squeeze %dma_wait3A_139 : memref<1x16384x128xf32, #tpu.memory_space<hbm>> -> memref<16384x128xf32, #tpu.memory_space<hbm>>
    %dma_wait3A_141 = arith.constant 0 : i32
    %dma_wait3A_142 = arith.constant 0 : i32
    %dma_wait3A_143 = tpu.memref_slice %dma_wait3A_140[%dma_wait3A_141, %dma_wait3A_142] : memref<16384x128xf32, #tpu.memory_space<hbm>> -> memref<16384x128xf32, #tpu.memory_space<hbm>>
    tpu.wait_indirect_dma semaphore(%arg13 : memref<!tpu.dma_semaphore, #tpu.memory_space<semaphore_mem>>) src(%dma_wait3A_143 : memref<16384x128xf32, #tpu.memory_space<hbm>>) dst(%arg9 : memref<128x128xf32, #tpu.memory_space<vmem>>)
    %add3A_144 = arith.constant 384 : i32
    %add3A_145 = arith.addi %mul3A_34, %add3A_144 : i32
    %dma_start3A_146 = arith.constant 0 : i32
    %dma_start3A_147 = tpu.memref_slice %arg4[%select_n3A, %add3A_145, %dma_start3A_146] : memref<4x8192x128xf32, #tpu.memory_space<hbm>> -> memref<1x128x128xf32, #tpu.memory_space<hbm>>
    %dma_start3A_148 = tpu.memref_squeeze %dma_start3A_147 : memref<1x128x128xf32, #tpu.memory_space<hbm>> -> memref<128x128xf32, #tpu.memory_space<hbm>>
    %dma_start3A_149 = arith.constant 0 : i32
    %dma_start3A_150 = tpu.memref_slice %arg4[%select_n3A, %add3A_145, %dma_start3A_149] : memref<4x8192x128xf32, #tpu.memory_space<hbm>> -> memref<1x128x128xf32, #tpu.memory_space<hbm>>
    %dma_start3A_151 = tpu.memref_squeeze %dma_start3A_150 : memref<1x128x128xf32, #tpu.memory_space<hbm>> -> memref<128x128xf32, #tpu.memory_space<hbm>>
    tpu.enqueue_dma source(%arg9 : memref<128x128xf32, #tpu.memory_space<vmem>>) target(%dma_start3A_151 : memref<128x128xf32, #tpu.memory_space<hbm>>) target_semaphore(%arg17 : memref<!tpu.dma_semaphore, #tpu.memory_space<semaphore_mem>>)
    %dma_wait3A_152 = arith.constant 0 : i32
    %dma_wait3A_153 = tpu.memref_slice %arg4[%select_n3A, %add3A_87, %dma_wait3A_152] : memref<4x8192x128xf32, #tpu.memory_space<hbm>> -> memref<1x128x128xf32, #tpu.memory_space<hbm>>
    %dma_wait3A_154 = tpu.memref_squeeze %dma_wait3A_153 : memref<1x128x128xf32, #tpu.memory_space<hbm>> -> memref<128x128xf32, #tpu.memory_space<hbm>>
    %dma_wait3A_155 = arith.constant 0 : i32
    %dma_wait3A_156 = tpu.memref_slice %arg4[%select_n3A, %add3A_87, %dma_wait3A_155] : memref<4x8192x128xf32, #tpu.memory_space<hbm>> -> memref<1x128x128xf32, #tpu.memory_space<hbm>>
    %dma_wait3A_157 = tpu.memref_squeeze %dma_wait3A_156 : memref<1x128x128xf32, #tpu.memory_space<hbm>> -> memref<128x128xf32, #tpu.memory_space<hbm>>
    tpu.wait_dma2 semaphore(%arg15 : memref<!tpu.dma_semaphore, #tpu.memory_space<semaphore_mem>>) src(%arg7 : memref<128x128xf32, #tpu.memory_space<vmem>>) dst(%dma_wait3A_157 : memref<128x128xf32, #tpu.memory_space<hbm>>)
    %dma_start3A_158 = arith.constant 640 : i32
    %dma_start3A_159 = tpu.memref_slice %arg5[%dma_start3A_158] : memref<1024xi32, #tpu.memory_space<vmem>> -> memref<128xi32, #tpu.memory_space<vmem>>
    %dma_start3A_160 = arith.constant 0 : i32
    %dma_start3A_161 = arith.constant 0 : i32
    %dma_start3A_162 = tpu.memref_slice %arg2[%add3A_18, %dma_start3A_160, %dma_start3A_161] : memref<16x16384x128xf32, #tpu.memory_space<hbm>> -> memref<1x16384x128xf32, #tpu.memory_space<hbm>>
    %dma_start3A_163 = tpu.memref_squeeze %dma_start3A_162 : memref<1x16384x128xf32, #tpu.memory_space<hbm>> -> memref<16384x128xf32, #tpu.memory_space<hbm>>
    %dma_start3A_164 = arith.constant 0 : i32
    %dma_start3A_165 = arith.constant 0 : i32
    %dma_start3A_166 = tpu.memref_slice %dma_start3A_163[%dma_start3A_164, %dma_start3A_165] : memref<16384x128xf32, #tpu.memory_space<hbm>> -> memref<16384x128xf32, #tpu.memory_space<hbm>>
    tpu.enqueue_indirect_dma source(%dma_start3A_166 : memref<16384x128xf32, #tpu.memory_space<hbm>>) target(%arg7 : memref<128x128xf32, #tpu.memory_space<vmem>>) offsets(%dma_start3A_159 : memref<128xi32, #tpu.memory_space<vmem>>) semaphore(%arg11 : memref<!tpu.dma_semaphore, #tpu.memory_space<semaphore_mem>>)
    %dma_wait3A_167 = arith.constant 512 : i32
    %dma_wait3A_168 = tpu.memref_slice %arg5[%dma_wait3A_167] : memref<1024xi32, #tpu.memory_space<vmem>> -> memref<128xi32, #tpu.memory_space<vmem>>
    %dma_wait3A_169 = arith.constant 0 : i32
    %dma_wait3A_170 = arith.constant 0 : i32
    %dma_wait3A_171 = tpu.memref_slice %arg2[%add3A_18, %dma_wait3A_169, %dma_wait3A_170] : memref<16x16384x128xf32, #tpu.memory_space<hbm>> -> memref<1x16384x128xf32, #tpu.memory_space<hbm>>
    %dma_wait3A_172 = tpu.memref_squeeze %dma_wait3A_171 : memref<1x16384x128xf32, #tpu.memory_space<hbm>> -> memref<16384x128xf32, #tpu.memory_space<hbm>>
    %dma_wait3A_173 = arith.constant 0 : i32
    %dma_wait3A_174 = arith.constant 0 : i32
    %dma_wait3A_175 = tpu.memref_slice %dma_wait3A_172[%dma_wait3A_173, %dma_wait3A_174] : memref<16384x128xf32, #tpu.memory_space<hbm>> -> memref<16384x128xf32, #tpu.memory_space<hbm>>
    tpu.wait_indirect_dma semaphore(%arg10 : memref<!tpu.dma_semaphore, #tpu.memory_space<semaphore_mem>>) src(%dma_wait3A_175 : memref<16384x128xf32, #tpu.memory_space<hbm>>) dst(%arg6 : memref<128x128xf32, #tpu.memory_space<vmem>>)
    %add3A_176 = arith.constant 512 : i32
    %add3A_177 = arith.addi %mul3A_34, %add3A_176 : i32
    %dma_start3A_178 = arith.constant 0 : i32
    %dma_start3A_179 = tpu.memref_slice %arg4[%select_n3A, %add3A_177, %dma_start3A_178] : memref<4x8192x128xf32, #tpu.memory_space<hbm>> -> memref<1x128x128xf32, #tpu.memory_space<hbm>>
    %dma_start3A_180 = tpu.memref_squeeze %dma_start3A_179 : memref<1x128x128xf32, #tpu.memory_space<hbm>> -> memref<128x128xf32, #tpu.memory_space<hbm>>
    %dma_start3A_181 = arith.constant 0 : i32
    %dma_start3A_182 = tpu.memref_slice %arg4[%select_n3A, %add3A_177, %dma_start3A_181] : memref<4x8192x128xf32, #tpu.memory_space<hbm>> -> memref<1x128x128xf32, #tpu.memory_space<hbm>>
    %dma_start3A_183 = tpu.memref_squeeze %dma_start3A_182 : memref<1x128x128xf32, #tpu.memory_space<hbm>> -> memref<128x128xf32, #tpu.memory_space<hbm>>
    tpu.enqueue_dma source(%arg6 : memref<128x128xf32, #tpu.memory_space<vmem>>) target(%dma_start3A_183 : memref<128x128xf32, #tpu.memory_space<hbm>>) target_semaphore(%arg14 : memref<!tpu.dma_semaphore, #tpu.memory_space<semaphore_mem>>)
    %dma_wait3A_184 = arith.constant 0 : i32
    %dma_wait3A_185 = tpu.memref_slice %arg4[%select_n3A, %add3A_113, %dma_wait3A_184] : memref<4x8192x128xf32, #tpu.memory_space<hbm>> -> memref<1x128x128xf32, #tpu.memory_space<hbm>>
    %dma_wait3A_186 = tpu.memref_squeeze %dma_wait3A_185 : memref<1x128x128xf32, #tpu.memory_space<hbm>> -> memref<128x128xf32, #tpu.memory_space<hbm>>
    %dma_wait3A_187 = arith.constant 0 : i32
    %dma_wait3A_188 = tpu.memref_slice %arg4[%select_n3A, %add3A_113, %dma_wait3A_187] : memref<4x8192x128xf32, #tpu.memory_space<hbm>> -> memref<1x128x128xf32, #tpu.memory_space<hbm>>
    %dma_wait3A_189 = tpu.memref_squeeze %dma_wait3A_188 : memref<1x128x128xf32, #tpu.memory_space<hbm>> -> memref<128x128xf32, #tpu.memory_space<hbm>>
    tpu.wait_dma2 semaphore(%arg16 : memref<!tpu.dma_semaphore, #tpu.memory_space<semaphore_mem>>) src(%arg8 : memref<128x128xf32, #tpu.memory_space<vmem>>) dst(%dma_wait3A_189 : memref<128x128xf32, #tpu.memory_space<hbm>>)
    %dma_start3A_190 = arith.constant 768 : i32
    %dma_start3A_191 = tpu.memref_slice %arg5[%dma_start3A_190] : memref<1024xi32, #tpu.memory_space<vmem>> -> memref<128xi32, #tpu.memory_space<vmem>>
    %dma_start3A_192 = arith.constant 0 : i32
    %dma_start3A_193 = arith.constant 0 : i32
    %dma_start3A_194 = tpu.memref_slice %arg2[%add3A_18, %dma_start3A_192, %dma_start3A_193] : memref<16x16384x128xf32, #tpu.memory_space<hbm>> -> memref<1x16384x128xf32, #tpu.memory_space<hbm>>
    %dma_start3A_195 = tpu.memref_squeeze %dma_start3A_194 : memref<1x16384x128xf32, #tpu.memory_space<hbm>> -> memref<16384x128xf32, #tpu.memory_space<hbm>>
    %dma_start3A_196 = arith.constant 0 : i32
    %dma_start3A_197 = arith.constant 0 : i32
    %dma_start3A_198 = tpu.memref_slice %dma_start3A_195[%dma_start3A_196, %dma_start3A_197] : memref<16384x128xf32, #tpu.memory_space<hbm>> -> memref<16384x128xf32, #tpu.memory_space<hbm>>
    tpu.enqueue_indirect_dma source(%dma_start3A_198 : memref<16384x128xf32, #tpu.memory_space<hbm>>) target(%arg8 : memref<128x128xf32, #tpu.memory_space<vmem>>) offsets(%dma_start3A_191 : memref<128xi32, #tpu.memory_space<vmem>>) semaphore(%arg12 : memref<!tpu.dma_semaphore, #tpu.memory_space<semaphore_mem>>)
    %dma_wait3A_199 = arith.constant 640 : i32
    %dma_wait3A_200 = tpu.memref_slice %arg5[%dma_wait3A_199] : memref<1024xi32, #tpu.memory_space<vmem>> -> memref<128xi32, #tpu.memory_space<vmem>>
    %dma_wait3A_201 = arith.constant 0 : i32
    %dma_wait3A_202 = arith.constant 0 : i32
    %dma_wait3A_203 = tpu.memref_slice %arg2[%add3A_18, %dma_wait3A_201, %dma_wait3A_202] : memref<16x16384x128xf32, #tpu.memory_space<hbm>> -> memref<1x16384x128xf32, #tpu.memory_space<hbm>>
    %dma_wait3A_204 = tpu.memref_squeeze %dma_wait3A_203 : memref<1x16384x128xf32, #tpu.memory_space<hbm>> -> memref<16384x128xf32, #tpu.memory_space<hbm>>
    %dma_wait3A_205 = arith.constant 0 : i32
    %dma_wait3A_206 = arith.constant 0 : i32
    %dma_wait3A_207 = tpu.memref_slice %dma_wait3A_204[%dma_wait3A_205, %dma_wait3A_206] : memref<16384x128xf32, #tpu.memory_space<hbm>> -> memref<16384x128xf32, #tpu.memory_space<hbm>>
    tpu.wait_indirect_dma semaphore(%arg11 : memref<!tpu.dma_semaphore, #tpu.memory_space<semaphore_mem>>) src(%dma_wait3A_207 : memref<16384x128xf32, #tpu.memory_space<hbm>>) dst(%arg7 : memref<128x128xf32, #tpu.memory_space<vmem>>)
    %add3A_208 = arith.constant 640 : i32
    %add3A_209 = arith.addi %mul3A_34, %add3A_208 : i32
    %dma_start3A_210 = arith.constant 0 : i32
    %dma_start3A_211 = tpu.memref_slice %arg4[%select_n3A, %add3A_209, %dma_start3A_210] : memref<4x8192x128xf32, #tpu.memory_space<hbm>> -> memref<1x128x128xf32, #tpu.memory_space<hbm>>
    %dma_start3A_212 = tpu.memref_squeeze %dma_start3A_211 : memref<1x128x128xf32, #tpu.memory_space<hbm>> -> memref<128x128xf32, #tpu.memory_space<hbm>>
    %dma_start3A_213 = arith.constant 0 : i32
    %dma_start3A_214 = tpu.memref_slice %arg4[%select_n3A, %add3A_209, %dma_start3A_213] : memref<4x8192x128xf32, #tpu.memory_space<hbm>> -> memref<1x128x128xf32, #tpu.memory_space<hbm>>
    %dma_start3A_215 = tpu.memref_squeeze %dma_start3A_214 : memref<1x128x128xf32, #tpu.memory_space<hbm>> -> memref<128x128xf32, #tpu.memory_space<hbm>>
    tpu.enqueue_dma source(%arg7 : memref<128x128xf32, #tpu.memory_space<vmem>>) target(%dma_start3A_215 : memref<128x128xf32, #tpu.memory_space<hbm>>) target_semaphore(%arg15 : memref<!tpu.dma_semaphore, #tpu.memory_space<semaphore_mem>>)
    %dma_wait3A_216 = arith.constant 0 : i32
    %dma_wait3A_217 = tpu.memref_slice %arg4[%select_n3A, %add3A_145, %dma_wait3A_216] : memref<4x8192x128xf32, #tpu.memory_space<hbm>> -> memref<1x128x128xf32, #tpu.memory_space<hbm>>
    %dma_wait3A_218 = tpu.memref_squeeze %dma_wait3A_217 : memref<1x128x128xf32, #tpu.memory_space<hbm>> -> memref<128x128xf32, #tpu.memory_space<hbm>>
    %dma_wait3A_219 = arith.constant 0 : i32
    %dma_wait3A_220 = tpu.memref_slice %arg4[%select_n3A, %add3A_145, %dma_wait3A_219] : memref<4x8192x128xf32, #tpu.memory_space<hbm>> -> memref<1x128x128xf32, #tpu.memory_space<hbm>>
    %dma_wait3A_221 = tpu.memref_squeeze %dma_wait3A_220 : memref<1x128x128xf32, #tpu.memory_space<hbm>> -> memref<128x128xf32, #tpu.memory_space<hbm>>
    tpu.wait_dma2 semaphore(%arg17 : memref<!tpu.dma_semaphore, #tpu.memory_space<semaphore_mem>>) src(%arg9 : memref<128x128xf32, #tpu.memory_space<vmem>>) dst(%dma_wait3A_221 : memref<128x128xf32, #tpu.memory_space<hbm>>)
    %dma_start3A_222 = arith.constant 896 : i32
    %dma_start3A_223 = tpu.memref_slice %arg5[%dma_start3A_222] : memref<1024xi32, #tpu.memory_space<vmem>> -> memref<128xi32, #tpu.memory_space<vmem>>
    %dma_start3A_224 = arith.constant 0 : i32
    %dma_start3A_225 = arith.constant 0 : i32
    %dma_start3A_226 = tpu.memref_slice %arg2[%add3A_18, %dma_start3A_224, %dma_start3A_225] : memref<16x16384x128xf32, #tpu.memory_space<hbm>> -> memref<1x16384x128xf32, #tpu.memory_space<hbm>>
    %dma_start3A_227 = tpu.memref_squeeze %dma_start3A_226 : memref<1x16384x128xf32, #tpu.memory_space<hbm>> -> memref<16384x128xf32, #tpu.memory_space<hbm>>
    %dma_start3A_228 = arith.constant 0 : i32
    %dma_start3A_229 = arith.constant 0 : i32
    %dma_start3A_230 = tpu.memref_slice %dma_start3A_227[%dma_start3A_228, %dma_start3A_229] : memref<16384x128xf32, #tpu.memory_space<hbm>> -> memref<16384x128xf32, #tpu.memory_space<hbm>>
    tpu.enqueue_indirect_dma source(%dma_start3A_230 : memref<16384x128xf32, #tpu.memory_space<hbm>>) target(%arg9 : memref<128x128xf32, #tpu.memory_space<vmem>>) offsets(%dma_start3A_223 : memref<128xi32, #tpu.memory_space<vmem>>) semaphore(%arg13 : memref<!tpu.dma_semaphore, #tpu.memory_space<semaphore_mem>>)
    %dma_wait3A_231 = arith.constant 768 : i32
    %dma_wait3A_232 = tpu.memref_slice %arg5[%dma_wait3A_231] : memref<1024xi32, #tpu.memory_space<vmem>> -> memref<128xi32, #tpu.memory_space<vmem>>
    %dma_wait3A_233 = arith.constant 0 : i32
    %dma_wait3A_234 = arith.constant 0 : i32
    %dma_wait3A_235 = tpu.memref_slice %arg2[%add3A_18, %dma_wait3A_233, %dma_wait3A_234] : memref<16x16384x128xf32, #tpu.memory_space<hbm>> -> memref<1x16384x128xf32, #tpu.memory_space<hbm>>
    %dma_wait3A_236 = tpu.memref_squeeze %dma_wait3A_235 : memref<1x16384x128xf32, #tpu.memory_space<hbm>> -> memref<16384x128xf32, #tpu.memory_space<hbm>>
    %dma_wait3A_237 = arith.constant 0 : i32
    %dma_wait3A_238 = arith.constant 0 : i32
    %dma_wait3A_239 = tpu.memref_slice %dma_wait3A_236[%dma_wait3A_237, %dma_wait3A_238] : memref<16384x128xf32, #tpu.memory_space<hbm>> -> memref<16384x128xf32, #tpu.memory_space<hbm>>
    tpu.wait_indirect_dma semaphore(%arg12 : memref<!tpu.dma_semaphore, #tpu.memory_space<semaphore_mem>>) src(%dma_wait3A_239 : memref<16384x128xf32, #tpu.memory_space<hbm>>) dst(%arg8 : memref<128x128xf32, #tpu.memory_space<vmem>>)
    %add3A_240 = arith.constant 768 : i32
    %add3A_241 = arith.addi %mul3A_34, %add3A_240 : i32
    %dma_start3A_242 = arith.constant 0 : i32
    %dma_start3A_243 = tpu.memref_slice %arg4[%select_n3A, %add3A_241, %dma_start3A_242] : memref<4x8192x128xf32, #tpu.memory_space<hbm>> -> memref<1x128x128xf32, #tpu.memory_space<hbm>>
    %dma_start3A_244 = tpu.memref_squeeze %dma_start3A_243 : memref<1x128x128xf32, #tpu.memory_space<hbm>> -> memref<128x128xf32, #tpu.memory_space<hbm>>
    %dma_start3A_245 = arith.constant 0 : i32
    %dma_start3A_246 = tpu.memref_slice %arg4[%select_n3A, %add3A_241, %dma_start3A_245] : memref<4x8192x128xf32, #tpu.memory_space<hbm>> -> memref<1x128x128xf32, #tpu.memory_space<hbm>>
    %dma_start3A_247 = tpu.memref_squeeze %dma_start3A_246 : memref<1x128x128xf32, #tpu.memory_space<hbm>> -> memref<128x128xf32, #tpu.memory_space<hbm>>
    tpu.enqueue_dma source(%arg8 : memref<128x128xf32, #tpu.memory_space<vmem>>) target(%dma_start3A_247 : memref<128x128xf32, #tpu.memory_space<hbm>>) target_semaphore(%arg16 : memref<!tpu.dma_semaphore, #tpu.memory_space<semaphore_mem>>)
    %dma_wait3A_248 = arith.constant 896 : i32
    %dma_wait3A_249 = tpu.memref_slice %arg5[%dma_wait3A_248] : memref<1024xi32, #tpu.memory_space<vmem>> -> memref<128xi32, #tpu.memory_space<vmem>>
    %dma_wait3A_250 = arith.constant 0 : i32
    %dma_wait3A_251 = arith.constant 0 : i32
    %dma_wait3A_252 = tpu.memref_slice %arg2[%add3A_18, %dma_wait3A_250, %dma_wait3A_251] : memref<16x16384x128xf32, #tpu.memory_space<hbm>> -> memref<1x16384x128xf32, #tpu.memory_space<hbm>>
    %dma_wait3A_253 = tpu.memref_squeeze %dma_wait3A_252 : memref<1x16384x128xf32, #tpu.memory_space<hbm>> -> memref<16384x128xf32, #tpu.memory_space<hbm>>
    %dma_wait3A_254 = arith.constant 0 : i32
    %dma_wait3A_255 = arith.constant 0 : i32
    %dma_wait3A_256 = tpu.memref_slice %dma_wait3A_253[%dma_wait3A_254, %dma_wait3A_255] : memref<16384x128xf32, #tpu.memory_space<hbm>> -> memref<16384x128xf32, #tpu.memory_space<hbm>>
    tpu.wait_indirect_dma semaphore(%arg13 : memref<!tpu.dma_semaphore, #tpu.memory_space<semaphore_mem>>) src(%dma_wait3A_256 : memref<16384x128xf32, #tpu.memory_space<hbm>>) dst(%arg9 : memref<128x128xf32, #tpu.memory_space<vmem>>)
    %add3A_257 = arith.constant 896 : i32
    %add3A_258 = arith.addi %mul3A_34, %add3A_257 : i32
    %dma_start3A_259 = arith.constant 0 : i32
    %dma_start3A_260 = tpu.memref_slice %arg4[%select_n3A, %add3A_258, %dma_start3A_259] : memref<4x8192x128xf32, #tpu.memory_space<hbm>> -> memref<1x128x128xf32, #tpu.memory_space<hbm>>
    %dma_start3A_261 = tpu.memref_squeeze %dma_start3A_260 : memref<1x128x128xf32, #tpu.memory_space<hbm>> -> memref<128x128xf32, #tpu.memory_space<hbm>>
    %dma_start3A_262 = arith.constant 0 : i32
    %dma_start3A_263 = tpu.memref_slice %arg4[%select_n3A, %add3A_258, %dma_start3A_262] : memref<4x8192x128xf32, #tpu.memory_space<hbm>> -> memref<1x128x128xf32, #tpu.memory_space<hbm>>
    %dma_start3A_264 = tpu.memref_squeeze %dma_start3A_263 : memref<1x128x128xf32, #tpu.memory_space<hbm>> -> memref<128x128xf32, #tpu.memory_space<hbm>>
    tpu.enqueue_dma source(%arg9 : memref<128x128xf32, #tpu.memory_space<vmem>>) target(%dma_start3A_264 : memref<128x128xf32, #tpu.memory_space<hbm>>) target_semaphore(%arg17 : memref<!tpu.dma_semaphore, #tpu.memory_space<semaphore_mem>>)
    %dma_wait3A_265 = arith.constant 0 : i32
    %dma_wait3A_266 = tpu.memref_slice %arg4[%select_n3A, %add3A_177, %dma_wait3A_265] : memref<4x8192x128xf32, #tpu.memory_space<hbm>> -> memref<1x128x128xf32, #tpu.memory_space<hbm>>
    %dma_wait3A_267 = tpu.memref_squeeze %dma_wait3A_266 : memref<1x128x128xf32, #tpu.memory_space<hbm>> -> memref<128x128xf32, #tpu.memory_space<hbm>>
    %dma_wait3A_268 = arith.constant 0 : i32
    %dma_wait3A_269 = tpu.memref_slice %arg4[%select_n3A, %add3A_177, %dma_wait3A_268] : memref<4x8192x128xf32, #tpu.memory_space<hbm>> -> memref<1x128x128xf32, #tpu.memory_space<hbm>>
    %dma_wait3A_270 = tpu.memref_squeeze %dma_wait3A_269 : memref<1x128x128xf32, #tpu.memory_space<hbm>> -> memref<128x128xf32, #tpu.memory_space<hbm>>
    tpu.wait_dma2 semaphore(%arg14 : memref<!tpu.dma_semaphore, #tpu.memory_space<semaphore_mem>>) src(%arg6 : memref<128x128xf32, #tpu.memory_space<vmem>>) dst(%dma_wait3A_270 : memref<128x128xf32, #tpu.memory_space<hbm>>)
    %dma_wait3A_271 = arith.constant 0 : i32
    %dma_wait3A_272 = tpu.memref_slice %arg4[%select_n3A, %add3A_209, %dma_wait3A_271] : memref<4x8192x128xf32, #tpu.memory_space<hbm>> -> memref<1x128x128xf32, #tpu.memory_space<hbm>>
    %dma_wait3A_273 = tpu.memref_squeeze %dma_wait3A_272 : memref<1x128x128xf32, #tpu.memory_space<hbm>> -> memref<128x128xf32, #tpu.memory_space<hbm>>
    %dma_wait3A_274 = arith.constant 0 : i32
    %dma_wait3A_275 = tpu.memref_slice %arg4[%select_n3A, %add3A_209, %dma_wait3A_274] : memref<4x8192x128xf32, #tpu.memory_space<hbm>> -> memref<1x128x128xf32, #tpu.memory_space<hbm>>
    %dma_wait3A_276 = tpu.memref_squeeze %dma_wait3A_275 : memref<1x128x128xf32, #tpu.memory_space<hbm>> -> memref<128x128xf32, #tpu.memory_space<hbm>>
    tpu.wait_dma2 semaphore(%arg15 : memref<!tpu.dma_semaphore, #tpu.memory_space<semaphore_mem>>) src(%arg7 : memref<128x128xf32, #tpu.memory_space<vmem>>) dst(%dma_wait3A_276 : memref<128x128xf32, #tpu.memory_space<hbm>>)
    %dma_wait3A_277 = arith.constant 0 : i32
    %dma_wait3A_278 = tpu.memref_slice %arg4[%select_n3A, %add3A_241, %dma_wait3A_277] : memref<4x8192x128xf32, #tpu.memory_space<hbm>> -> memref<1x128x128xf32, #tpu.memory_space<hbm>>
    %dma_wait3A_279 = tpu.memref_squeeze %dma_wait3A_278 : memref<1x128x128xf32, #tpu.memory_space<hbm>> -> memref<128x128xf32, #tpu.memory_space<hbm>>
    %dma_wait3A_280 = arith.constant 0 : i32
    %dma_wait3A_281 = tpu.memref_slice %arg4[%select_n3A, %add3A_241, %dma_wait3A_280] : memref<4x8192x128xf32, #tpu.memory_space<hbm>> -> memref<1x128x128xf32, #tpu.memory_space<hbm>>
    %dma_wait3A_282 = tpu.memref_squeeze %dma_wait3A_281 : memref<1x128x128xf32, #tpu.memory_space<hbm>> -> memref<128x128xf32, #tpu.memory_space<hbm>>
    tpu.wait_dma2 semaphore(%arg16 : memref<!tpu.dma_semaphore, #tpu.memory_space<semaphore_mem>>) src(%arg8 : memref<128x128xf32, #tpu.memory_space<vmem>>) dst(%dma_wait3A_282 : memref<128x128xf32, #tpu.memory_space<hbm>>)
    %dma_wait3A_283 = arith.constant 0 : i32
    %dma_wait3A_284 = tpu.memref_slice %arg4[%select_n3A, %add3A_258, %dma_wait3A_283] : memref<4x8192x128xf32, #tpu.memory_space<hbm>> -> memref<1x128x128xf32, #tpu.memory_space<hbm>>
    %dma_wait3A_285 = tpu.memref_squeeze %dma_wait3A_284 : memref<1x128x128xf32, #tpu.memory_space<hbm>> -> memref<128x128xf32, #tpu.memory_space<hbm>>
    %dma_wait3A_286 = arith.constant 0 : i32
    %dma_wait3A_287 = tpu.memref_slice %arg4[%select_n3A, %add3A_258, %dma_wait3A_286] : memref<4x8192x128xf32, #tpu.memory_space<hbm>> -> memref<1x128x128xf32, #tpu.memory_space<hbm>>
    %dma_wait3A_288 = tpu.memref_squeeze %dma_wait3A_287 : memref<1x128x128xf32, #tpu.memory_space<hbm>> -> memref<128x128xf32, #tpu.memory_space<hbm>>
    tpu.wait_dma2 semaphore(%arg17 : memref<!tpu.dma_semaphore, #tpu.memory_space<semaphore_mem>>) src(%arg9 : memref<128x128xf32, #tpu.memory_space<vmem>>) dst(%dma_wait3A_288 : memref<128x128xf32, #tpu.memory_space<hbm>>)
    return
  }
}

#map = affine_map<(d0, d1) -> (0, 0, 0)>
#map1 = affine_map<(d0, d1) -> (0, 0)>
module attributes {stable_mosaic.version = 14 : i64} {
  func.func @gather(%arg0: i32, %arg1: i32, %arg2: memref<16x16384x128xf32, #tpu.memory_space<hbm>>, %arg3: memref<16x8192xi32, #tpu.memory_space<hbm>>, %arg4: memref<4x8192x128xf32, #tpu.memory_space<hbm>>, %arg5: memref<1024xi32, #tpu.memory_space<vmem>>, %arg6: memref<128x128xf32, #tpu.memory_space<vmem>>, %arg7: memref<128x128xf32, #tpu.memory_space<vmem>>, %arg8: memref<128x128xf32, #tpu.memory_space<vmem>>, %arg9: memref<128x128xf32, #tpu.memory_space<vmem>>, %arg10: memref<!tpu.dma_semaphore, #tpu.memory_space<semaphore_mem>>, %arg11: memref<!tpu.dma_semaphore, #tpu.memory_space<semaphore_mem>>, %arg12: memref<!tpu.dma_semaphore, #tpu.memory_space<semaphore_mem>>, %arg13: memref<!tpu.dma_semaphore, #tpu.memory_space<semaphore_mem>>, %arg14: memref<!tpu.dma_semaphore, #tpu.memory_space<semaphore_mem>>, %arg15: memref<!tpu.dma_semaphore, #tpu.memory_space<semaphore_mem>>, %arg16: memref<!tpu.dma_semaphore, #tpu.memory_space<semaphore_mem>>, %arg17: memref<!tpu.dma_semaphore, #tpu.memory_space<semaphore_mem>>) attributes {dimension_semantics = [#tpu.dimension_semantics<core_parallel>, #tpu.dimension_semantics<subcore_parallel>], iteration_bounds = array<i64: 2, 16>, scalar_prefetch = 0 : i64, scratch_operands = 13 : i64, tpu.core_type = #tpu.core_type<sc_vector_subcore>, window_params = [{transform_indices = #map}, {transform_indices = #map1}, {transform_indices = #map}]} {
    %mul3A = arith.constant 2 : i32
    %mul3A_0 = arith.muli %arg1, %mul3A : i32
    %add3A = arith.addi %mul3A_0, %arg0 : i32
    %jit3A = arith.constant 8 : i32
    %div3A = arith.divsi %add3A, %jit3A : i32
    %sign3A = arith.constant 0 : i32
    %sign3A_1 = arith.cmpi sgt, %add3A, %sign3A : i32
    %sign3A_2 = arith.extui %sign3A_1 : i1 to i32
    %sign3A_3 = arith.constant 0 : i32
    %sign3A_4 = arith.cmpi slt, %add3A, %sign3A_3 : i32
    %sign3A_5 = arith.extui %sign3A_4 : i1 to i32
    %sign3A_6 = arith.subi %sign3A_2, %sign3A_5 : i32
    %sign3A_7 = arith.constant 0 : i32
    %sign3A_8 = arith.cmpi sgt, %jit3A, %sign3A_7 : i32
    %sign3A_9 = arith.extui %sign3A_8 : i1 to i32
    %sign3A_10 = arith.constant 0 : i32
    %sign3A_11 = arith.cmpi slt, %jit3A, %sign3A_10 : i32
    %sign3A_12 = arith.extui %sign3A_11 : i1 to i32
    %sign3A_13 = arith.subi %sign3A_9, %sign3A_12 : i32
    %ne3A = arith.cmpi ne, %sign3A_6, %sign3A_13 : i32
    %rem3A = arith.remsi %add3A, %jit3A : i32
    %ne3A_14 = arith.constant 0 : i32
    %ne3A_15 = arith.cmpi ne, %rem3A, %ne3A_14 : i32
    %and3A = arith.andi %ne3A, %ne3A_15 : i1
    %sub3A = arith.constant 1 : i32
    %sub3A_16 = arith.subi %div3A, %sub3A : i32
    %select_n3A = arith.select %and3A, %sub3A_16, %div3A : i32
    %add3A_17 = arith.constant 4 : i32
    %add3A_18 = arith.addi %add3A_17, %select_n3A : i32
    %jit3A_19 = arith.constant 8 : i32
    %eq3A = arith.constant 0 : i32
    %eq3A_20 = arith.cmpi eq, %jit3A_19, %eq3A : i32
    %jit3A_21 = arith.constant 1 : i32
    %select_n3A_22 = arith.select %eq3A_20, %jit3A_21, %jit3A_19 : i32
    %rem3A_23 = arith.remsi %add3A, %select_n3A_22 : i32
    %ne3A_24 = arith.constant 0 : i32
    %ne3A_25 = arith.cmpi ne, %rem3A_23, %ne3A_24 : i32
    %lt3A = arith.constant 0 : i32
    %lt3A_26 = arith.cmpi slt, %rem3A_23, %lt3A : i32
    %lt3A_27 = arith.constant 0 : i32
    %lt3A_28 = arith.cmpi slt, %select_n3A_22, %lt3A_27 : i32
    %ne3A_29 = arith.xori %lt3A_26, %lt3A_28 : i1
    %and3A_30 = arith.andi %ne3A_29, %ne3A_25 : i1
    %add3A_31 = arith.addi %rem3A_23, %select_n3A_22 : i32
    %select_n3A_32 = arith.select %and3A_30, %add3A_31, %rem3A_23 : i32
    %mul3A_33 = arith.constant 1024 : i32
    %mul3A_34 = arith.muli %select_n3A_32, %mul3A_33 : i32
    "tpu.region"() ({
      %run_scoped3A = tpu.sem_alloc : memref<!tpu.dma_semaphore, #tpu.memory_space<semaphore_mem>>
      %dma_start3A_289 = tpu.memref_slice %arg3[%add3A_18, %mul3A_34] : memref<16x8192xi32, #tpu.memory_space<hbm>> -> memref<1x1024xi32, #tpu.memory_space<hbm>>
      %dma_start3A_290 = tpu.memref_squeeze %dma_start3A_289 : memref<1x1024xi32, #tpu.memory_space<hbm>> -> memref<1024xi32, #tpu.memory_space<hbm>>
      %dma_start3A_291 = tpu.memref_slice %arg3[%add3A_18, %mul3A_34] : memref<16x8192xi32, #tpu.memory_space<hbm>> -> memref<1x1024xi32, #tpu.memory_space<hbm>>
      %dma_start3A_292 = tpu.memref_squeeze %dma_start3A_291 : memref<1x1024xi32, #tpu.memory_space<hbm>> -> memref<1024xi32, #tpu.memory_space<hbm>>
      tpu.enqueue_dma source(%dma_start3A_292 : memref<1024xi32, #tpu.memory_space<hbm>>) target(%arg5 : memref<1024xi32, #tpu.memory_space<vmem>>) target_semaphore(%run_scoped3A : memref<!tpu.dma_semaphore, #tpu.memory_space<semaphore_mem>>)
      %dma_wait3A_293 = tpu.memref_slice %arg3[%add3A_18, %mul3A_34] : memref<16x8192xi32, #tpu.memory_space<hbm>> -> memref<1x1024xi32, #tpu.memory_space<hbm>>
      %dma_wait3A_294 = tpu.memref_squeeze %dma_wait3A_293 : memref<1x1024xi32, #tpu.memory_space<hbm>> -> memref<1024xi32, #tpu.memory_space<hbm>>
      %dma_wait3A_295 = tpu.memref_slice %arg3[%add3A_18, %mul3A_34] : memref<16x8192xi32, #tpu.memory_space<hbm>> -> memref<1x1024xi32, #tpu.memory_space<hbm>>
      %dma_wait3A_296 = tpu.memref_squeeze %dma_wait3A_295 : memref<1x1024xi32, #tpu.memory_space<hbm>> -> memref<1024xi32, #tpu.memory_space<hbm>>
      tpu.wait_dma2 semaphore(%run_scoped3A : memref<!tpu.dma_semaphore, #tpu.memory_space<semaphore_mem>>) src(%dma_wait3A_296 : memref<1024xi32, #tpu.memory_space<hbm>>) dst(%arg5 : memref<1024xi32, #tpu.memory_space<vmem>>)
      tpu.yield
    }) : () -> ()
    %dma_start3A = arith.constant 0 : i32
    %dma_start3A_35 = tpu.memref_slice %arg5[%dma_start3A] : memref<1024xi32, #tpu.memory_space<vmem>> -> memref<128xi32, #tpu.memory_space<vmem>>
    %dma_start3A_36 = arith.constant 0 : i32
    %dma_start3A_37 = arith.constant 0 : i32
    %dma_start3A_38 = tpu.memref_slice %arg2[%add3A_18, %dma_start3A_36, %dma_start3A_37] : memref<16x16384x128xf32, #tpu.memory_space<hbm>> -> memref<1x16384x128xf32, #tpu.memory_space<hbm>>
    %dma_start3A_39 = tpu.memref_squeeze %dma_start3A_38 : memref<1x16384x128xf32, #tpu.memory_space<hbm>> -> memref<16384x128xf32, #tpu.memory_space<hbm>>
    %dma_start3A_40 = arith.constant 0 : i32
    %dma_start3A_41 = arith.constant 0 : i32
    %dma_start3A_42 = tpu.memref_slice %dma_start3A_39[%dma_start3A_40, %dma_start3A_41] : memref<16384x128xf32, #tpu.memory_space<hbm>> -> memref<16384x128xf32, #tpu.memory_space<hbm>>
    tpu.enqueue_indirect_dma source(%dma_start3A_42 : memref<16384x128xf32, #tpu.memory_space<hbm>>) target(%arg6 : memref<128x128xf32, #tpu.memory_space<vmem>>) offsets(%dma_start3A_35 : memref<128xi32, #tpu.memory_space<vmem>>) semaphore(%arg10 : memref<!tpu.dma_semaphore, #tpu.memory_space<semaphore_mem>>)
    %dma_start3A_43 = arith.constant 128 : i32
    %dma_start3A_44 = tpu.memref_slice %arg5[%dma_start3A_43] : memref<1024xi32, #tpu.memory_space<vmem>> -> memref<128xi32, #tpu.memory_space<vmem>>
    %dma_start3A_45 = arith.constant 0 : i32
    %dma_start3A_46 = arith.constant 0 : i32
    %dma_start3A_47 = tpu.memref_slice %arg2[%add3A_18, %dma_start3A_45, %dma_start3A_46] : memref<16x16384x128xf32, #tpu.memory_space<hbm>> -> memref<1x16384x128xf32, #tpu.memory_space<hbm>>
    %dma_start3A_48 = tpu.memref_squeeze %dma_start3A_47 : memref<1x16384x128xf32, #tpu.memory_space<hbm>> -> memref<16384x128xf32, #tpu.memory_space<hbm>>
    %dma_start3A_49 = arith.constant 0 : i32
    %dma_start3A_50 = arith.constant 0 : i32
    %dma_start3A_51 = tpu.memref_slice %dma_start3A_48[%dma_start3A_49, %dma_start3A_50] : memref<16384x128xf32, #tpu.memory_space<hbm>> -> memref<16384x128xf32, #tpu.memory_space<hbm>>
    tpu.enqueue_indirect_dma source(%dma_start3A_51 : memref<16384x128xf32, #tpu.memory_space<hbm>>) target(%arg7 : memref<128x128xf32, #tpu.memory_space<vmem>>) offsets(%dma_start3A_44 : memref<128xi32, #tpu.memory_space<vmem>>) semaphore(%arg11 : memref<!tpu.dma_semaphore, #tpu.memory_space<semaphore_mem>>)
    %dma_wait3A = arith.constant 0 : i32
    %dma_wait3A_52 = tpu.memref_slice %arg5[%dma_wait3A] : memref<1024xi32, #tpu.memory_space<vmem>> -> memref<128xi32, #tpu.memory_space<vmem>>
    %dma_wait3A_53 = arith.constant 0 : i32
    %dma_wait3A_54 = arith.constant 0 : i32
    %dma_wait3A_55 = tpu.memref_slice %arg2[%add3A_18, %dma_wait3A_53, %dma_wait3A_54] : memref<16x16384x128xf32, #tpu.memory_space<hbm>> -> memref<1x16384x128xf32, #tpu.memory_space<hbm>>
    %dma_wait3A_56 = tpu.memref_squeeze %dma_wait3A_55 : memref<1x16384x128xf32, #tpu.memory_space<hbm>> -> memref<16384x128xf32, #tpu.memory_space<hbm>>
    %dma_wait3A_57 = arith.constant 0 : i32
    %dma_wait3A_58 = arith.constant 0 : i32
    %dma_wait3A_59 = tpu.memref_slice %dma_wait3A_56[%dma_wait3A_57, %dma_wait3A_58] : memref<16384x128xf32, #tpu.memory_space<hbm>> -> memref<16384x128xf32, #tpu.memory_space<hbm>>
    tpu.wait_indirect_dma semaphore(%arg10 : memref<!tpu.dma_semaphore, #tpu.memory_space<semaphore_mem>>) src(%dma_wait3A_59 : memref<16384x128xf32, #tpu.memory_space<hbm>>) dst(%arg6 : memref<128x128xf32, #tpu.memory_space<vmem>>)
    %add3A_60 = arith.constant 0 : i32
    %add3A_61 = arith.addi %mul3A_34, %add3A_60 : i32
    %dma_start3A_62 = arith.constant 0 : i32
    %dma_start3A_63 = tpu.memref_slice %arg4[%select_n3A, %add3A_61, %dma_start3A_62] : memref<4x8192x128xf32, #tpu.memory_space<hbm>> -> memref<1x128x128xf32, #tpu.memory_space<hbm>>
    %dma_start3A_64 = tpu.memref_squeeze %dma_start3A_63 : memref<1x128x128xf32, #tpu.memory_space<hbm>> -> memref<128x128xf32, #tpu.memory_space<hbm>>
    %dma_start3A_65 = arith.constant 0 : i32
    %dma_start3A_66 = tpu.memref_slice %arg4[%select_n3A, %add3A_61, %dma_start3A_65] : memref<4x8192x128xf32, #tpu.memory_space<hbm>> -> memref<1x128x128xf32, #tpu.memory_space<hbm>>
    %dma_start3A_67 = tpu.memref_squeeze %dma_start3A_66 : memref<1x128x128xf32, #tpu.memory_space<hbm>> -> memref<128x128xf32, #tpu.memory_space<hbm>>
    tpu.enqueue_dma source(%arg6 : memref<128x128xf32, #tpu.memory_space<vmem>>) target(%dma_start3A_67 : memref<128x128xf32, #tpu.memory_space<hbm>>) target_semaphore(%arg14 : memref<!tpu.dma_semaphore, #tpu.memory_space<semaphore_mem>>)
    %dma_start3A_68 = arith.constant 256 : i32
    %dma_start3A_69 = tpu.memref_slice %arg5[%dma_start3A_68] : memref<1024xi32, #tpu.memory_space<vmem>> -> memref<128xi32, #tpu.memory_space<vmem>>
    %dma_start3A_70 = arith.constant 0 : i32
    %dma_start3A_71 = arith.constant 0 : i32
    %dma_start3A_72 = tpu.memref_slice %arg2[%add3A_18, %dma_start3A_70, %dma_start3A_71] : memref<16x16384x128xf32, #tpu.memory_space<hbm>> -> memref<1x16384x128xf32, #tpu.memory_space<hbm>>
    %dma_start3A_73 = tpu.memref_squeeze %dma_start3A_72 : memref<1x16384x128xf32, #tpu.memory_space<hbm>> -> memref<16384x128xf32, #tpu.memory_space<hbm>>
    %dma_start3A_74 = arith.constant 0 : i32
    %dma_start3A_75 = arith.constant 0 : i32
    %dma_start3A_76 = tpu.memref_slice %dma_start3A_73[%dma_start3A_74, %dma_start3A_75] : memref<16384x128xf32, #tpu.memory_space<hbm>> -> memref<16384x128xf32, #tpu.memory_space<hbm>>
    tpu.enqueue_indirect_dma source(%dma_start3A_76 : memref<16384x128xf32, #tpu.memory_space<hbm>>) target(%arg8 : memref<128x128xf32, #tpu.memory_space<vmem>>) offsets(%dma_start3A_69 : memref<128xi32, #tpu.memory_space<vmem>>) semaphore(%arg12 : memref<!tpu.dma_semaphore, #tpu.memory_space<semaphore_mem>>)
    %dma_wait3A_77 = arith.constant 128 : i32
    %dma_wait3A_78 = tpu.memref_slice %arg5[%dma_wait3A_77] : memref<1024xi32, #tpu.memory_space<vmem>> -> memref<128xi32, #tpu.memory_space<vmem>>
    %dma_wait3A_79 = arith.constant 0 : i32
    %dma_wait3A_80 = arith.constant 0 : i32
    %dma_wait3A_81 = tpu.memref_slice %arg2[%add3A_18, %dma_wait3A_79, %dma_wait3A_80] : memref<16x16384x128xf32, #tpu.memory_space<hbm>> -> memref<1x16384x128xf32, #tpu.memory_space<hbm>>
    %dma_wait3A_82 = tpu.memref_squeeze %dma_wait3A_81 : memref<1x16384x128xf32, #tpu.memory_space<hbm>> -> memref<16384x128xf32, #tpu.memory_space<hbm>>
    %dma_wait3A_83 = arith.constant 0 : i32
    %dma_wait3A_84 = arith.constant 0 : i32
    %dma_wait3A_85 = tpu.memref_slice %dma_wait3A_82[%dma_wait3A_83, %dma_wait3A_84] : memref<16384x128xf32, #tpu.memory_space<hbm>> -> memref<16384x128xf32, #tpu.memory_space<hbm>>
    tpu.wait_indirect_dma semaphore(%arg11 : memref<!tpu.dma_semaphore, #tpu.memory_space<semaphore_mem>>) src(%dma_wait3A_85 : memref<16384x128xf32, #tpu.memory_space<hbm>>) dst(%arg7 : memref<128x128xf32, #tpu.memory_space<vmem>>)
    %add3A_86 = arith.constant 128 : i32
    %add3A_87 = arith.addi %mul3A_34, %add3A_86 : i32
    %dma_start3A_88 = arith.constant 0 : i32
    %dma_start3A_89 = tpu.memref_slice %arg4[%select_n3A, %add3A_87, %dma_start3A_88] : memref<4x8192x128xf32, #tpu.memory_space<hbm>> -> memref<1x128x128xf32, #tpu.memory_space<hbm>>
    %dma_start3A_90 = tpu.memref_squeeze %dma_start3A_89 : memref<1x128x128xf32, #tpu.memory_space<hbm>> -> memref<128x128xf32, #tpu.memory_space<hbm>>
    %dma_start3A_91 = arith.constant 0 : i32
    %dma_start3A_92 = tpu.memref_slice %arg4[%select_n3A, %add3A_87, %dma_start3A_91] : memref<4x8192x128xf32, #tpu.memory_space<hbm>> -> memref<1x128x128xf32, #tpu.memory_space<hbm>>
    %dma_start3A_93 = tpu.memref_squeeze %dma_start3A_92 : memref<1x128x128xf32, #tpu.memory_space<hbm>> -> memref<128x128xf32, #tpu.memory_space<hbm>>
    tpu.enqueue_dma source(%arg7 : memref<128x128xf32, #tpu.memory_space<vmem>>) target(%dma_start3A_93 : memref<128x128xf32, #tpu.memory_space<hbm>>) target_semaphore(%arg15 : memref<!tpu.dma_semaphore, #tpu.memory_space<semaphore_mem>>)
    %dma_start3A_94 = arith.constant 384 : i32
    %dma_start3A_95 = tpu.memref_slice %arg5[%dma_start3A_94] : memref<1024xi32, #tpu.memory_space<vmem>> -> memref<128xi32, #tpu.memory_space<vmem>>
    %dma_start3A_96 = arith.constant 0 : i32
    %dma_start3A_97 = arith.constant 0 : i32
    %dma_start3A_98 = tpu.memref_slice %arg2[%add3A_18, %dma_start3A_96, %dma_start3A_97] : memref<16x16384x128xf32, #tpu.memory_space<hbm>> -> memref<1x16384x128xf32, #tpu.memory_space<hbm>>
    %dma_start3A_99 = tpu.memref_squeeze %dma_start3A_98 : memref<1x16384x128xf32, #tpu.memory_space<hbm>> -> memref<16384x128xf32, #tpu.memory_space<hbm>>
    %dma_start3A_100 = arith.constant 0 : i32
    %dma_start3A_101 = arith.constant 0 : i32
    %dma_start3A_102 = tpu.memref_slice %dma_start3A_99[%dma_start3A_100, %dma_start3A_101] : memref<16384x128xf32, #tpu.memory_space<hbm>> -> memref<16384x128xf32, #tpu.memory_space<hbm>>
    tpu.enqueue_indirect_dma source(%dma_start3A_102 : memref<16384x128xf32, #tpu.memory_space<hbm>>) target(%arg9 : memref<128x128xf32, #tpu.memory_space<vmem>>) offsets(%dma_start3A_95 : memref<128xi32, #tpu.memory_space<vmem>>) semaphore(%arg13 : memref<!tpu.dma_semaphore, #tpu.memory_space<semaphore_mem>>)
    %dma_wait3A_103 = arith.constant 256 : i32
    %dma_wait3A_104 = tpu.memref_slice %arg5[%dma_wait3A_103] : memref<1024xi32, #tpu.memory_space<vmem>> -> memref<128xi32, #tpu.memory_space<vmem>>
    %dma_wait3A_105 = arith.constant 0 : i32
    %dma_wait3A_106 = arith.constant 0 : i32
    %dma_wait3A_107 = tpu.memref_slice %arg2[%add3A_18, %dma_wait3A_105, %dma_wait3A_106] : memref<16x16384x128xf32, #tpu.memory_space<hbm>> -> memref<1x16384x128xf32, #tpu.memory_space<hbm>>
    %dma_wait3A_108 = tpu.memref_squeeze %dma_wait3A_107 : memref<1x16384x128xf32, #tpu.memory_space<hbm>> -> memref<16384x128xf32, #tpu.memory_space<hbm>>
    %dma_wait3A_109 = arith.constant 0 : i32
    %dma_wait3A_110 = arith.constant 0 : i32
    %dma_wait3A_111 = tpu.memref_slice %dma_wait3A_108[%dma_wait3A_109, %dma_wait3A_110] : memref<16384x128xf32, #tpu.memory_space<hbm>> -> memref<16384x128xf32, #tpu.memory_space<hbm>>
    tpu.wait_indirect_dma semaphore(%arg12 : memref<!tpu.dma_semaphore, #tpu.memory_space<semaphore_mem>>) src(%dma_wait3A_111 : memref<16384x128xf32, #tpu.memory_space<hbm>>) dst(%arg8 : memref<128x128xf32, #tpu.memory_space<vmem>>)
    %add3A_112 = arith.constant 256 : i32
    %add3A_113 = arith.addi %mul3A_34, %add3A_112 : i32
    %dma_start3A_114 = arith.constant 0 : i32
    %dma_start3A_115 = tpu.memref_slice %arg4[%select_n3A, %add3A_113, %dma_start3A_114] : memref<4x8192x128xf32, #tpu.memory_space<hbm>> -> memref<1x128x128xf32, #tpu.memory_space<hbm>>
    %dma_start3A_116 = tpu.memref_squeeze %dma_start3A_115 : memref<1x128x128xf32, #tpu.memory_space<hbm>> -> memref<128x128xf32, #tpu.memory_space<hbm>>
    %dma_start3A_117 = arith.constant 0 : i32
    %dma_start3A_118 = tpu.memref_slice %arg4[%select_n3A, %add3A_113, %dma_start3A_117] : memref<4x8192x128xf32, #tpu.memory_space<hbm>> -> memref<1x128x128xf32, #tpu.memory_space<hbm>>
    %dma_start3A_119 = tpu.memref_squeeze %dma_start3A_118 : memref<1x128x128xf32, #tpu.memory_space<hbm>> -> memref<128x128xf32, #tpu.memory_space<hbm>>
    tpu.enqueue_dma source(%arg8 : memref<128x128xf32, #tpu.memory_space<vmem>>) target(%dma_start3A_119 : memref<128x128xf32, #tpu.memory_space<hbm>>) target_semaphore(%arg16 : memref<!tpu.dma_semaphore, #tpu.memory_space<semaphore_mem>>)
    %dma_wait3A_120 = arith.constant 0 : i32
    %dma_wait3A_121 = tpu.memref_slice %arg4[%select_n3A, %add3A_61, %dma_wait3A_120] : memref<4x8192x128xf32, #tpu.memory_space<hbm>> -> memref<1x128x128xf32, #tpu.memory_space<hbm>>
    %dma_wait3A_122 = tpu.memref_squeeze %dma_wait3A_121 : memref<1x128x128xf32, #tpu.memory_space<hbm>> -> memref<128x128xf32, #tpu.memory_space<hbm>>
    %dma_wait3A_123 = arith.constant 0 : i32
    %dma_wait3A_124 = tpu.memref_slice %arg4[%select_n3A, %add3A_61, %dma_wait3A_123] : memref<4x8192x128xf32, #tpu.memory_space<hbm>> -> memref<1x128x128xf32, #tpu.memory_space<hbm>>
    %dma_wait3A_125 = tpu.memref_squeeze %dma_wait3A_124 : memref<1x128x128xf32, #tpu.memory_space<hbm>> -> memref<128x128xf32, #tpu.memory_space<hbm>>
    tpu.wait_dma2 semaphore(%arg14 : memref<!tpu.dma_semaphore, #tpu.memory_space<semaphore_mem>>) src(%arg6 : memref<128x128xf32, #tpu.memory_space<vmem>>) dst(%dma_wait3A_125 : memref<128x128xf32, #tpu.memory_space<hbm>>)
    %dma_start3A_126 = arith.constant 512 : i32
    %dma_start3A_127 = tpu.memref_slice %arg5[%dma_start3A_126] : memref<1024xi32, #tpu.memory_space<vmem>> -> memref<128xi32, #tpu.memory_space<vmem>>
    %dma_start3A_128 = arith.constant 0 : i32
    %dma_start3A_129 = arith.constant 0 : i32
    %dma_start3A_130 = tpu.memref_slice %arg2[%add3A_18, %dma_start3A_128, %dma_start3A_129] : memref<16x16384x128xf32, #tpu.memory_space<hbm>> -> memref<1x16384x128xf32, #tpu.memory_space<hbm>>
    %dma_start3A_131 = tpu.memref_squeeze %dma_start3A_130 : memref<1x16384x128xf32, #tpu.memory_space<hbm>> -> memref<16384x128xf32, #tpu.memory_space<hbm>>
    %dma_start3A_132 = arith.constant 0 : i32
    %dma_start3A_133 = arith.constant 0 : i32
    %dma_start3A_134 = tpu.memref_slice %dma_start3A_131[%dma_start3A_132, %dma_start3A_133] : memref<16384x128xf32, #tpu.memory_space<hbm>> -> memref<16384x128xf32, #tpu.memory_space<hbm>>
    tpu.enqueue_indirect_dma source(%dma_start3A_134 : memref<16384x128xf32, #tpu.memory_space<hbm>>) target(%arg6 : memref<128x128xf32, #tpu.memory_space<vmem>>) offsets(%dma_start3A_127 : memref<128xi32, #tpu.memory_space<vmem>>) semaphore(%arg10 : memref<!tpu.dma_semaphore, #tpu.memory_space<semaphore_mem>>)
    %dma_wait3A_135 = arith.constant 384 : i32
    %dma_wait3A_136 = tpu.memref_slice %arg5[%dma_wait3A_135] : memref<1024xi32, #tpu.memory_space<vmem>> -> memref<128xi32, #tpu.memory_space<vmem>>
    %dma_wait3A_137 = arith.constant 0 : i32
    %dma_wait3A_138 = arith.constant 0 : i32
    %dma_wait3A_139 = tpu.memref_slice %arg2[%add3A_18, %dma_wait3A_137, %dma_wait3A_138] : memref<16x16384x128xf32, #tpu.memory_space<hbm>> -> memref<1x16384x128xf32, #tpu.memory_space<hbm>>
    %dma_wait3A_140 = tpu.memref_squeeze %dma_wait3A_139 : memref<1x16384x128xf32, #tpu.memory_space<hbm>> -> memref<16384x128xf32, #tpu.memory_space<hbm>>
    %dma_wait3A_141 = arith.constant 0 : i32
    %dma_wait3A_142 = arith.constant 0 : i32
    %dma_wait3A_143 = tpu.memref_slice %dma_wait3A_140[%dma_wait3A_141, %dma_wait3A_142] : memref<16384x128xf32, #tpu.memory_space<hbm>> -> memref<16384x128xf32, #tpu.memory_space<hbm>>
    tpu.wait_indirect_dma semaphore(%arg13 : memref<!tpu.dma_semaphore, #tpu.memory_space<semaphore_mem>>) src(%dma_wait3A_143 : memref<16384x128xf32, #tpu.memory_space<hbm>>) dst(%arg9 : memref<128x128xf32, #tpu.memory_space<vmem>>)
    %add3A_144 = arith.constant 384 : i32
    %add3A_145 = arith.addi %mul3A_34, %add3A_144 : i32
    %dma_start3A_146 = arith.constant 0 : i32
    %dma_start3A_147 = tpu.memref_slice %arg4[%select_n3A, %add3A_145, %dma_start3A_146] : memref<4x8192x128xf32, #tpu.memory_space<hbm>> -> memref<1x128x128xf32, #tpu.memory_space<hbm>>
    %dma_start3A_148 = tpu.memref_squeeze %dma_start3A_147 : memref<1x128x128xf32, #tpu.memory_space<hbm>> -> memref<128x128xf32, #tpu.memory_space<hbm>>
    %dma_start3A_149 = arith.constant 0 : i32
    %dma_start3A_150 = tpu.memref_slice %arg4[%select_n3A, %add3A_145, %dma_start3A_149] : memref<4x8192x128xf32, #tpu.memory_space<hbm>> -> memref<1x128x128xf32, #tpu.memory_space<hbm>>
    %dma_start3A_151 = tpu.memref_squeeze %dma_start3A_150 : memref<1x128x128xf32, #tpu.memory_space<hbm>> -> memref<128x128xf32, #tpu.memory_space<hbm>>
    tpu.enqueue_dma source(%arg9 : memref<128x128xf32, #tpu.memory_space<vmem>>) target(%dma_start3A_151 : memref<128x128xf32, #tpu.memory_space<hbm>>) target_semaphore(%arg17 : memref<!tpu.dma_semaphore, #tpu.memory_space<semaphore_mem>>)
    %dma_wait3A_152 = arith.constant 0 : i32
    %dma_wait3A_153 = tpu.memref_slice %arg4[%select_n3A, %add3A_87, %dma_wait3A_152] : memref<4x8192x128xf32, #tpu.memory_space<hbm>> -> memref<1x128x128xf32, #tpu.memory_space<hbm>>
    %dma_wait3A_154 = tpu.memref_squeeze %dma_wait3A_153 : memref<1x128x128xf32, #tpu.memory_space<hbm>> -> memref<128x128xf32, #tpu.memory_space<hbm>>
    %dma_wait3A_155 = arith.constant 0 : i32
    %dma_wait3A_156 = tpu.memref_slice %arg4[%select_n3A, %add3A_87, %dma_wait3A_155] : memref<4x8192x128xf32, #tpu.memory_space<hbm>> -> memref<1x128x128xf32, #tpu.memory_space<hbm>>
    %dma_wait3A_157 = tpu.memref_squeeze %dma_wait3A_156 : memref<1x128x128xf32, #tpu.memory_space<hbm>> -> memref<128x128xf32, #tpu.memory_space<hbm>>
    tpu.wait_dma2 semaphore(%arg15 : memref<!tpu.dma_semaphore, #tpu.memory_space<semaphore_mem>>) src(%arg7 : memref<128x128xf32, #tpu.memory_space<vmem>>) dst(%dma_wait3A_157 : memref<128x128xf32, #tpu.memory_space<hbm>>)
    %dma_start3A_158 = arith.constant 640 : i32
    %dma_start3A_159 = tpu.memref_slice %arg5[%dma_start3A_158] : memref<1024xi32, #tpu.memory_space<vmem>> -> memref<128xi32, #tpu.memory_space<vmem>>
    %dma_start3A_160 = arith.constant 0 : i32
    %dma_start3A_161 = arith.constant 0 : i32
    %dma_start3A_162 = tpu.memref_slice %arg2[%add3A_18, %dma_start3A_160, %dma_start3A_161] : memref<16x16384x128xf32, #tpu.memory_space<hbm>> -> memref<1x16384x128xf32, #tpu.memory_space<hbm>>
    %dma_start3A_163 = tpu.memref_squeeze %dma_start3A_162 : memref<1x16384x128xf32, #tpu.memory_space<hbm>> -> memref<16384x128xf32, #tpu.memory_space<hbm>>
    %dma_start3A_164 = arith.constant 0 : i32
    %dma_start3A_165 = arith.constant 0 : i32
    %dma_start3A_166 = tpu.memref_slice %dma_start3A_163[%dma_start3A_164, %dma_start3A_165] : memref<16384x128xf32, #tpu.memory_space<hbm>> -> memref<16384x128xf32, #tpu.memory_space<hbm>>
    tpu.enqueue_indirect_dma source(%dma_start3A_166 : memref<16384x128xf32, #tpu.memory_space<hbm>>) target(%arg7 : memref<128x128xf32, #tpu.memory_space<vmem>>) offsets(%dma_start3A_159 : memref<128xi32, #tpu.memory_space<vmem>>) semaphore(%arg11 : memref<!tpu.dma_semaphore, #tpu.memory_space<semaphore_mem>>)
    %dma_wait3A_167 = arith.constant 512 : i32
    %dma_wait3A_168 = tpu.memref_slice %arg5[%dma_wait3A_167] : memref<1024xi32, #tpu.memory_space<vmem>> -> memref<128xi32, #tpu.memory_space<vmem>>
    %dma_wait3A_169 = arith.constant 0 : i32
    %dma_wait3A_170 = arith.constant 0 : i32
    %dma_wait3A_171 = tpu.memref_slice %arg2[%add3A_18, %dma_wait3A_169, %dma_wait3A_170] : memref<16x16384x128xf32, #tpu.memory_space<hbm>> -> memref<1x16384x128xf32, #tpu.memory_space<hbm>>
    %dma_wait3A_172 = tpu.memref_squeeze %dma_wait3A_171 : memref<1x16384x128xf32, #tpu.memory_space<hbm>> -> memref<16384x128xf32, #tpu.memory_space<hbm>>
    %dma_wait3A_173 = arith.constant 0 : i32
    %dma_wait3A_174 = arith.constant 0 : i32
    %dma_wait3A_175 = tpu.memref_slice %dma_wait3A_172[%dma_wait3A_173, %dma_wait3A_174] : memref<16384x128xf32, #tpu.memory_space<hbm>> -> memref<16384x128xf32, #tpu.memory_space<hbm>>
    tpu.wait_indirect_dma semaphore(%arg10 : memref<!tpu.dma_semaphore, #tpu.memory_space<semaphore_mem>>) src(%dma_wait3A_175 : memref<16384x128xf32, #tpu.memory_space<hbm>>) dst(%arg6 : memref<128x128xf32, #tpu.memory_space<vmem>>)
    %add3A_176 = arith.constant 512 : i32
    %add3A_177 = arith.addi %mul3A_34, %add3A_176 : i32
    %dma_start3A_178 = arith.constant 0 : i32
    %dma_start3A_179 = tpu.memref_slice %arg4[%select_n3A, %add3A_177, %dma_start3A_178] : memref<4x8192x128xf32, #tpu.memory_space<hbm>> -> memref<1x128x128xf32, #tpu.memory_space<hbm>>
    %dma_start3A_180 = tpu.memref_squeeze %dma_start3A_179 : memref<1x128x128xf32, #tpu.memory_space<hbm>> -> memref<128x128xf32, #tpu.memory_space<hbm>>
    %dma_start3A_181 = arith.constant 0 : i32
    %dma_start3A_182 = tpu.memref_slice %arg4[%select_n3A, %add3A_177, %dma_start3A_181] : memref<4x8192x128xf32, #tpu.memory_space<hbm>> -> memref<1x128x128xf32, #tpu.memory_space<hbm>>
    %dma_start3A_183 = tpu.memref_squeeze %dma_start3A_182 : memref<1x128x128xf32, #tpu.memory_space<hbm>> -> memref<128x128xf32, #tpu.memory_space<hbm>>
    tpu.enqueue_dma source(%arg6 : memref<128x128xf32, #tpu.memory_space<vmem>>) target(%dma_start3A_183 : memref<128x128xf32, #tpu.memory_space<hbm>>) target_semaphore(%arg14 : memref<!tpu.dma_semaphore, #tpu.memory_space<semaphore_mem>>)
    %dma_wait3A_184 = arith.constant 0 : i32
    %dma_wait3A_185 = tpu.memref_slice %arg4[%select_n3A, %add3A_113, %dma_wait3A_184] : memref<4x8192x128xf32, #tpu.memory_space<hbm>> -> memref<1x128x128xf32, #tpu.memory_space<hbm>>
    %dma_wait3A_186 = tpu.memref_squeeze %dma_wait3A_185 : memref<1x128x128xf32, #tpu.memory_space<hbm>> -> memref<128x128xf32, #tpu.memory_space<hbm>>
    %dma_wait3A_187 = arith.constant 0 : i32
    %dma_wait3A_188 = tpu.memref_slice %arg4[%select_n3A, %add3A_113, %dma_wait3A_187] : memref<4x8192x128xf32, #tpu.memory_space<hbm>> -> memref<1x128x128xf32, #tpu.memory_space<hbm>>
    %dma_wait3A_189 = tpu.memref_squeeze %dma_wait3A_188 : memref<1x128x128xf32, #tpu.memory_space<hbm>> -> memref<128x128xf32, #tpu.memory_space<hbm>>
    tpu.wait_dma2 semaphore(%arg16 : memref<!tpu.dma_semaphore, #tpu.memory_space<semaphore_mem>>) src(%arg8 : memref<128x128xf32, #tpu.memory_space<vmem>>) dst(%dma_wait3A_189 : memref<128x128xf32, #tpu.memory_space<hbm>>)
    %dma_start3A_190 = arith.constant 768 : i32
    %dma_start3A_191 = tpu.memref_slice %arg5[%dma_start3A_190] : memref<1024xi32, #tpu.memory_space<vmem>> -> memref<128xi32, #tpu.memory_space<vmem>>
    %dma_start3A_192 = arith.constant 0 : i32
    %dma_start3A_193 = arith.constant 0 : i32
    %dma_start3A_194 = tpu.memref_slice %arg2[%add3A_18, %dma_start3A_192, %dma_start3A_193] : memref<16x16384x128xf32, #tpu.memory_space<hbm>> -> memref<1x16384x128xf32, #tpu.memory_space<hbm>>
    %dma_start3A_195 = tpu.memref_squeeze %dma_start3A_194 : memref<1x16384x128xf32, #tpu.memory_space<hbm>> -> memref<16384x128xf32, #tpu.memory_space<hbm>>
    %dma_start3A_196 = arith.constant 0 : i32
    %dma_start3A_197 = arith.constant 0 : i32
    %dma_start3A_198 = tpu.memref_slice %dma_start3A_195[%dma_start3A_196, %dma_start3A_197] : memref<16384x128xf32, #tpu.memory_space<hbm>> -> memref<16384x128xf32, #tpu.memory_space<hbm>>
    tpu.enqueue_indirect_dma source(%dma_start3A_198 : memref<16384x128xf32, #tpu.memory_space<hbm>>) target(%arg8 : memref<128x128xf32, #tpu.memory_space<vmem>>) offsets(%dma_start3A_191 : memref<128xi32, #tpu.memory_space<vmem>>) semaphore(%arg12 : memref<!tpu.dma_semaphore, #tpu.memory_space<semaphore_mem>>)
    %dma_wait3A_199 = arith.constant 640 : i32
    %dma_wait3A_200 = tpu.memref_slice %arg5[%dma_wait3A_199] : memref<1024xi32, #tpu.memory_space<vmem>> -> memref<128xi32, #tpu.memory_space<vmem>>
    %dma_wait3A_201 = arith.constant 0 : i32
    %dma_wait3A_202 = arith.constant 0 : i32
    %dma_wait3A_203 = tpu.memref_slice %arg2[%add3A_18, %dma_wait3A_201, %dma_wait3A_202] : memref<16x16384x128xf32, #tpu.memory_space<hbm>> -> memref<1x16384x128xf32, #tpu.memory_space<hbm>>
    %dma_wait3A_204 = tpu.memref_squeeze %dma_wait3A_203 : memref<1x16384x128xf32, #tpu.memory_space<hbm>> -> memref<16384x128xf32, #tpu.memory_space<hbm>>
    %dma_wait3A_205 = arith.constant 0 : i32
    %dma_wait3A_206 = arith.constant 0 : i32
    %dma_wait3A_207 = tpu.memref_slice %dma_wait3A_204[%dma_wait3A_205, %dma_wait3A_206] : memref<16384x128xf32, #tpu.memory_space<hbm>> -> memref<16384x128xf32, #tpu.memory_space<hbm>>
    tpu.wait_indirect_dma semaphore(%arg11 : memref<!tpu.dma_semaphore, #tpu.memory_space<semaphore_mem>>) src(%dma_wait3A_207 : memref<16384x128xf32, #tpu.memory_space<hbm>>) dst(%arg7 : memref<128x128xf32, #tpu.memory_space<vmem>>)
    %add3A_208 = arith.constant 640 : i32
    %add3A_209 = arith.addi %mul3A_34, %add3A_208 : i32
    %dma_start3A_210 = arith.constant 0 : i32
    %dma_start3A_211 = tpu.memref_slice %arg4[%select_n3A, %add3A_209, %dma_start3A_210] : memref<4x8192x128xf32, #tpu.memory_space<hbm>> -> memref<1x128x128xf32, #tpu.memory_space<hbm>>
    %dma_start3A_212 = tpu.memref_squeeze %dma_start3A_211 : memref<1x128x128xf32, #tpu.memory_space<hbm>> -> memref<128x128xf32, #tpu.memory_space<hbm>>
    %dma_start3A_213 = arith.constant 0 : i32
    %dma_start3A_214 = tpu.memref_slice %arg4[%select_n3A, %add3A_209, %dma_start3A_213] : memref<4x8192x128xf32, #tpu.memory_space<hbm>> -> memref<1x128x128xf32, #tpu.memory_space<hbm>>
    %dma_start3A_215 = tpu.memref_squeeze %dma_start3A_214 : memref<1x128x128xf32, #tpu.memory_space<hbm>> -> memref<128x128xf32, #tpu.memory_space<hbm>>
    tpu.enqueue_dma source(%arg7 : memref<128x128xf32, #tpu.memory_space<vmem>>) target(%dma_start3A_215 : memref<128x128xf32, #tpu.memory_space<hbm>>) target_semaphore(%arg15 : memref<!tpu.dma_semaphore, #tpu.memory_space<semaphore_mem>>)
    %dma_wait3A_216 = arith.constant 0 : i32
    %dma_wait3A_217 = tpu.memref_slice %arg4[%select_n3A, %add3A_145, %dma_wait3A_216] : memref<4x8192x128xf32, #tpu.memory_space<hbm>> -> memref<1x128x128xf32, #tpu.memory_space<hbm>>
    %dma_wait3A_218 = tpu.memref_squeeze %dma_wait3A_217 : memref<1x128x128xf32, #tpu.memory_space<hbm>> -> memref<128x128xf32, #tpu.memory_space<hbm>>
    %dma_wait3A_219 = arith.constant 0 : i32
    %dma_wait3A_220 = tpu.memref_slice %arg4[%select_n3A, %add3A_145, %dma_wait3A_219] : memref<4x8192x128xf32, #tpu.memory_space<hbm>> -> memref<1x128x128xf32, #tpu.memory_space<hbm>>
    %dma_wait3A_221 = tpu.memref_squeeze %dma_wait3A_220 : memref<1x128x128xf32, #tpu.memory_space<hbm>> -> memref<128x128xf32, #tpu.memory_space<hbm>>
    tpu.wait_dma2 semaphore(%arg17 : memref<!tpu.dma_semaphore, #tpu.memory_space<semaphore_mem>>) src(%arg9 : memref<128x128xf32, #tpu.memory_space<vmem>>) dst(%dma_wait3A_221 : memref<128x128xf32, #tpu.memory_space<hbm>>)
    %dma_start3A_222 = arith.constant 896 : i32
    %dma_start3A_223 = tpu.memref_slice %arg5[%dma_start3A_222] : memref<1024xi32, #tpu.memory_space<vmem>> -> memref<128xi32, #tpu.memory_space<vmem>>
    %dma_start3A_224 = arith.constant 0 : i32
    %dma_start3A_225 = arith.constant 0 : i32
    %dma_start3A_226 = tpu.memref_slice %arg2[%add3A_18, %dma_start3A_224, %dma_start3A_225] : memref<16x16384x128xf32, #tpu.memory_space<hbm>> -> memref<1x16384x128xf32, #tpu.memory_space<hbm>>
    %dma_start3A_227 = tpu.memref_squeeze %dma_start3A_226 : memref<1x16384x128xf32, #tpu.memory_space<hbm>> -> memref<16384x128xf32, #tpu.memory_space<hbm>>
    %dma_start3A_228 = arith.constant 0 : i32
    %dma_start3A_229 = arith.constant 0 : i32
    %dma_start3A_230 = tpu.memref_slice %dma_start3A_227[%dma_start3A_228, %dma_start3A_229] : memref<16384x128xf32, #tpu.memory_space<hbm>> -> memref<16384x128xf32, #tpu.memory_space<hbm>>
    tpu.enqueue_indirect_dma source(%dma_start3A_230 : memref<16384x128xf32, #tpu.memory_space<hbm>>) target(%arg9 : memref<128x128xf32, #tpu.memory_space<vmem>>) offsets(%dma_start3A_223 : memref<128xi32, #tpu.memory_space<vmem>>) semaphore(%arg13 : memref<!tpu.dma_semaphore, #tpu.memory_space<semaphore_mem>>)
    %dma_wait3A_231 = arith.constant 768 : i32
    %dma_wait3A_232 = tpu.memref_slice %arg5[%dma_wait3A_231] : memref<1024xi32, #tpu.memory_space<vmem>> -> memref<128xi32, #tpu.memory_space<vmem>>
    %dma_wait3A_233 = arith.constant 0 : i32
    %dma_wait3A_234 = arith.constant 0 : i32
    %dma_wait3A_235 = tpu.memref_slice %arg2[%add3A_18, %dma_wait3A_233, %dma_wait3A_234] : memref<16x16384x128xf32, #tpu.memory_space<hbm>> -> memref<1x16384x128xf32, #tpu.memory_space<hbm>>
    %dma_wait3A_236 = tpu.memref_squeeze %dma_wait3A_235 : memref<1x16384x128xf32, #tpu.memory_space<hbm>> -> memref<16384x128xf32, #tpu.memory_space<hbm>>
    %dma_wait3A_237 = arith.constant 0 : i32
    %dma_wait3A_238 = arith.constant 0 : i32
    %dma_wait3A_239 = tpu.memref_slice %dma_wait3A_236[%dma_wait3A_237, %dma_wait3A_238] : memref<16384x128xf32, #tpu.memory_space<hbm>> -> memref<16384x128xf32, #tpu.memory_space<hbm>>
    tpu.wait_indirect_dma semaphore(%arg12 : memref<!tpu.dma_semaphore, #tpu.memory_space<semaphore_mem>>) src(%dma_wait3A_239 : memref<16384x128xf32, #tpu.memory_space<hbm>>) dst(%arg8 : memref<128x128xf32, #tpu.memory_space<vmem>>)
    %add3A_240 = arith.constant 768 : i32
    %add3A_241 = arith.addi %mul3A_34, %add3A_240 : i32
    %dma_start3A_242 = arith.constant 0 : i32
    %dma_start3A_243 = tpu.memref_slice %arg4[%select_n3A, %add3A_241, %dma_start3A_242] : memref<4x8192x128xf32, #tpu.memory_space<hbm>> -> memref<1x128x128xf32, #tpu.memory_space<hbm>>
    %dma_start3A_244 = tpu.memref_squeeze %dma_start3A_243 : memref<1x128x128xf32, #tpu.memory_space<hbm>> -> memref<128x128xf32, #tpu.memory_space<hbm>>
    %dma_start3A_245 = arith.constant 0 : i32
    %dma_start3A_246 = tpu.memref_slice %arg4[%select_n3A, %add3A_241, %dma_start3A_245] : memref<4x8192x128xf32, #tpu.memory_space<hbm>> -> memref<1x128x128xf32, #tpu.memory_space<hbm>>
    %dma_start3A_247 = tpu.memref_squeeze %dma_start3A_246 : memref<1x128x128xf32, #tpu.memory_space<hbm>> -> memref<128x128xf32, #tpu.memory_space<hbm>>
    tpu.enqueue_dma source(%arg8 : memref<128x128xf32, #tpu.memory_space<vmem>>) target(%dma_start3A_247 : memref<128x128xf32, #tpu.memory_space<hbm>>) target_semaphore(%arg16 : memref<!tpu.dma_semaphore, #tpu.memory_space<semaphore_mem>>)
    %dma_wait3A_248 = arith.constant 896 : i32
    %dma_wait3A_249 = tpu.memref_slice %arg5[%dma_wait3A_248] : memref<1024xi32, #tpu.memory_space<vmem>> -> memref<128xi32, #tpu.memory_space<vmem>>
    %dma_wait3A_250 = arith.constant 0 : i32
    %dma_wait3A_251 = arith.constant 0 : i32
    %dma_wait3A_252 = tpu.memref_slice %arg2[%add3A_18, %dma_wait3A_250, %dma_wait3A_251] : memref<16x16384x128xf32, #tpu.memory_space<hbm>> -> memref<1x16384x128xf32, #tpu.memory_space<hbm>>
    %dma_wait3A_253 = tpu.memref_squeeze %dma_wait3A_252 : memref<1x16384x128xf32, #tpu.memory_space<hbm>> -> memref<16384x128xf32, #tpu.memory_space<hbm>>
    %dma_wait3A_254 = arith.constant 0 : i32
    %dma_wait3A_255 = arith.constant 0 : i32
    %dma_wait3A_256 = tpu.memref_slice %dma_wait3A_253[%dma_wait3A_254, %dma_wait3A_255] : memref<16384x128xf32, #tpu.memory_space<hbm>> -> memref<16384x128xf32, #tpu.memory_space<hbm>>
    tpu.wait_indirect_dma semaphore(%arg13 : memref<!tpu.dma_semaphore, #tpu.memory_space<semaphore_mem>>) src(%dma_wait3A_256 : memref<16384x128xf32, #tpu.memory_space<hbm>>) dst(%arg9 : memref<128x128xf32, #tpu.memory_space<vmem>>)
    %add3A_257 = arith.constant 896 : i32
    %add3A_258 = arith.addi %mul3A_34, %add3A_257 : i32
    %dma_start3A_259 = arith.constant 0 : i32
    %dma_start3A_260 = tpu.memref_slice %arg4[%select_n3A, %add3A_258, %dma_start3A_259] : memref<4x8192x128xf32, #tpu.memory_space<hbm>> -> memref<1x128x128xf32, #tpu.memory_space<hbm>>
    %dma_start3A_261 = tpu.memref_squeeze %dma_start3A_260 : memref<1x128x128xf32, #tpu.memory_space<hbm>> -> memref<128x128xf32, #tpu.memory_space<hbm>>
    %dma_start3A_262 = arith.constant 0 : i32
    %dma_start3A_263 = tpu.memref_slice %arg4[%select_n3A, %add3A_258, %dma_start3A_262] : memref<4x8192x128xf32, #tpu.memory_space<hbm>> -> memref<1x128x128xf32, #tpu.memory_space<hbm>>
    %dma_start3A_264 = tpu.memref_squeeze %dma_start3A_263 : memref<1x128x128xf32, #tpu.memory_space<hbm>> -> memref<128x128xf32, #tpu.memory_space<hbm>>
    tpu.enqueue_dma source(%arg9 : memref<128x128xf32, #tpu.memory_space<vmem>>) target(%dma_start3A_264 : memref<128x128xf32, #tpu.memory_space<hbm>>) target_semaphore(%arg17 : memref<!tpu.dma_semaphore, #tpu.memory_space<semaphore_mem>>)
    %dma_wait3A_265 = arith.constant 0 : i32
    %dma_wait3A_266 = tpu.memref_slice %arg4[%select_n3A, %add3A_177, %dma_wait3A_265] : memref<4x8192x128xf32, #tpu.memory_space<hbm>> -> memref<1x128x128xf32, #tpu.memory_space<hbm>>
    %dma_wait3A_267 = tpu.memref_squeeze %dma_wait3A_266 : memref<1x128x128xf32, #tpu.memory_space<hbm>> -> memref<128x128xf32, #tpu.memory_space<hbm>>
    %dma_wait3A_268 = arith.constant 0 : i32
    %dma_wait3A_269 = tpu.memref_slice %arg4[%select_n3A, %add3A_177, %dma_wait3A_268] : memref<4x8192x128xf32, #tpu.memory_space<hbm>> -> memref<1x128x128xf32, #tpu.memory_space<hbm>>
    %dma_wait3A_270 = tpu.memref_squeeze %dma_wait3A_269 : memref<1x128x128xf32, #tpu.memory_space<hbm>> -> memref<128x128xf32, #tpu.memory_space<hbm>>
    tpu.wait_dma2 semaphore(%arg14 : memref<!tpu.dma_semaphore, #tpu.memory_space<semaphore_mem>>) src(%arg6 : memref<128x128xf32, #tpu.memory_space<vmem>>) dst(%dma_wait3A_270 : memref<128x128xf32, #tpu.memory_space<hbm>>)
    %dma_wait3A_271 = arith.constant 0 : i32
    %dma_wait3A_272 = tpu.memref_slice %arg4[%select_n3A, %add3A_209, %dma_wait3A_271] : memref<4x8192x128xf32, #tpu.memory_space<hbm>> -> memref<1x128x128xf32, #tpu.memory_space<hbm>>
    %dma_wait3A_273 = tpu.memref_squeeze %dma_wait3A_272 : memref<1x128x128xf32, #tpu.memory_space<hbm>> -> memref<128x128xf32, #tpu.memory_space<hbm>>
    %dma_wait3A_274 = arith.constant 0 : i32
    %dma_wait3A_275 = tpu.memref_slice %arg4[%select_n3A, %add3A_209, %dma_wait3A_274] : memref<4x8192x128xf32, #tpu.memory_space<hbm>> -> memref<1x128x128xf32, #tpu.memory_space<hbm>>
    %dma_wait3A_276 = tpu.memref_squeeze %dma_wait3A_275 : memref<1x128x128xf32, #tpu.memory_space<hbm>> -> memref<128x128xf32, #tpu.memory_space<hbm>>
    tpu.wait_dma2 semaphore(%arg15 : memref<!tpu.dma_semaphore, #tpu.memory_space<semaphore_mem>>) src(%arg7 : memref<128x128xf32, #tpu.memory_space<vmem>>) dst(%dma_wait3A_276 : memref<128x128xf32, #tpu.memory_space<hbm>>)
    %dma_wait3A_277 = arith.constant 0 : i32
    %dma_wait3A_278 = tpu.memref_slice %arg4[%select_n3A, %add3A_241, %dma_wait3A_277] : memref<4x8192x128xf32, #tpu.memory_space<hbm>> -> memref<1x128x128xf32, #tpu.memory_space<hbm>>
    %dma_wait3A_279 = tpu.memref_squeeze %dma_wait3A_278 : memref<1x128x128xf32, #tpu.memory_space<hbm>> -> memref<128x128xf32, #tpu.memory_space<hbm>>
    %dma_wait3A_280 = arith.constant 0 : i32
    %dma_wait3A_281 = tpu.memref_slice %arg4[%select_n3A, %add3A_241, %dma_wait3A_280] : memref<4x8192x128xf32, #tpu.memory_space<hbm>> -> memref<1x128x128xf32, #tpu.memory_space<hbm>>
    %dma_wait3A_282 = tpu.memref_squeeze %dma_wait3A_281 : memref<1x128x128xf32, #tpu.memory_space<hbm>> -> memref<128x128xf32, #tpu.memory_space<hbm>>
    tpu.wait_dma2 semaphore(%arg16 : memref<!tpu.dma_semaphore, #tpu.memory_space<semaphore_mem>>) src(%arg8 : memref<128x128xf32, #tpu.memory_space<vmem>>) dst(%dma_wait3A_282 : memref<128x128xf32, #tpu.memory_space<hbm>>)
    %dma_wait3A_283 = arith.constant 0 : i32
    %dma_wait3A_284 = tpu.memref_slice %arg4[%select_n3A, %add3A_258, %dma_wait3A_283] : memref<4x8192x128xf32, #tpu.memory_space<hbm>> -> memref<1x128x128xf32, #tpu.memory_space<hbm>>
    %dma_wait3A_285 = tpu.memref_squeeze %dma_wait3A_284 : memref<1x128x128xf32, #tpu.memory_space<hbm>> -> memref<128x128xf32, #tpu.memory_space<hbm>>
    %dma_wait3A_286 = arith.constant 0 : i32
    %dma_wait3A_287 = tpu.memref_slice %arg4[%select_n3A, %add3A_258, %dma_wait3A_286] : memref<4x8192x128xf32, #tpu.memory_space<hbm>> -> memref<1x128x128xf32, #tpu.memory_space<hbm>>
    %dma_wait3A_288 = tpu.memref_squeeze %dma_wait3A_287 : memref<1x128x128xf32, #tpu.memory_space<hbm>> -> memref<128x128xf32, #tpu.memory_space<hbm>>
    tpu.wait_dma2 semaphore(%arg17 : memref<!tpu.dma_semaphore, #tpu.memory_space<semaphore_mem>>) src(%arg9 : memref<128x128xf32, #tpu.memory_space<vmem>>) dst(%dma_wait3A_288 : memref<128x128xf32, #tpu.memory_space<hbm>>)
    return
  }
}

module attributes {stable_mosaic.version = 14 : i64} {
  func.func @body(%arg0: i32, %arg1: i32, %arg2: memref<1x8192x128xf32, #tpu.memory_space<vmem>>, %arg3: memref<64x128xf32, #tpu.memory_space<vmem>>, %arg4: memref<64x1xf32, #tpu.memory_space<vmem>>, %arg5: memref<16x64x8192xf32, #tpu.memory_space<any>>, %arg6: memref<1x64x8192xf32, #tpu.memory_space<vmem>>) attributes {dimension_semantics = [#tpu.dimension_semantics<arbitrary>, #tpu.dimension_semantics<arbitrary>], iteration_bounds = array<i64: 4, 1>, scalar_prefetch = 0 : i64, scratch_operands = 0 : i64, tpu.core_type = #tpu.core_type<tc>, window_params = [{transform_indices = @transform_0, window_bounds = array<i64: 1, 8192, 128>}, {pipeline_mode = #tpu.pipeline_mode<synchronous>, transform_indices = @transform_1, window_bounds = array<i64: 64, 128>}, {pipeline_mode = #tpu.pipeline_mode<synchronous>, transform_indices = @transform_2, window_bounds = array<i64: 64, 1>}, {}, {transform_indices = @transform_4, window_bounds = array<i64: 1, 64, 8192>}]} {
    %get3A = arith.constant 0 : index
    %get3A_0 = arith.constant 0 : index
    %get3A_1 = vector.load %arg3[%get3A, %get3A_0] : memref<64x128xf32, #tpu.memory_space<vmem>>, vector<64x128xf32>
    %get3A_2 = arith.constant 0 : index
    %get3A_3 = arith.constant 0 : index
    %get3A_4 = arith.constant 0 : index
    %get3A_5 = vector.load %arg2[%get3A_2, %get3A_3, %get3A_4] : memref<1x8192x128xf32, #tpu.memory_space<vmem>>, vector<1x8192x128xf32>
    %get3A_6 = vector.shape_cast %get3A_5 : vector<1x8192x128xf32> to vector<8192x128xf32>
    %dot_general3A = arith.constant dense<0.000000e+00> : vector<64x8192xf32>
    %dot_general3A_7 = tpu.matmul %get3A_1, %get3A_6, %dot_general3A {dimension_numbers = #tpu.dot_dimension_numbers<[1], [1], [0], [0], [0, 0, 1, 0], [], []>, transpose_lhs_hint = false} : vector<64x128xf32>, vector<8192x128xf32>, vector<64x8192xf32> -> vector<64x8192xf32>
    %get3A_8 = arith.constant 0 : index
    %get3A_9 = arith.constant 0 : index
    %get3A_10 = vector.load %arg4[%get3A_8, %get3A_9] : memref<64x1xf32, #tpu.memory_space<vmem>>, vector<64x1xf32>
    %add3A = vector.broadcast %get3A_10 : vector<64x1xf32> to vector<64x8192xf32>
    %add3A_11 = arith.addf %dot_general3A_7, %add3A : vector<64x8192xf32>
    %swap3A = arith.constant 0 : index
    %swap3A_12 = arith.constant 0 : index
    %swap3A_13 = arith.constant 0 : index
    %swap3A_14 = vector.load %arg6[%swap3A, %swap3A_12, %swap3A_13] : memref<1x64x8192xf32, #tpu.memory_space<vmem>>, vector<1x64x8192xf32>
    %swap3A_15 = vector.shape_cast %swap3A_14 : vector<1x64x8192xf32> to vector<64x8192xf32>
    %swap3A_16 = vector.shape_cast %add3A_11 : vector<64x8192xf32> to vector<1x64x8192xf32>
    tpu.vector_store %arg6[%swap3A, %swap3A_12, %swap3A_13], %swap3A_16 {strides = array<i32>} : memref<1x64x8192xf32, #tpu.memory_space<vmem>>, vector<1x64x8192xf32>,
    return
  }
  func.func @transform_0(%arg0: i32, %arg1: i32) -> (i32, i32, i32) {
    %c0_i32 = arith.constant 0 : i32
    %c0_i32_0 = arith.constant 0 : i32
    return %arg0, %arg1, %c0_i32 : i32, i32, i32
  }
  func.func @transform_1(%arg0: i32, %arg1: i32) -> (i32, i32) {
    %c0_i32 = arith.constant 0 : i32
    %c0_i32_0 = arith.constant 0 : i32
    %c0_i32_1 = arith.constant 0 : i32
    return %c0_i32, %c0_i32_0 : i32, i32
  }
  func.func @transform_2(%arg0: i32, %arg1: i32) -> (i32, i32) {
    %c0_i32 = arith.constant 0 : i32
    %c0_i32_0 = arith.constant 0 : i32
    %c0_i32_1 = arith.constant 0 : i32
    return %c0_i32, %c0_i32_0 : i32, i32
  }
  func.func @transform_4(%arg0: i32, %arg1: i32) -> (i32, i32, i32) {
    %add3A = arith.constant 8 : i32
    %add3A_0 = arith.addi %add3A, %arg0 : i32
    %c0_i32 = arith.constant 0 : i32
    %c0_i32_1 = arith.constant 0 : i32
    return %add3A_0, %c0_i32, %arg1 : i32, i32, i32
  }
}

module attributes {stable_mosaic.version = 14 : i64} {
  func.func @body(%arg0: i32, %arg1: i32, %arg2: memref<1x8192x128xf32, #tpu.memory_space<vmem>>, %arg3: memref<64x128xf32, #tpu.memory_space<vmem>>, %arg4: memref<64x1xf32, #tpu.memory_space<vmem>>, %arg5: memref<16x64x8192xf32, #tpu.memory_space<any>>, %arg6: memref<1x64x8192xf32, #tpu.memory_space<vmem>>) attributes {dimension_semantics = [#tpu.dimension_semantics<arbitrary>, #tpu.dimension_semantics<arbitrary>], iteration_bounds = array<i64: 4, 1>, scalar_prefetch = 0 : i64, scratch_operands = 0 : i64, tpu.core_type = #tpu.core_type<tc>, window_params = [{transform_indices = @transform_0, window_bounds = array<i64: 1, 8192, 128>}, {pipeline_mode = #tpu.pipeline_mode<synchronous>, transform_indices = @transform_1, window_bounds = array<i64: 64, 128>}, {pipeline_mode = #tpu.pipeline_mode<synchronous>, transform_indices = @transform_2, window_bounds = array<i64: 64, 1>}, {}, {transform_indices = @transform_4, window_bounds = array<i64: 1, 64, 8192>}]} {
    %get3A = arith.constant 0 : index
    %get3A_0 = arith.constant 0 : index
    %get3A_1 = vector.load %arg3[%get3A, %get3A_0] : memref<64x128xf32, #tpu.memory_space<vmem>>, vector<64x128xf32>
    %get3A_2 = arith.constant 0 : index
    %get3A_3 = arith.constant 0 : index
    %get3A_4 = arith.constant 0 : index
    %get3A_5 = vector.load %arg2[%get3A_2, %get3A_3, %get3A_4] : memref<1x8192x128xf32, #tpu.memory_space<vmem>>, vector<1x8192x128xf32>
    %get3A_6 = vector.shape_cast %get3A_5 : vector<1x8192x128xf32> to vector<8192x128xf32>
    %dot_general3A = arith.constant dense<0.000000e+00> : vector<64x8192xf32>
    %dot_general3A_7 = tpu.matmul %get3A_1, %get3A_6, %dot_general3A {dimension_numbers = #tpu.dot_dimension_numbers<[1], [1], [0], [0], [0, 0, 1, 0], [], []>, transpose_lhs_hint = false} : vector<64x128xf32>, vector<8192x128xf32>, vector<64x8192xf32> -> vector<64x8192xf32>
    %get3A_8 = arith.constant 0 : index
    %get3A_9 = arith.constant 0 : index
    %get3A_10 = vector.load %arg4[%get3A_8, %get3A_9] : memref<64x1xf32, #tpu.memory_space<vmem>>, vector<64x1xf32>
    %add3A = vector.broadcast %get3A_10 : vector<64x1xf32> to vector<64x8192xf32>
    %add3A_11 = arith.addf %dot_general3A_7, %add3A : vector<64x8192xf32>
    %swap3A = arith.constant 0 : index
    %swap3A_12 = arith.constant 0 : index
    %swap3A_13 = arith.constant 0 : index
    %swap3A_14 = vector.load %arg6[%swap3A, %swap3A_12, %swap3A_13] : memref<1x64x8192xf32, #tpu.memory_space<vmem>>, vector<1x64x8192xf32>
    %swap3A_15 = vector.shape_cast %swap3A_14 : vector<1x64x8192xf32> to vector<64x8192xf32>
    %swap3A_16 = vector.shape_cast %add3A_11 : vector<64x8192xf32> to vector<1x64x8192xf32>
    tpu.vector_store %arg6[%swap3A, %swap3A_12, %swap3A_13], %swap3A_16 {strides = array<i32>} : memref<1x64x8192xf32, #tpu.memory_space<vmem>>, vector<1x64x8192xf32>,
    return
  }
  func.func @transform_0(%arg0: i32, %arg1: i32) -> (i32, i32, i32) {
    %c0_i32 = arith.constant 0 : i32
    %c0_i32_0 = arith.constant 0 : i32
    return %arg0, %arg1, %c0_i32 : i32, i32, i32
  }
  func.func @transform_1(%arg0: i32, %arg1: i32) -> (i32, i32) {
    %c0_i32 = arith.constant 0 : i32
    %c0_i32_0 = arith.constant 0 : i32
    %c0_i32_1 = arith.constant 0 : i32
    return %c0_i32, %c0_i32_0 : i32, i32
  }
  func.func @transform_2(%arg0: i32, %arg1: i32) -> (i32, i32) {
    %c0_i32 = arith.constant 0 : i32
    %c0_i32_0 = arith.constant 0 : i32
    %c0_i32_1 = arith.constant 0 : i32
    return %c0_i32, %c0_i32_0 : i32, i32
  }
  func.func @transform_4(%arg0: i32, %arg1: i32) -> (i32, i32, i32) {
    %add3A = arith.constant 4 : i32
    %add3A_0 = arith.addi %add3A, %arg0 : i32
    %c0_i32 = arith.constant 0 : i32
    %c0_i32_1 = arith.constant 0 : i32
    return %add3A_0, %c0_i32, %arg1 : i32, i32, i32
  }
}

module attributes {stable_mosaic.version = 14 : i64} {
  func.func @body(%arg0: i32, %arg1: i32, %arg2: memref<1x8192x128xf32, #tpu.memory_space<vmem>>, %arg3: memref<64x128xf32, #tpu.memory_space<vmem>>, %arg4: memref<64x1xf32, #tpu.memory_space<vmem>>, %arg5: memref<1x64x8192xf32, #tpu.memory_space<vmem>>) attributes {dimension_semantics = [#tpu.dimension_semantics<arbitrary>, #tpu.dimension_semantics<arbitrary>], iteration_bounds = array<i64: 4, 1>, scalar_prefetch = 0 : i64, scratch_operands = 0 : i64, tpu.core_type = #tpu.core_type<tc>, window_params = [{transform_indices = @transform_0, window_bounds = array<i64: 1, 8192, 128>}, {pipeline_mode = #tpu.pipeline_mode<synchronous>, transform_indices = @transform_1, window_bounds = array<i64: 64, 128>}, {pipeline_mode = #tpu.pipeline_mode<synchronous>, transform_indices = @transform_2, window_bounds = array<i64: 64, 1>}, {transform_indices = @transform_3, window_bounds = array<i64: 1, 64, 8192>}]} {
    %get3A = arith.constant 0 : index
    %get3A_0 = arith.constant 0 : index
    %get3A_1 = vector.load %arg3[%get3A, %get3A_0] : memref<64x128xf32, #tpu.memory_space<vmem>>, vector<64x128xf32>
    %get3A_2 = arith.constant 0 : index
    %get3A_3 = arith.constant 0 : index
    %get3A_4 = arith.constant 0 : index
    %get3A_5 = vector.load %arg2[%get3A_2, %get3A_3, %get3A_4] : memref<1x8192x128xf32, #tpu.memory_space<vmem>>, vector<1x8192x128xf32>
    %get3A_6 = vector.shape_cast %get3A_5 : vector<1x8192x128xf32> to vector<8192x128xf32>
    %dot_general3A = arith.constant dense<0.000000e+00> : vector<64x8192xf32>
    %dot_general3A_7 = tpu.matmul %get3A_1, %get3A_6, %dot_general3A {dimension_numbers = #tpu.dot_dimension_numbers<[1], [1], [0], [0], [0, 0, 1, 0], [], []>, transpose_lhs_hint = false} : vector<64x128xf32>, vector<8192x128xf32>, vector<64x8192xf32> -> vector<64x8192xf32>
    %get3A_8 = arith.constant 0 : index
    %get3A_9 = arith.constant 0 : index
    %get3A_10 = vector.load %arg4[%get3A_8, %get3A_9] : memref<64x1xf32, #tpu.memory_space<vmem>>, vector<64x1xf32>
    %add3A = vector.broadcast %get3A_10 : vector<64x1xf32> to vector<64x8192xf32>
    %add3A_11 = arith.addf %dot_general3A_7, %add3A : vector<64x8192xf32>
    %swap3A = arith.constant 0 : index
    %swap3A_12 = arith.constant 0 : index
    %swap3A_13 = arith.constant 0 : index
    %swap3A_14 = vector.load %arg5[%swap3A, %swap3A_12, %swap3A_13] : memref<1x64x8192xf32, #tpu.memory_space<vmem>>, vector<1x64x8192xf32>
    %swap3A_15 = vector.shape_cast %swap3A_14 : vector<1x64x8192xf32> to vector<64x8192xf32>
    %swap3A_16 = vector.shape_cast %add3A_11 : vector<64x8192xf32> to vector<1x64x8192xf32>
    tpu.vector_store %arg5[%swap3A, %swap3A_12, %swap3A_13], %swap3A_16 {strides = array<i32>} : memref<1x64x8192xf32, #tpu.memory_space<vmem>>, vector<1x64x8192xf32>,
    return
  }
  func.func @transform_0(%arg0: i32, %arg1: i32) -> (i32, i32, i32) {
    %c0_i32 = arith.constant 0 : i32
    %c0_i32_0 = arith.constant 0 : i32
    return %arg0, %arg1, %c0_i32 : i32, i32, i32
  }
  func.func @transform_1(%arg0: i32, %arg1: i32) -> (i32, i32) {
    %c0_i32 = arith.constant 0 : i32
    %c0_i32_0 = arith.constant 0 : i32
    %c0_i32_1 = arith.constant 0 : i32
    return %c0_i32, %c0_i32_0 : i32, i32
  }
  func.func @transform_2(%arg0: i32, %arg1: i32) -> (i32, i32) {
    %c0_i32 = arith.constant 0 : i32
    %c0_i32_0 = arith.constant 0 : i32
    %c0_i32_1 = arith.constant 0 : i32
    return %c0_i32, %c0_i32_0 : i32, i32
  }
  func.func @transform_3(%arg0: i32, %arg1: i32) -> (i32, i32, i32) {
    %add3A = arith.constant 0 : i32
    %add3A_0 = arith.addi %add3A, %arg0 : i32
    %c0_i32 = arith.constant 0 : i32
    %c0_i32_1 = arith.constant 0 : i32
    return %add3A_0, %c0_i32, %arg1 : i32, i32, i32
  }
}

module attributes {stable_mosaic.version = 14 : i64} {
  func.func @body(%arg0: i32, %arg1: i32, %arg2: memref<1x8192x128xf32, #tpu.memory_space<vmem>>, %arg3: memref<64x128xf32, #tpu.memory_space<vmem>>, %arg4: memref<64x1xf32, #tpu.memory_space<vmem>>, %arg5: memref<16x64x8192xf32, #tpu.memory_space<any>>, %arg6: memref<1x64x8192xf32, #tpu.memory_space<vmem>>) attributes {dimension_semantics = [#tpu.dimension_semantics<arbitrary>, #tpu.dimension_semantics<arbitrary>], iteration_bounds = array<i64: 4, 1>, scalar_prefetch = 0 : i64, scratch_operands = 0 : i64, tpu.core_type = #tpu.core_type<tc>, window_params = [{transform_indices = @transform_0, window_bounds = array<i64: 1, 8192, 128>}, {pipeline_mode = #tpu.pipeline_mode<synchronous>, transform_indices = @transform_1, window_bounds = array<i64: 64, 128>}, {pipeline_mode = #tpu.pipeline_mode<synchronous>, transform_indices = @transform_2, window_bounds = array<i64: 64, 1>}, {}, {transform_indices = @transform_4, window_bounds = array<i64: 1, 64, 8192>}]} {
    %get3A = arith.constant 0 : index
    %get3A_0 = arith.constant 0 : index
    %get3A_1 = vector.load %arg3[%get3A, %get3A_0] : memref<64x128xf32, #tpu.memory_space<vmem>>, vector<64x128xf32>
    %get3A_2 = arith.constant 0 : index
    %get3A_3 = arith.constant 0 : index
    %get3A_4 = arith.constant 0 : index
    %get3A_5 = vector.load %arg2[%get3A_2, %get3A_3, %get3A_4] : memref<1x8192x128xf32, #tpu.memory_space<vmem>>, vector<1x8192x128xf32>
    %get3A_6 = vector.shape_cast %get3A_5 : vector<1x8192x128xf32> to vector<8192x128xf32>
    %dot_general3A = arith.constant dense<0.000000e+00> : vector<64x8192xf32>
    %dot_general3A_7 = tpu.matmul %get3A_1, %get3A_6, %dot_general3A {dimension_numbers = #tpu.dot_dimension_numbers<[1], [1], [0], [0], [0, 0, 1, 0], [], []>, transpose_lhs_hint = false} : vector<64x128xf32>, vector<8192x128xf32>, vector<64x8192xf32> -> vector<64x8192xf32>
    %get3A_8 = arith.constant 0 : index
    %get3A_9 = arith.constant 0 : index
    %get3A_10 = vector.load %arg4[%get3A_8, %get3A_9] : memref<64x1xf32, #tpu.memory_space<vmem>>, vector<64x1xf32>
    %add3A = vector.broadcast %get3A_10 : vector<64x1xf32> to vector<64x8192xf32>
    %add3A_11 = arith.addf %dot_general3A_7, %add3A : vector<64x8192xf32>
    %swap3A = arith.constant 0 : index
    %swap3A_12 = arith.constant 0 : index
    %swap3A_13 = arith.constant 0 : index
    %swap3A_14 = vector.load %arg6[%swap3A, %swap3A_12, %swap3A_13] : memref<1x64x8192xf32, #tpu.memory_space<vmem>>, vector<1x64x8192xf32>
    %swap3A_15 = vector.shape_cast %swap3A_14 : vector<1x64x8192xf32> to vector<64x8192xf32>
    %swap3A_16 = vector.shape_cast %add3A_11 : vector<64x8192xf32> to vector<1x64x8192xf32>
    tpu.vector_store %arg6[%swap3A, %swap3A_12, %swap3A_13], %swap3A_16 {strides = array<i32>} : memref<1x64x8192xf32, #tpu.memory_space<vmem>>, vector<1x64x8192xf32>,
    return
  }
  func.func @transform_0(%arg0: i32, %arg1: i32) -> (i32, i32, i32) {
    %c0_i32 = arith.constant 0 : i32
    %c0_i32_0 = arith.constant 0 : i32
    return %arg0, %arg1, %c0_i32 : i32, i32, i32
  }
  func.func @transform_1(%arg0: i32, %arg1: i32) -> (i32, i32) {
    %c0_i32 = arith.constant 0 : i32
    %c0_i32_0 = arith.constant 0 : i32
    %c0_i32_1 = arith.constant 0 : i32
    return %c0_i32, %c0_i32_0 : i32, i32
  }
  func.func @transform_2(%arg0: i32, %arg1: i32) -> (i32, i32) {
    %c0_i32 = arith.constant 0 : i32
    %c0_i32_0 = arith.constant 0 : i32
    %c0_i32_1 = arith.constant 0 : i32
    return %c0_i32, %c0_i32_0 : i32, i32
  }
  func.func @transform_4(%arg0: i32, %arg1: i32) -> (i32, i32, i32) {
    %add3A = arith.constant 12 : i32
    %add3A_0 = arith.addi %add3A, %arg0 : i32
    %c0_i32 = arith.constant 0 : i32
    %c0_i32_1 = arith.constant 0 : i32
    return %add3A_0, %c0_i32, %arg1 : i32, i32, i32
  }
}

</mosaic_0001>

<sc_bundles>
// kernel: kernel.10.cloned.1.call-start
scs
__scs_entry_jumppad:
0x0: {  	(pc) =	sbr.rel $0x88, $3  }
0x1: {  	(tag) =	ssettag $0x0;
	lr =	simm.s32 $0x1  }
0x2: {  	[smem:$0x3F9D] =	sst lr;
	_ =	strace $0xD0000000  }
0x3: {  	_ = 	snop  }
0x4: {  	_ = 	snop  }
0x5: {  	_ = 	snop  }
0x6: {  	_ = 	snop  }
0x7: {  	_ = 	snop  }
__scs_overlays_trampoline_lowered:
0x8: {  	[smem:$0x3FAC] =	sst s0  }
0x9: {  	[smem:$0x3FAD] =	sst s1  }
0xa: {  	[smem:$0x3FAE] =	sst s2  }
0xb: {  	[smem:$0x3FAF] =	sst s3  }
0xc: {  	[smem:$0x3FB0] =	sst s4  }
0xd: {  	[smem:$0x3FB1] =	sst s5  }
0xe: {  	[smem:$0x3FB2] =	sst s6  }
0xf: {  	[smem:$0x3FB3] =	sst s7  }
0x10: {  	[smem:$0x3FB4] =	sst s8  }
0x11: {  	[smem:$0x3FB5] =	sst s9;
	s0 =	simm.s32 @!p0 $0x0  }
0x12: {  	s1 =	sld [smem:$0x3F9B];
	s0 =	simm.s32 @p0 $0x1  }
0x13: {  	[smem:$0x3FB6] =	sst s0;
	s0 =	simm.s32 @!p1 $0x0  }
0x14: {  	s2 =	sld [smem:$0x3F9A];
	s0 =	simm.s32 @p1 $0x1  }
0x15: {  	[smem:$0x3FB7] =	sst s0;
	s0 =	simm.s32 @!p2 $0x0  }
0x16: {  	s3 =	sld [smem:$0x3FDB];
	s0 =	simm.s32 @p2 $0x1  }
0x17: {  	s4 =	simm.s32 $0x1BF5;
	[smem:$0x3FB9] =	sst s0  }
0x18: {  	s0 =	sld [smem:$0x3F9C];
	_ =	swait.ge [sflag:s4], $0x0  }
0x19: {  	s7 =	sld [smem:$0x3F9D]  }
0x1a: {  	s8 =	sadd.s32 $0xFFFFE003, lr  }
0x1b: {  	s9 =	sadd.s32 $0xFFFFFEF7, lr;
	s5 =	simm.s32 $0xFFFFFFFF;
	p2 =	slt.u32 s8, $0xFFFFF086  }
0x1c: {  	p1 =	slt.u32 s9, $0xF7A;
	s5 =	simm.s32 @!p2 $0x0  }
0x1d: {  	s5 =	simm.s32 @p1 $0x1;
	p0 =	seq.s32 s7, s2  }
0x1e: {  	s7 =	smul.u32 @!p0 $0xF7A, s2;
	p2 =	seq.s32 @!p0 s5, $0x0  }
0x1f: {  	s9 =	smul.u32 $0xF7A, s1;
	s8 =	simm.s32 @!p0 $0x1BF5;
	p2 =	por !p2, p0  }
0x20: {  	[sflag:s8] =	ssyncset.s32 @!p0 $0xFFFFF086;
	s6 =	sadd.s32 @!p0 s3, s7;
	s7 =	simm.s32 @!p0 $0x108  }
0x21: {  	s3 =	sadd.s32 s3, s9;
	s6 =	sadd.s32 @!p0 $0x88, s6;
	s7 =	simm.s32 @p2 $0x1082  }
0x22: {  	[simem:s7], [sflag:s8] =	dma.local @!p0 [hbm:s6], $0xF7A  }
0x23: {  	s9 =	sor.u32 $0xD0000000, s2;
	s6 =	simm.s32 $0x108;
	_ =	swait.ge @!p0 [sflag:s8], $0x0  }
0x24: {  	s3 =	sadd.s32 $0x88, s3;
	s6 =	simm.s32 @!p1 $0x1082;
	[sflag:s4] =	ssyncset.s32 $0xFFFFF086  }
0x25: {  	[simem:s6], [sflag:s4] =	dma.local [hbm:s3], $0xF7A  }
0x26: {  	[smem:$0x3F9D] =	sst s1;
	(tag) =	ssettag s2;
	_ =	strace s9  }
0x27: {  	s1 =	sld [smem:$0x3FAD]  }
0x28: {  	s2 =	sld [smem:$0x3FAE]  }
0x29: {  	s4 =	sld [smem:$0x3FB0]  }
0x2a: {  	p0 =	seq.s32 s5, $0x0;
	s5 =	sld [smem:$0x3FB1]  }
0x2b: {  	s6 =	sld [smem:$0x3FB2]  }
0x2c: {  	s7 =	sld [smem:$0x3FB3]  }
0x2d: {  	s3 =	simm.s32 $0x108;
	s8 =	sld [smem:$0x3FB4]  }
0x2e: {  	s3 =	simm.s32 @!p0 $0x1082;
	s9 =	sld [smem:$0x3FB5]  }
0x2f: {  	lr =	sadd.s32 s0, s3;
	s0 =	sld [smem:$0x3FAC]  }
0x30: {  	s3 =	sld [smem:$0x3FAF]  }
0x31: {  	[smem:$0x3FB8] =	sst s10  }
0x32: {  	s10 =	sld [smem:$0x3FB6];
	_ =	sdelay $0x3  }
0x33: {  	p0 =	seq.s32 s10, $0x1;
	s10 =	sld [smem:$0x3FB8];
	_ =	sdelay $0x3  }
0x34: {  	[smem:$0x3FB8] =	sst s10  }
0x35: {  	s10 =	sld [smem:$0x3FB7];
	_ =	sdelay $0x3  }
0x36: {  	p1 =	seq.s32 s10, $0x1;
	s10 =	sld [smem:$0x3FB8];
	_ =	sdelay $0x3  }
0x37: {  	[smem:$0x3FB8] =	sst s10  }
0x38: {  	s10 =	sld [smem:$0x3FB9]  }
0x39: {  	_ = 	snop;
	(pc) =	sbr.ind lr, $3  }
0x3a: {  	_ = 	snop  }
0x3b: {  	_ = 	snop  }
0x3c: {  	p2 =	seq.s32 s10, $0x1;
	s10 =	sld [smem:$0x3FB8]  }
0x3d: {  	_ =	shalt  }
0x3e: {  	_ =	shalt  }
0x3f: {  	_ =	shalt  }
0x40: {  	_ =	shalt  }
0x41: {  	_ =	shalt  }
0x42: {  	_ =	shalt  }
0x43: {  	_ =	shalt  }
0x44: {  	_ =	shalt  }
0x45: {  	_ =	shalt  }
0x46: {  	_ =	shalt  }
0x47: {  	_ =	shalt  }
0x48: {  	_ =	shalt  }
0x49: {  	_ =	shalt  }
0x4a: {  	_ =	shalt  }
0x4b: {  	_ =	shalt  }
0x4c: {  	_ =	shalt  }
0x4d: {  	_ =	shalt  }
0x4e: {  	_ =	shalt  }
0x4f: {  	_ =	shalt  }
0x50: {  	_ =	shalt  }
0x51: {  	_ =	shalt  }
0x52: {  	_ =	shalt  }
0x53: {  	_ =	shalt  }
0x54: {  	_ =	shalt  }
0x55: {  	_ =	shalt  }
0x56: {  	_ =	shalt  }
0x57: {  	_ =	shalt  }
0x58: {  	_ =	shalt  }
0x59: {  	_ =	shalt  }
0x5a: {  	_ =	shalt  }
0x5b: {  	_ =	shalt  }
0x5c: {  	_ =	shalt  }
0x5d: {  	_ =	shalt  }
0x5e: {  	_ =	shalt  }
0x5f: {  	_ =	shalt  }
0x60: {  	_ =	shalt  }
0x61: {  	_ =	shalt  }
0x62: {  	_ =	shalt  }
0x63: {  	_ =	shalt  }
0x64: {  	_ =	shalt  }
0x65: {  	_ =	shalt  }
0x66: {  	_ =	shalt  }
0x67: {  	_ =	shalt  }
0x68: {  	_ =	shalt  }
0x69: {  	_ =	shalt  }
0x6a: {  	_ =	shalt  }
0x6b: {  	_ =	shalt  }
0x6c: {  	_ =	shalt  }
0x6d: {  	_ =	shalt  }
0x6e: {  	_ =	shalt  }
0x6f: {  	_ =	shalt  }
0x70: {  	_ =	shalt  }
0x71: {  	_ =	shalt  }
0x72: {  	_ =	shalt  }
0x73: {  	_ =	shalt  }
0x74: {  	_ =	shalt  }
0x75: {  	_ =	shalt  }
0x76: {  	_ =	shalt  }
0x77: {  	_ =	shalt  }
0x78: {  	_ =	shalt  }
0x79: {  	_ =	shalt  }
0x7a: {  	_ =	shalt  }
0x7b: {  	_ =	shalt  }
0x7c: {  	_ =	shalt  }
0x7d: {  	_ =	shalt  }
0x7e: {  	_ =	shalt  }
0x7f: {  	_ =	shalt  }
0x80: {  	_ =	shalt  }
0x81: {  	_ =	shalt  }
0x82: {  	_ =	shalt  }
0x83: {  	_ =	shalt  }
0x84: {  	_ =	shalt  }
0x85: {  	_ =	shalt  }
0x86: {  	_ =	shalt  }
0x87: {  	_ =	shalt  }
.Lfunc_end0:
.L_simem_size_0:
called_computation_lowered:
.L_overlay_start_0:
0x88: {  	s2 =	sld [smem:$0x3FD9]  }
0x89: {  	s3 =	sld [smem:$0x3FFE];
	_ =	sdelay $0x1  }
0x8a: {  	s1 =	srdreg.scid  }
0x8b: {  	s0 =	sand.u32 $0x1, s1  }
0x8c: {  	s18 =	sshll.u32 s0, $0xA;
	s2 =	sadd.s32 s3, s2  }
0x8d: {  	s2 =	sadd.s32 s2, s18  }
0x8e: {  	[smem:$0x3FC4] =	sst s2  }
0x8f: {  	_ = 	snop  }
0x90: {  	s2 =	sld [smem:$0x3FC9]  }
0x91: {  	s19 =	sld [smem:$0x3FC8]  }
0x92: {  	s4 =	sld [smem:$0x3FD0];
	(tm) =	ssettm $0x1  }
0x93: {  	s5 =	sld [smem:$0x3FFB];
	_ =	sdelay $0x3  }
0x94: {  	_ =	strace s5  }
0x95: {  	s5 =	sld [smem:$0x3FFC];
	_ =	sdelay $0x3  }
0x96: {  	_ =	strace s5  }
0x97: {  	s5 =	sld [smem:$0x3FFD];
	_ =	sdelay $0x3  }
0x98: {  	_ =	strace s5  }
0x99: {  	_ =	strace $0x8FFFFFFF  }
0x9a: {  	s20 =	sld [smem:$0x3FDB];
	_ =	sdelay $0x1  }
0x9b: {  	s6 =	simm.s32 $_scs_section_size  }
0x9c: {  	s7 =	simm.s32 $_size__tile_overlayer_lowered;
	s8 =	simm.s32 $_tile_overlayer_lowered  }
0x9d: {  	s23 =	simm.s32 $0x1BFF;
	s22 =	sshll.u32 s8, $0x1;
	s5 =	sadd.s32 s6, s20  }
0x9e: {  	s9 =	simm.s32 $0x0;
	s21 =	sshll.u32 s7, $0x1;
	s7 =	sadd.s32 s22, s5  }
0x9f: {  	[timem:s9], [sflag:s23] =	dma.local [hbm:s7], s21  }
0xa0: {  	_ =	swait.ge [sflag:s23], s21  }
0xa1: {  	s6 =	ssub.s32 $0x0, s21;
	[sflag:s23] =	ssyncset.done $0x0  }
0xa2: {  	[sflag:s23] =	ssyncadd.s32 s6;
	_ =	sdelay $0x1  }
0xa3: {  	s24 =	simm.s32 $0x1B8B  }
0xa4: {  	_ =	swait.ge [sflag:s24], $0x1  }
0xa5: {  	[sflag:s24] =	ssyncset.done $0x0  }
0xa6: {  	s25 =	simm.s32 $0x1B8E;
	[sflag:s24] =	ssyncadd.s32 $0xFFFFFFFF  }
0xa7: {  	s26 =	simm.s32 $execute0_lowered;
	[smem:$0x3FD2] =	sst s25  }
0xa8: {  	s6 =	sshll.u32 s26, $0x1;
	_ =	strace $0x80000046;
	[dreg:$0x1] =	wrdreg $0xFFFFFFFF  }
0xa9: {  	s28 =	simm.s32 $_size_execute0_lowered;
	s5 =	sadd.s32 s5, s6;
	[dreg:$0x0] =	wrdreg $0x0  }
0xaa: {  	s6 =	sshll.u32 s28, $0x1;
	[dreg:$0x2] =	wrdreg s5  }
0xab: {  	[dreg:$0x3] =	wrdreg s6  }
0xac: {  	[dreg:$0x4] =	wrdreg $0xC0  }
0xad: {  	_ =	task [dreg:s9], $0x5FFFF  }
0xae: {  	[dreg:$0x1] =	wrdreg $0xFFFFFFFF  }
0xaf: {  	[dreg:$0x0] =	wrdreg $0x60  }
0xb0: {  	[dreg:$0x2] =	wrdreg s2  }
0xb1: {  	[dreg:$0x3] =	wrdreg s19  }
0xb2: {  	[dreg:$0x4] =	wrdreg s4  }
0xb3: {  	[dreg:$0x5] =	wrdreg $0x9  }
0xb4: {  	_ =	task.clear_ibuf [dreg:s9], $0x6FFFF;
	_ =	strace $0x90000046  }
0xb5: {  	s29 =	simm.s32 $0x9;
	_ =	strace $0x80000048  }
0xb6: {  	_ =	swait.ge [sflag:s29], $0x1  }
0xb7: {  	[sflag:s29] =	ssyncadd.s32 $0xFFFFFFFF  }
0xb8: {  	_ =	strace $0x90000048  }
0xb9: {  	_ =	sfence  }
0xba: {  	s30 =	sld [smem:$0x0];
	_ =	sdelay $0x2  }
0xbb: {  	s31 =	sshll.u32 s1, $0xD;
	s1 =	sshrl.u32 s1, $0x2  }
0xbc: {  	s3 =	sand.u32 $0x4000, s31;
	s1 =	sadd.s32 s1, s30  }
0xbd: {  	s0 =	sor.u32 s3, s0;
	s1 =	sshll.u32 s1, $0x11  }
0xbe: {  	s0 =	sor.u32 s1, s0  }
0xbf: {  	s0 =	sadd.s32 $0x8F2B, s0  }
0xc0: {  	[sflag:s0] =	ssyncadd.remote.s32 $0x1  }
0xc1: {  	_ =	sfence.sel $0xFFFF  }
0xc2: {  	[dreg:$0x0] =	wrdreg $0xFFFFFFFF;
	(pc) =	sbr.abs _section_cstart, $3  }
0xc3: {  	[dreg:$0x1] =	wrdreg $0xFFFFFFFF  }
0xc4: {  	_ =	task.clear_ibuf [dreg:s9], $0x2FFFF;
	_ =	strace $0x9FFFFFFF  }
0xc5: {  	(tm) =	ssettm $0x7FFFFFFF  }
tec
execute0_lowered:
.L_overlay_start_1:
0x0: {  	(tag) =	ssettag $0x1  }
0x1: {  	s7 =	rddreg [dreg:$0x0]  }
0x2: {  	s3 =	rddreg [dreg:$0x1]  }
0x3: {  	s0 =	stileid.u32;
	s1 =	srdreg.scid  }
0x4: {  	s4 =	rddreg [dreg:$0x2];
	s2 =	sshll.u32 s0, $0x1;
	s1 =	sand.u32 $0x1, s1  }
0x5: {  	s8 =	sshrl.u32 s0, $0x2;
	s5 =	sand.u32 $0x6, s2;
	s2 =	simm.s32 $0x0  }
0x6: {  	s9 =	sshll.u32 s8, $0x4;
	s24 =	sshll.u32 s8, $0x11;
	s5 =	sor.u32 s1, s5  }
0x7: {  	s3 =	sadd.s32 s3, s9;
	s6 =	sshll.u32 s5, $0xE;
	s5 =	sshll.u32 s5, $0xA  }
0x8: {  	[smem:$0x7FF] =	sst s2;
	s3 =	sadd.s32 s5, s3;
	s25 =	sor.u32 s24, s6  }
0x9: {  	_ =	strace $0x80000047;
	[dreg:$0x4] =	wrdreg s3;
	s3 =	sadd.s32 s4, s25  }
0xa: {  	s5 =	simm.s32 $0x400;
	s4 =	sadd.s32 $0x800, s3;
	s26 =	rddreg [dreg:$0x4]  }
0xb: {  	s6 =	simm.s32 $0x9;
	[dreg:$0x5] =	wrdreg s4;
	s4 =	simm.s32 $0x80  }
0xc: {  	[tilespmem:s2], [sflag:$0x9] =	stream.strided.gather [hbm4b:s26+s4], $0x400, s5, s4, $0x38;
	[tilespmem:$0x10400] =	vst v63  }
0xd: {  	_ =	swait.ge [sflag:s6], $0x400  }
0xe: {  	s8 =	sshll.u32 s8, $0x12;
	[sflag:s6] =	ssyncset.done $0x0  }
0xf: {  	s7 =	sadd.s32 s7, s8;
	[sflag:s6] =	ssyncadd.s32 $0xFFFFFC00  }
0x10: {  	[tilespmem:s5], [sflag:$0x1] =	stream.indirect.gather [hbm4b:s7+s4], $0x80, s2, s4, $0xb8;
	[tilespmem:$0x10400] =	vst v63  }
0x11: {  	s8 =	simm.s32 $0x4400;
	s9 =	simm.s32 $0x1  }
0x12: {  	[tilespmem:s8], [sflag:$0x2] =	stream.indirect.gather [hbm4b:s7+s4], $0x80, s4, s4, $0xb8;
	[tilespmem:$0x10400] =	vst v63  }
0x13: {  	_ =	swait.ge [sflag:s9], $0x4000  }
0x14: {  	[sflag:s9] =	ssyncset.done $0x0  }
0x15: {  	[sflag:s9] =	ssyncadd.s32 $0xFFFFC000  }
0x16: {  	[hbm4b:s3+s2] =	stream.linear.scatter [tilespmem:s5], [sflag:$0x5], $0x4000, $0x38;
	[tilespmem:$0x10400] =	vst v63  }
0x17: {  	s10 =	simm.s32 $0x100;
	s11 =	simm.s32 $0x8400;
	s12 =	simm.s32 $0x2  }
0x18: {  	[tilespmem:s11], [sflag:$0x3] =	stream.indirect.gather [hbm4b:s7+s4], $0x80, s10, s4, $0xb8;
	[tilespmem:$0x10400] =	vst v63  }
0x19: {  	_ =	swait.ge [sflag:s12], $0x4000  }
0x1a: {  	[sflag:s12] =	ssyncset.done $0x0  }
0x1b: {  	s13 =	rddreg [dreg:$0x5];
	[sflag:s12] =	ssyncadd.s32 $0xFFFFC000  }
0x1c: {  	[hbm4b:s13+s2] =	stream.linear.scatter [tilespmem:s8], [sflag:$0x6], $0x4000, $0x38;
	[tilespmem:$0x10400] =	vst v63  }
0x1d: {  	s14 =	simm.s32 $0xC400;
	s15 =	simm.s32 $0x3;
	s13 =	simm.s32 $0x180  }
0x1e: {  	[tilespmem:s14], [sflag:$0x4] =	stream.indirect.gather [hbm4b:s7+s4], $0x80, s13, s4, $0xb8;
	[tilespmem:$0x10400] =	vst v63  }
0x1f: {  	_ =	swait.ge [sflag:s15], $0x4000  }
0x20: {  	[sflag:s15] =	ssyncset.done $0x0  }
0x21: {  	s17 =	simm.s32 $0x5;
	s16 =	sadd.s32 $0x1000, s3;
	[sflag:s15] =	ssyncadd.s32 $0xFFFFC000  }
0x22: {  	[hbm4b:s16+s2] =	stream.linear.scatter [tilespmem:s11], [sflag:$0x7], $0x4000, $0x38;
	[tilespmem:$0x10400] =	vst v63  }
0x23: {  	_ =	swait.ge [sflag:s17], $0x4000  }
0x24: {  	[sflag:s17] =	ssyncset.done $0x0  }
0x25: {  	s18 =	simm.s32 $0x200;
	s19 =	simm.s32 $0x4;
	[sflag:s17] =	ssyncadd.s32 $0xFFFFC000  }
0x26: {  	[tilespmem:s5], [sflag:$0x1] =	stream.indirect.gather [hbm4b:s7+s4], $0x80, s18, s4, $0xb8;
	[tilespmem:$0x10400] =	vst v63  }
0x27: {  	_ =	swait.ge [sflag:s19], $0x4000  }
0x28: {  	[sflag:s19] =	ssyncset.done $0x0  }
0x29: {  	s21 =	simm.s32 $0x6;
	s20 =	sadd.s32 $0x1800, s3;
	[sflag:s19] =	ssyncadd.s32 $0xFFFFC000  }
0x2a: {  	[hbm4b:s20+s2] =	stream.linear.scatter [tilespmem:s14], [sflag:$0x8], $0x4000, $0x38;
	[tilespmem:$0x10400] =	vst v63  }
0x2b: {  	_ =	swait.ge [sflag:s21], $0x4000  }
0x2c: {  	[sflag:s21] =	ssyncset.done $0x0  }
0x2d: {  	s22 =	simm.s32 $0x280;
	[sflag:s21] =	ssyncadd.s32 $0xFFFFC000  }
0x2e: {  	[tilespmem:s8], [sflag:$0x2] =	stream.indirect.gather [hbm4b:s7+s4], $0x80, s22, s4, $0xb8;
	[tilespmem:$0x10400] =	vst v63  }
0x2f: {  	_ =	swait.ge [sflag:s9], $0x4000  }
0x30: {  	[sflag:s9] =	ssyncset.done $0x0  }
0x31: {  	s24 =	simm.s32 $0x7;
	s23 =	sadd.s32 $0x2000, s3;
	[sflag:s9] =	ssyncadd.s32 $0xFFFFC000  }
0x32: {  	[hbm4b:s23+s2] =	stream.linear.scatter [tilespmem:s5], [sflag:$0x5], $0x4000, $0x38;
	[tilespmem:$0x10400] =	vst v63  }
0x33: {  	_ =	swait.ge [sflag:s24], $0x4000  }
0x34: {  	[sflag:s24] =	ssyncset.done $0x0  }
0x35: {  	s25 =	simm.s32 $0x300;
	[sflag:s24] =	ssyncadd.s32 $0xFFFFC000  }
0x36: {  	[tilespmem:s11], [sflag:$0x3] =	stream.indirect.gather [hbm4b:s7+s4], $0x80, s25, s4, $0xb8;
	[tilespmem:$0x10400] =	vst v63  }
0x37: {  	_ =	swait.ge [sflag:s12], $0x4000  }
0x38: {  	[sflag:s12] =	ssyncset.done $0x0  }
0x39: {  	s28 =	sadd.s32 $0x2800, s3;
	s26 =	simm.s32 $0x8;
	[sflag:s12] =	ssyncadd.s32 $0xFFFFC000  }
0x3a: {  	[hbm4b:s28+s2] =	stream.linear.scatter [tilespmem:s8], [sflag:$0x6], $0x4000, $0x38;
	[tilespmem:$0x10400] =	vst v63  }
0x3b: {  	_ =	swait.ge [sflag:s26], $0x4000  }
0x3c: {  	[sflag:s26] =	ssyncset.done $0x0  }
0x3d: {  	s29 =	simm.s32 $0x380;
	[sflag:s26] =	ssyncadd.s32 $0xFFFFC000  }
0x3e: {  	[tilespmem:s14], [sflag:$0x4] =	stream.indirect.gather [hbm4b:s7+s4], $0x80, s29, s4, $0xb8;
	[tilespmem:$0x10400] =	vst v63  }
0x3f: {  	_ =	swait.ge [sflag:s15], $0x4000  }
0x40: {  	[sflag:s15] =	ssyncset.done $0x0  }
0x41: {  	s30 =	sadd.s32 $0x3000, s3;
	[sflag:s15] =	ssyncadd.s32 $0xFFFFC000  }
0x42: {  	[hbm4b:s30+s2] =	stream.linear.scatter [tilespmem:s11], [sflag:$0x7], $0x4000, $0x38;
	[tilespmem:$0x10400] =	vst v63  }
0x43: {  	_ =	swait.ge [sflag:s19], $0x4000  }
0x44: {  	[sflag:s19] =	ssyncset.done $0x0  }
0x45: {  	s31 =	sadd.s32 $0x3800, s3;
	[sflag:s19] =	ssyncadd.s32 $0xFFFFC000  }
0x46: {  	[hbm4b:s31+s2] =	stream.linear.scatter [tilespmem:s14], [sflag:$0x8], $0x4000, $0x38;
	[tilespmem:$0x10400] =	vst v63  }
0x47: {  	s1 =	ssub.s32 $0x2, s1;
	_ =	swait.ge [sflag:s17], $0x4000  }
0x48: {  	s0 =	sshrl.u32 s1, $0x1;
	[sflag:s17] =	ssyncset.done $0x0  }
0x49: {  	s0 =	ssub.s32 s1, s0;
	[sflag:s17] =	ssyncadd.s32 $0xFFFFC000  }
0x4a: {  	s0 =	smax.u32 s0, $0x1;
	_ =	swait.ge [sflag:s21], $0x4000  }
0x4b: {  	p0 =	sne.s32 s0, $0x1;
	[sflag:s21] =	ssyncset.done $0x0  }
.Ltmp0:
0x4c: {  	[sflag:s21] =	ssyncadd.s32 $0xFFFFC000;
	(pc) =	sbr.rel @!p0 .LBB2_2-.Ltmp0, $4  }
0x4d: {  	_ =	swait.ge [sflag:s24], $0x4000  }
0x4e: {  	[sflag:s24] =	ssyncset.done $0x0  }
0x4f: {  	[sflag:s24] =	ssyncadd.s32 $0xFFFFC000  }
0x50: {  	s1 =	sadd.s32 $0xFFFFFFFF, s0;
	_ =	swait.ge [sflag:s26], $0x4000  }
.LBB2_1:
0x51: {  	[sflag:s26] =	ssyncset.done $0x0  }
0x52: {  	s0 =	rddreg [dreg:$0x4];
	[sflag:s26] =	ssyncadd.s32 $0xFFFFC000  }
0x53: {  	[tilespmem:s2], [sflag:$0x9] =	stream.strided.gather [hbm4b:s0+s4], $0x400, s5, s4, $0x38;
	[tilespmem:$0x10400] =	vst v63  }
0x54: {  	_ =	swait.ge [sflag:s6], $0x400  }
0x55: {  	[sflag:s6] =	ssyncset.done $0x0  }
0x56: {  	[sflag:s6] =	ssyncadd.s32 $0xFFFFFC00  }
0x57: {  	[tilespmem:s5], [sflag:$0x1] =	stream.indirect.gather [hbm4b:s7+s4], $0x80, s2, s4, $0xb8;
	[tilespmem:$0x10400] =	vst v63  }
0x58: {  	_ = 	snop  }
0x59: {  	[tilespmem:s8], [sflag:$0x2] =	stream.indirect.gather [hbm4b:s7+s4], $0x80, s4, s4, $0xb8;
	[tilespmem:$0x10400] =	vst v63  }
0x5a: {  	_ =	swait.ge [sflag:s9], $0x4000  }
0x5b: {  	[sflag:s9] =	ssyncset.done $0x0  }
0x5c: {  	[sflag:s9] =	ssyncadd.s32 $0xFFFFC000  }
0x5d: {  	[hbm4b:s3+s2] =	stream.linear.scatter [tilespmem:s5], [sflag:$0x5], $0x4000, $0x38;
	[tilespmem:$0x10400] =	vst v63  }
0x5e: {  	_ = 	snop  }
0x5f: {  	[tilespmem:s11], [sflag:$0x3] =	stream.indirect.gather [hbm4b:s7+s4], $0x80, s10, s4, $0xb8;
	[tilespmem:$0x10400] =	vst v63  }
0x60: {  	_ =	swait.ge [sflag:s12], $0x4000  }
0x61: {  	[sflag:s12] =	ssyncset.done $0x0  }
0x62: {  	s0 =	rddreg [dreg:$0x5];
	[sflag:s12] =	ssyncadd.s32 $0xFFFFC000  }
0x63: {  	[hbm4b:s0+s2] =	stream.linear.scatter [tilespmem:s8], [sflag:$0x6], $0x4000, $0x38;
	[tilespmem:$0x10400] =	vst v63  }
0x64: {  	_ = 	snop  }
0x65: {  	[tilespmem:s14], [sflag:$0x4] =	stream.indirect.gather [hbm4b:s7+s4], $0x80, s13, s4, $0xb8;
	[tilespmem:$0x10400] =	vst v63  }
0x66: {  	_ =	swait.ge [sflag:s15], $0x4000  }
0x67: {  	[sflag:s15] =	ssyncset.done $0x0  }
0x68: {  	[sflag:s15] =	ssyncadd.s32 $0xFFFFC000  }
0x69: {  	[hbm4b:s16+s2] =	stream.linear.scatter [tilespmem:s11], [sflag:$0x7], $0x4000, $0x38;
	[tilespmem:$0x10400] =	vst v63  }
0x6a: {  	_ =	swait.ge [sflag:s17], $0x4000  }
0x6b: {  	[sflag:s17] =	ssyncset.done $0x0  }
0x6c: {  	[sflag:s17] =	ssyncadd.s32 $0xFFFFC000  }
0x6d: {  	[tilespmem:s5], [sflag:$0x1] =	stream.indirect.gather [hbm4b:s7+s4], $0x80, s18, s4, $0xb8;
	[tilespmem:$0x10400] =	vst v63  }
0x6e: {  	_ =	swait.ge [sflag:s19], $0x4000  }
0x6f: {  	[sflag:s19] =	ssyncset.done $0x0  }
0x70: {  	[sflag:s19] =	ssyncadd.s32 $0xFFFFC000  }
0x71: {  	[hbm4b:s20+s2] =	stream.linear.scatter [tilespmem:s14], [sflag:$0x8], $0x4000, $0x38;
	[tilespmem:$0x10400] =	vst v63  }
0x72: {  	_ =	swait.ge [sflag:s21], $0x4000  }
0x73: {  	[sflag:s21] =	ssyncset.done $0x0  }
0x74: {  	[sflag:s21] =	ssyncadd.s32 $0xFFFFC000  }
0x75: {  	[tilespmem:s8], [sflag:$0x2] =	stream.indirect.gather [hbm4b:s7+s4], $0x80, s22, s4, $0xb8;
	[tilespmem:$0x10400] =	vst v63  }
0x76: {  	_ =	swait.ge [sflag:s9], $0x4000  }
0x77: {  	[sflag:s9] =	ssyncset.done $0x0  }
0x78: {  	[sflag:s9] =	ssyncadd.s32 $0xFFFFC000  }
0x79: {  	[hbm4b:s23+s2] =	stream.linear.scatter [tilespmem:s5], [sflag:$0x5], $0x4000, $0x38;
	[tilespmem:$0x10400] =	vst v63  }
0x7a: {  	_ =	swait.ge [sflag:s24], $0x4000  }
0x7b: {  	[sflag:s24] =	ssyncset.done $0x0  }
0x7c: {  	[sflag:s24] =	ssyncadd.s32 $0xFFFFC000  }
0x7d: {  	[tilespmem:s11], [sflag:$0x3] =	stream.indirect.gather [hbm4b:s7+s4], $0x80, s25, s4, $0xb8;
	[tilespmem:$0x10400] =	vst v63  }
0x7e: {  	_ =	swait.ge [sflag:s12], $0x4000  }
0x7f: {  	[sflag:s12] =	ssyncset.done $0x0  }
0x80: {  	[sflag:s12] =	ssyncadd.s32 $0xFFFFC000  }
0x81: {  	[hbm4b:s28+s2] =	stream.linear.scatter [tilespmem:s8], [sflag:$0x6], $0x4000, $0x38;
	[tilespmem:$0x10400] =	vst v63  }
0x82: {  	_ =	swait.ge [sflag:s26], $0x4000  }
0x83: {  	[sflag:s26] =	ssyncset.done $0x0  }
0x84: {  	[sflag:s26] =	ssyncadd.s32 $0xFFFFC000  }
0x85: {  	[tilespmem:s14], [sflag:$0x4] =	stream.indirect.gather [hbm4b:s7+s4], $0x80, s29, s4, $0xb8;
	[tilespmem:$0x10400] =	vst v63  }
0x86: {  	_ =	swait.ge [sflag:s15], $0x4000  }
0x87: {  	[sflag:s15] =	ssyncset.done $0x0  }
0x88: {  	[sflag:s15] =	ssyncadd.s32 $0xFFFFC000  }
0x89: {  	[hbm4b:s30+s2] =	stream.linear.scatter [tilespmem:s11], [sflag:$0x7], $0x4000, $0x38;
	[tilespmem:$0x10400] =	vst v63  }
0x8a: {  	_ =	swait.ge [sflag:s19], $0x4000  }
0x8b: {  	[sflag:s19] =	ssyncset.done $0x0  }
0x8c: {  	[sflag:s19] =	ssyncadd.s32 $0xFFFFC000  }
0x8d: {  	[hbm4b:s31+s2] =	stream.linear.scatter [tilespmem:s14], [sflag:$0x8], $0x4000, $0x38;
	[tilespmem:$0x10400] =	vst v63  }
0x8e: {  	_ =	swait.ge [sflag:s17], $0x4000  }
0x8f: {  	[sflag:s17] =	ssyncset.done $0x0  }
0x90: {  	[sflag:s17] =	ssyncadd.s32 $0xFFFFC000  }
0x91: {  	_ =	swait.ge [sflag:s21], $0x4000  }
0x92: {  	p0 =	sne.s32 s1, $0x1;
	[sflag:s21] =	ssyncset.done $0x0  }
.Ltmp1:
0x93: {  	[sflag:s21] =	ssyncadd.s32 $0xFFFFC000;
	(pc) =	sbr.rel @p0 .LBB2_1-.Ltmp1, $4  }
0x94: {  	_ =	swait.ge [sflag:s24], $0x4000  }
0x95: {  	[sflag:s24] =	ssyncset.done $0x0  }
0x96: {  	[sflag:s24] =	ssyncadd.s32 $0xFFFFC000  }
0x97: {  	s1 =	sadd.s32 $0xFFFFFFFF, s1;
	_ =	swait.ge [sflag:s26], $0x4000  }
.LBB2_2:
0x98: {  	[sflag:s26] =	ssyncset.done $0x0  }
0x99: {  	[sflag:s26] =	ssyncadd.s32 $0xFFFFC000  }
0x9a: {  	_ =	sfence.sel $0x180000  }
0x9b: {  	[bflag:$0x0] =	sbarrier.arrive $0xFFFF  }
0x9c: {  	_ =	strace $0x90000047  }
0x9d: {  	s0 =	stileid.u32;
	[bflag:$0x2] =	sbarrier.arrive $0xFFFF  }
0x9e: {  	p0 =	sne.s32 s0, $0x0;
	s0 =	rddreg [dreg:$0x3]  }
0x9f: {  	s0 =	sadd.s32 @!p0 $0x100000, s0  }
0xa0: {  	[sflag:s0] =	ssyncadd.tile.s32 @!p0 $0x1;
	_ =	shalt  }
.Lfunc_end2:
_tile_overlayer_lowered:
.L_overlay_start_2:
0xa1: {  	(tag) =	ssettag $0x2  }
0xa2: {  	s0 =	rddreg [dreg:$0x0];
	s2 =	stileid.u32  }
0xa3: {  	s1 =	rddreg [dreg:$0x1];
	p0 =	sne.s32 s2, $0x0  }
0xa4: {  	s3 =	rddreg [dreg:$0x2];
	[bflag:$0x3] =	sbarrier.arrive $0xFFFF;
	s2 =	simm.s32 @!p0 $0x1C09  }
0xa5: {  	[timem:s3], [sflag:s2] =	dma.local @!p0 [hbm:s0], s1  }
0xa6: {  	s0 =	simm.s32 @!p0 $0x9  }
0xa7: {  	_ =	swait.ge @!p0 [sflag:s0], s1  }
0xa8: {  	s1 =	ssub.s32 @!p0 $0x0, s1;
	[sflag:s0] =	ssyncset.done @!p0 $0x0  }
0xa9: {  	[sflag:s0] =	ssyncadd.s32 @!p0 s1  }
0xaa: {  	[bflag:$0x3] =	sbarrier.arrive $0xFFFF  }
0xab: {  	_ =	shalt  }

// kernel: kernel.13.cloned.1.call-start
scs
__scs_entry_jumppad:
0x0: {  	(pc) =	sbr.rel $0x88, $3  }
0x1: {  	(tag) =	ssettag $0x0;
	lr =	simm.s32 $0x1  }
0x2: {  	[smem:$0x3F9D] =	sst lr;
	_ =	strace $0xD0000000  }
0x3: {  	_ = 	snop  }
0x4: {  	_ = 	snop  }
0x5: {  	_ = 	snop  }
0x6: {  	_ = 	snop  }
0x7: {  	_ = 	snop  }
__scs_overlays_trampoline_lowered:
0x8: {  	[smem:$0x3FAC] =	sst s0  }
0x9: {  	[smem:$0x3FAD] =	sst s1  }
0xa: {  	[smem:$0x3FAE] =	sst s2  }
0xb: {  	[smem:$0x3FAF] =	sst s3  }
0xc: {  	[smem:$0x3FB0] =	sst s4  }
0xd: {  	[smem:$0x3FB1] =	sst s5  }
0xe: {  	[smem:$0x3FB2] =	sst s6  }
0xf: {  	[smem:$0x3FB3] =	sst s7  }
0x10: {  	[smem:$0x3FB4] =	sst s8  }
0x11: {  	[smem:$0x3FB5] =	sst s9;
	s0 =	simm.s32 @!p0 $0x0  }
0x12: {  	s1 =	sld [smem:$0x3F9B];
	s0 =	simm.s32 @p0 $0x1  }
0x13: {  	[smem:$0x3FB6] =	sst s0;
	s0 =	simm.s32 @!p1 $0x0  }
0x14: {  	s2 =	sld [smem:$0x3F9A];
	s0 =	simm.s32 @p1 $0x1  }
0x15: {  	[smem:$0x3FB7] =	sst s0;
	s0 =	simm.s32 @!p2 $0x0  }
0x16: {  	s3 =	sld [smem:$0x3FDB];
	s0 =	simm.s32 @p2 $0x1  }
0x17: {  	s4 =	simm.s32 $0x1BF5;
	[smem:$0x3FB9] =	sst s0  }
0x18: {  	s0 =	sld [smem:$0x3F9C];
	_ =	swait.ge [sflag:s4], $0x0  }
0x19: {  	s7 =	sld [smem:$0x3F9D]  }
0x1a: {  	s8 =	sadd.s32 $0xFFFFE003, lr  }
0x1b: {  	s9 =	sadd.s32 $0xFFFFFEF7, lr;
	s5 =	simm.s32 $0xFFFFFFFF;
	p2 =	slt.u32 s8, $0xFFFFF086  }
0x1c: {  	p1 =	slt.u32 s9, $0xF7A;
	s5 =	simm.s32 @!p2 $0x0  }
0x1d: {  	s5 =	simm.s32 @p1 $0x1;
	p0 =	seq.s32 s7, s2  }
0x1e: {  	s7 =	smul.u32 @!p0 $0xF7A, s2;
	p2 =	seq.s32 @!p0 s5, $0x0  }
0x1f: {  	s9 =	smul.u32 $0xF7A, s1;
	s8 =	simm.s32 @!p0 $0x1BF5;
	p2 =	por !p2, p0  }
0x20: {  	[sflag:s8] =	ssyncset.s32 @!p0 $0xFFFFF086;
	s6 =	sadd.s32 @!p0 s3, s7;
	s7 =	simm.s32 @!p0 $0x108  }
0x21: {  	s3 =	sadd.s32 s3, s9;
	s6 =	sadd.s32 @!p0 $0x88, s6;
	s7 =	simm.s32 @p2 $0x1082  }
0x22: {  	[simem:s7], [sflag:s8] =	dma.local @!p0 [hbm:s6], $0xF7A  }
0x23: {  	s9 =	sor.u32 $0xD0000000, s2;
	s6 =	simm.s32 $0x108;
	_ =	swait.ge @!p0 [sflag:s8], $0x0  }
0x24: {  	s3 =	sadd.s32 $0x88, s3;
	s6 =	simm.s32 @!p1 $0x1082;
	[sflag:s4] =	ssyncset.s32 $0xFFFFF086  }
0x25: {  	[simem:s6], [sflag:s4] =	dma.local [hbm:s3], $0xF7A  }
0x26: {  	[smem:$0x3F9D] =	sst s1;
	(tag) =	ssettag s2;
	_ =	strace s9  }
0x27: {  	s1 =	sld [smem:$0x3FAD]  }
0x28: {  	s2 =	sld [smem:$0x3FAE]  }
0x29: {  	s4 =	sld [smem:$0x3FB0]  }
0x2a: {  	p0 =	seq.s32 s5, $0x0;
	s5 =	sld [smem:$0x3FB1]  }
0x2b: {  	s6 =	sld [smem:$0x3FB2]  }
0x2c: {  	s7 =	sld [smem:$0x3FB3]  }
0x2d: {  	s3 =	simm.s32 $0x108;
	s8 =	sld [smem:$0x3FB4]  }
0x2e: {  	s3 =	simm.s32 @!p0 $0x1082;
	s9 =	sld [smem:$0x3FB5]  }
0x2f: {  	lr =	sadd.s32 s0, s3;
	s0 =	sld [smem:$0x3FAC]  }
0x30: {  	s3 =	sld [smem:$0x3FAF]  }
0x31: {  	[smem:$0x3FB8] =	sst s10  }
0x32: {  	s10 =	sld [smem:$0x3FB6];
	_ =	sdelay $0x3  }
0x33: {  	p0 =	seq.s32 s10, $0x1;
	s10 =	sld [smem:$0x3FB8];
	_ =	sdelay $0x3  }
0x34: {  	[smem:$0x3FB8] =	sst s10  }
0x35: {  	s10 =	sld [smem:$0x3FB7];
	_ =	sdelay $0x3  }
0x36: {  	p1 =	seq.s32 s10, $0x1;
	s10 =	sld [smem:$0x3FB8];
	_ =	sdelay $0x3  }
0x37: {  	[smem:$0x3FB8] =	sst s10  }
0x38: {  	s10 =	sld [smem:$0x3FB9]  }
0x39: {  	_ = 	snop;
	(pc) =	sbr.ind lr, $3  }
0x3a: {  	_ = 	snop  }
0x3b: {  	_ = 	snop  }
0x3c: {  	p2 =	seq.s32 s10, $0x1;
	s10 =	sld [smem:$0x3FB8]  }
0x3d: {  	_ =	shalt  }
0x3e: {  	_ =	shalt  }
0x3f: {  	_ =	shalt  }
0x40: {  	_ =	shalt  }
0x41: {  	_ =	shalt  }
0x42: {  	_ =	shalt  }
0x43: {  	_ =	shalt  }
0x44: {  	_ =	shalt  }
0x45: {  	_ =	shalt  }
0x46: {  	_ =	shalt  }
0x47: {  	_ =	shalt  }
0x48: {  	_ =	shalt  }
0x49: {  	_ =	shalt  }
0x4a: {  	_ =	shalt  }
0x4b: {  	_ =	shalt  }
0x4c: {  	_ =	shalt  }
0x4d: {  	_ =	shalt  }
0x4e: {  	_ =	shalt  }
0x4f: {  	_ =	shalt  }
0x50: {  	_ =	shalt  }
0x51: {  	_ =	shalt  }
0x52: {  	_ =	shalt  }
0x53: {  	_ =	shalt  }
0x54: {  	_ =	shalt  }
0x55: {  	_ =	shalt  }
0x56: {  	_ =	shalt  }
0x57: {  	_ =	shalt  }
0x58: {  	_ =	shalt  }
0x59: {  	_ =	shalt  }
0x5a: {  	_ =	shalt  }
0x5b: {  	_ =	shalt  }
0x5c: {  	_ =	shalt  }
0x5d: {  	_ =	shalt  }
0x5e: {  	_ =	shalt  }
0x5f: {  	_ =	shalt  }
0x60: {  	_ =	shalt  }
0x61: {  	_ =	shalt  }
0x62: {  	_ =	shalt  }
0x63: {  	_ =	shalt  }
0x64: {  	_ =	shalt  }
0x65: {  	_ =	shalt  }
0x66: {  	_ =	shalt  }
0x67: {  	_ =	shalt  }
0x68: {  	_ =	shalt  }
0x69: {  	_ =	shalt  }
0x6a: {  	_ =	shalt  }
0x6b: {  	_ =	shalt  }
0x6c: {  	_ =	shalt  }
0x6d: {  	_ =	shalt  }
0x6e: {  	_ =	shalt  }
0x6f: {  	_ =	shalt  }
0x70: {  	_ =	shalt  }
0x71: {  	_ =	shalt  }
0x72: {  	_ =	shalt  }
0x73: {  	_ =	shalt  }
0x74: {  	_ =	shalt  }
0x75: {  	_ =	shalt  }
0x76: {  	_ =	shalt  }
0x77: {  	_ =	shalt  }
0x78: {  	_ =	shalt  }
0x79: {  	_ =	shalt  }
0x7a: {  	_ =	shalt  }
0x7b: {  	_ =	shalt  }
0x7c: {  	_ =	shalt  }
0x7d: {  	_ =	shalt  }
0x7e: {  	_ =	shalt  }
0x7f: {  	_ =	shalt  }
0x80: {  	_ =	shalt  }
0x81: {  	_ =	shalt  }
0x82: {  	_ =	shalt  }
0x83: {  	_ =	shalt  }
0x84: {  	_ =	shalt  }
0x85: {  	_ =	shalt  }
0x86: {  	_ =	shalt  }
0x87: {  	_ =	shalt  }
.Lfunc_end0:
.L_simem_size_0:
called_computation.1_lowered:
.L_overlay_start_0:
0x88: {  	s2 =	sld [smem:$0x3FD9]  }
0x89: {  	s3 =	sld [smem:$0x3FFE];
	_ =	sdelay $0x1  }
0x8a: {  	s1 =	srdreg.scid  }
0x8b: {  	s0 =	sand.u32 $0x1, s1  }
0x8c: {  	s17 =	sshll.u32 s0, $0xA;
	s2 =	sadd.s32 s3, s2  }
0x8d: {  	s2 =	sadd.s32 s2, s17  }
0x8e: {  	[smem:$0x3FC4] =	sst s2  }
0x8f: {  	_ = 	snop  }
0x90: {  	s18 =	sld [smem:$0x3FC9]  }
0x91: {  	s4 =	sld [smem:$0x3FC8];
	(tm) =	ssettm $0x1  }
0x92: {  	s19 =	sld [smem:$0x3FFB];
	_ =	sdelay $0x3  }
0x93: {  	_ =	strace s19  }
0x94: {  	s2 =	sld [smem:$0x3FFC];
	_ =	sdelay $0x3  }
0x95: {  	_ =	strace s2  }
0x96: {  	s2 =	sld [smem:$0x3FFD];
	_ =	sdelay $0x3  }
0x97: {  	_ =	strace s2  }
0x98: {  	_ =	strace $0x8FFFFFFF  }
0x99: {  	s20 =	sld [smem:$0x3FDB];
	_ =	sdelay $0x1  }
0x9a: {  	s5 =	simm.s32 $_scs_section_size  }
0x9b: {  	s6 =	simm.s32 $_size__tile_overlayer_lowered;
	s7 =	simm.s32 $_tile_overlayer_lowered  }
0x9c: {  	s8 =	simm.s32 $0x1BFF;
	s21 =	sshll.u32 s7, $0x1;
	s5 =	sadd.s32 s5, s20  }
0x9d: {  	s22 =	simm.s32 $0x0;
	s6 =	sshll.u32 s6, $0x1;
	s7 =	sadd.s32 s21, s5  }
0x9e: {  	[timem:s22], [sflag:s8] =	dma.local [hbm:s7], s6  }
0x9f: {  	_ =	swait.ge [sflag:s8], s6  }
0xa0: {  	s6 =	ssub.s32 $0x0, s6;
	[sflag:s8] =	ssyncset.done $0x0  }
0xa1: {  	[sflag:s8] =	ssyncadd.s32 s6;
	_ =	sdelay $0x1  }
0xa2: {  	s23 =	simm.s32 $0x1B8B  }
0xa3: {  	_ =	swait.ge [sflag:s23], $0x1  }
0xa4: {  	[sflag:s23] =	ssyncset.done $0x0  }
0xa5: {  	[sflag:s23] =	ssyncadd.s32 $0xFFFFFFFF  }
0xa6: {  	s6 =	sld [smem:$0x0]  }
0xa7: {  	s7 =	sand.u32 $0xFFFFFFFE, s1  }
0xa8: {  	p0 =	sne.s32 s1, s7  }
0xa9: {  	s7 =	sshll.u32 @p0 s7, $0xE  }
0xaa: {  	s7 =	sadd.s32 @p0 $0x11B8D, s7;
	s8 =	sshll.u32 @p0 s6, $0x11  }
0xab: {  	s7 =	sor.u32 @p0 s8, s7  }
0xac: {  	[sflag:s7] =	ssyncadd.remote.s32 @p0 $0x1;
	_ =	sdelay $0x1  }
0xad: {  	s7 =	simm.s32 @p0 $0x1B8D  }
0xae: {  	_ =	swait.eq @p0 [sflag:s7], $0x1  }
0xaf: {  	[sflag:s7] =	ssyncadd.s32 @p0 $0xFFFFFFFF  }
0xb0: {  	s8 =	sshll.u32 @!p0 s1, $0xE  }
0xb1: {  	s8 =	sor.u32 @!p0 $0x4000, s8;
	s7 =	simm.s32 @!p0 $0x1B8D  }
0xb2: {  	s6 =	sshll.u32 @!p0 s6, $0x11;
	s8 =	sadd.s32 @!p0 $0x11B8D, s8;
	_ =	swait.eq @!p0 [sflag:s7], $0x1  }
0xb3: {  	s6 =	sor.u32 @!p0 s6, s8;
	[sflag:s7] =	ssyncadd.s32 @!p0 $0xFFFFFFFF  }
0xb4: {  	s25 =	simm.s32 $0x1B8E;
	s24 =	sld [smem:$0x3FFE];
	[sflag:s6] =	ssyncadd.remote.s32 @!p0 $0x1  }
0xb5: {  	s26 =	simm.s32 $execute0_lowered;
	[smem:$0x3FD2] =	sst s25  }
0xb6: {  	s7 =	sshll.u32 s26, $0x1;
	_ =	strace $0x80000049;
	[dreg:$0x1] =	wrdreg $0xFFFFFFFF  }
0xb7: {  	s28 =	simm.s32 $_size_execute0_lowered;
	s5 =	sadd.s32 s5, s7;
	[dreg:$0x0] =	wrdreg $0x0  }
0xb8: {  	s7 =	sshll.u32 s28, $0x1;
	[dreg:$0x2] =	wrdreg s5  }
0xb9: {  	[dreg:$0x3] =	wrdreg s7  }
0xba: {  	[dreg:$0x4] =	wrdreg $0xC0  }
0xbb: {  	_ =	task [dreg:s22], $0x5FFFF  }
0xbc: {  	[dreg:$0x1] =	wrdreg $0xFFFFFFFF  }
0xbd: {  	[dreg:$0x0] =	wrdreg $0x60  }
0xbe: {  	[dreg:$0x2] =	wrdreg s18  }
0xbf: {  	[dreg:$0x3] =	wrdreg s4  }
0xc0: {  	[dreg:$0x4] =	wrdreg s24  }
0xc1: {  	[dreg:$0x5] =	wrdreg $0xA  }
0xc2: {  	_ =	task.clear_ibuf [dreg:s22], $0x6FFFF;
	_ =	strace $0x90000049  }
0xc3: {  	s29 =	simm.s32 $0xA;
	_ =	strace $0x8000004B  }
0xc4: {  	_ =	swait.ge [sflag:s29], $0x1  }
0xc5: {  	[sflag:s29] =	ssyncadd.s32 $0xFFFFFFFF  }
0xc6: {  	_ =	strace $0x9000004B  }
0xc7: {  	_ =	sfence  }
0xc8: {  	s30 =	sld [smem:$0x0];
	_ =	sdelay $0x2  }
0xc9: {  	s31 =	sshll.u32 s1, $0xD;
	s1 =	sshrl.u32 s1, $0x2  }
0xca: {  	s4 =	sand.u32 $0x4000, s31;
	s1 =	sadd.s32 s1, s30  }
0xcb: {  	s0 =	sor.u32 s4, s0;
	s1 =	sshll.u32 s1, $0x11  }
0xcc: {  	s0 =	sor.u32 s1, s0  }
0xcd: {  	s0 =	sadd.s32 $0x8F2B, s0  }
0xce: {  	[sflag:s0] =	ssyncadd.remote.s32 $0x1  }
0xcf: {  	_ =	sfence.sel $0xFFFF  }
0xd0: {  	[dreg:$0x0] =	wrdreg $0xFFFFFFFF;
	(pc) =	sbr.abs _section_cstart, $3  }
0xd1: {  	[dreg:$0x1] =	wrdreg $0xFFFFFFFF  }
0xd2: {  	_ =	task.clear_ibuf [dreg:s22], $0x2FFFF;
	_ =	strace $0x9FFFFFFF  }
0xd3: {  	(tm) =	ssettm $0x7FFFFFFF  }
tec
execute0_lowered:
.L_overlay_start_1:
0x0: {  	(tag) =	ssettag $0x1  }
0x1: {  	s6 =	rddreg [dreg:$0x0]  }
0x2: {  	s3 =	rddreg [dreg:$0x1]  }
0x3: {  	s4 =	rddreg [dreg:$0x2]  }
0x4: {  	s1 =	stileid.u32;
	s0 =	srdreg.scid  }
0x5: {  	s2 =	sshll.u32 s1, $0x1;
	s0 =	sand.u32 $0x1, s0;
	s5 =	sshrl.u32 s1, $0x2  }
0x6: {  	s7 =	sand.u32 $0x6, s2;
	s2 =	simm.s32 $0x0;
	s8 =	sor.u32 $0x4, s5  }
0x7: {  	s5 =	sshll.u32 s5, $0x11;
	s7 =	sor.u32 s0, s7;
	s10 =	sshll.u32 s8, $0x4  }
0x8: {  	s9 =	sshll.u32 s7, $0xE;
	s7 =	sshll.u32 s7, $0xA;
	s3 =	sadd.s32 s3, s10  }
0x9: {  	[smem:$0x7FF] =	sst s2;
	s5 =	sor.u32 s5, s9;
	s3 =	sadd.s32 s7, s3  }
0xa: {  	_ =	strace $0x8000004A;
	s31 =	sadd.s32 s5, s4;
	[dreg:$0x4] =	wrdreg s3  }
0xb: {  	s3 =	simm.s32 $0x80;
	s23 =	sadd.s32 $0x1C00, s31;
	s24 =	rddreg [dreg:$0x4]  }
0xc: {  	s4 =	simm.s32 $0x400;
	s5 =	simm.s32 $0x9;
	[dreg:$0x5] =	wrdreg s23  }
0xd: {  	[tilespmem:s2], [sflag:$0x9] =	stream.strided.gather [hbm4b:s24+s3], $0x400, s4, s3, $0x38;
	[tilespmem:$0x10400] =	vst v63  }
0xe: {  	_ =	swait.ge [sflag:s5], $0x400  }
0xf: {  	s25 =	sshll.u32 s8, $0x12;
	[sflag:s5] =	ssyncset.done $0x0  }
0x10: {  	s6 =	sadd.s32 s6, s25;
	[sflag:s5] =	ssyncadd.s32 $0xFFFFFC00  }
0x11: {  	[tilespmem:s4], [sflag:$0x1] =	stream.indirect.gather [hbm4b:s6+s3], $0x80, s2, s3, $0xb8;
	[tilespmem:$0x10400] =	vst v63  }
0x12: {  	s8 =	simm.s32 $0x1;
	s7 =	simm.s32 $0x4400  }
0x13: {  	[tilespmem:s7], [sflag:$0x2] =	stream.indirect.gather [hbm4b:s6+s3], $0x80, s3, s3, $0xb8;
	[tilespmem:$0x10400] =	vst v63  }
0x14: {  	_ =	swait.ge [sflag:s8], $0x4000  }
0x15: {  	[sflag:s8] =	ssyncset.done $0x0  }
0x16: {  	s26 =	rddreg [dreg:$0x5];
	[sflag:s8] =	ssyncadd.s32 $0xFFFFC000  }
0x17: {  	[hbm4b:s26+s2] =	stream.linear.scatter [tilespmem:s4], [sflag:$0x5], $0x4000, $0x38;
	[tilespmem:$0x10400] =	vst v63  }
0x18: {  	s11 =	simm.s32 $0x2;
	s10 =	simm.s32 $0x8400;
	s9 =	simm.s32 $0x100  }
0x19: {  	[tilespmem:s10], [sflag:$0x3] =	stream.indirect.gather [hbm4b:s6+s3], $0x80, s9, s3, $0xb8;
	[tilespmem:$0x10400] =	vst v63  }
0x1a: {  	_ =	swait.ge [sflag:s11], $0x4000  }
0x1b: {  	[sflag:s11] =	ssyncset.done $0x0  }
0x1c: {  	s12 =	sadd.s32 $0x2400, s31;
	[sflag:s11] =	ssyncadd.s32 $0xFFFFC000  }
0x1d: {  	[hbm4b:s12+s2] =	stream.linear.scatter [tilespmem:s7], [sflag:$0x6], $0x4000, $0x38;
	[tilespmem:$0x10400] =	vst v63  }
0x1e: {  	s13 =	simm.s32 $0x180;
	s14 =	simm.s32 $0xC400;
	s15 =	simm.s32 $0x3  }
0x1f: {  	[tilespmem:s14], [sflag:$0x4] =	stream.indirect.gather [hbm4b:s6+s3], $0x80, s13, s3, $0xb8;
	[tilespmem:$0x10400] =	vst v63  }
0x20: {  	_ =	swait.ge [sflag:s15], $0x4000  }
0x21: {  	[sflag:s15] =	ssyncset.done $0x0  }
0x22: {  	s17 =	simm.s32 $0x5;
	s16 =	sadd.s32 $0x2C00, s31;
	[sflag:s15] =	ssyncadd.s32 $0xFFFFC000  }
0x23: {  	[hbm4b:s16+s2] =	stream.linear.scatter [tilespmem:s10], [sflag:$0x7], $0x4000, $0x38;
	[tilespmem:$0x10400] =	vst v63  }
0x24: {  	_ =	swait.ge [sflag:s17], $0x4000  }
0x25: {  	[sflag:s17] =	ssyncset.done $0x0  }
0x26: {  	s18 =	simm.s32 $0x200;
	s19 =	simm.s32 $0x4;
	[sflag:s17] =	ssyncadd.s32 $0xFFFFC000  }
0x27: {  	[tilespmem:s4], [sflag:$0x1] =	stream.indirect.gather [hbm4b:s6+s3], $0x80, s18, s3, $0xb8;
	[tilespmem:$0x10400] =	vst v63  }
0x28: {  	_ =	swait.ge [sflag:s19], $0x4000  }
0x29: {  	[sflag:s19] =	ssyncset.done $0x0  }
0x2a: {  	s21 =	simm.s32 $0x6;
	s20 =	sadd.s32 $0x3400, s31;
	[sflag:s19] =	ssyncadd.s32 $0xFFFFC000  }
0x2b: {  	[hbm4b:s20+s2] =	stream.linear.scatter [tilespmem:s14], [sflag:$0x8], $0x4000, $0x38;
	[tilespmem:$0x10400] =	vst v63  }
0x2c: {  	_ =	swait.ge [sflag:s21], $0x4000  }
0x2d: {  	[sflag:s21] =	ssyncset.done $0x0  }
0x2e: {  	s22 =	simm.s32 $0x280;
	[sflag:s21] =	ssyncadd.s32 $0xFFFFC000  }
0x2f: {  	[tilespmem:s7], [sflag:$0x2] =	stream.indirect.gather [hbm4b:s6+s3], $0x80, s22, s3, $0xb8;
	[tilespmem:$0x10400] =	vst v63  }
0x30: {  	_ =	swait.ge [sflag:s8], $0x4000  }
0x31: {  	[sflag:s8] =	ssyncset.done $0x0  }
0x32: {  	s23 =	sadd.s32 $0x3C00, s31;
	s24 =	simm.s32 $0x7;
	[sflag:s8] =	ssyncadd.s32 $0xFFFFC000  }
0x33: {  	[hbm4b:s23+s2] =	stream.linear.scatter [tilespmem:s4], [sflag:$0x5], $0x4000, $0x38;
	[tilespmem:$0x10400] =	vst v63  }
0x34: {  	_ =	swait.ge [sflag:s24], $0x4000  }
0x35: {  	[sflag:s24] =	ssyncset.done $0x0  }
0x36: {  	s25 =	simm.s32 $0x300;
	[sflag:s24] =	ssyncadd.s32 $0xFFFFC000  }
0x37: {  	[tilespmem:s10], [sflag:$0x3] =	stream.indirect.gather [hbm4b:s6+s3], $0x80, s25, s3, $0xb8;
	[tilespmem:$0x10400] =	vst v63  }
0x38: {  	_ =	swait.ge [sflag:s11], $0x4000  }
0x39: {  	[sflag:s11] =	ssyncset.done $0x0  }
0x3a: {  	s28 =	sadd.s32 $0x4400, s31;
	s26 =	simm.s32 $0x8;
	[sflag:s11] =	ssyncadd.s32 $0xFFFFC000  }
0x3b: {  	[hbm4b:s28+s2] =	stream.linear.scatter [tilespmem:s7], [sflag:$0x6], $0x4000, $0x38;
	[tilespmem:$0x10400] =	vst v63  }
0x3c: {  	_ =	swait.ge [sflag:s26], $0x4000  }
0x3d: {  	[sflag:s26] =	ssyncset.done $0x0  }
0x3e: {  	s29 =	simm.s32 $0x380;
	[sflag:s26] =	ssyncadd.s32 $0xFFFFC000  }
0x3f: {  	[tilespmem:s14], [sflag:$0x4] =	stream.indirect.gather [hbm4b:s6+s3], $0x80, s29, s3, $0xb8;
	[tilespmem:$0x10400] =	vst v63  }
0x40: {  	_ =	swait.ge [sflag:s15], $0x4000  }
0x41: {  	[sflag:s15] =	ssyncset.done $0x0  }
0x42: {  	s30 =	sadd.s32 $0x4C00, s31;
	[sflag:s15] =	ssyncadd.s32 $0xFFFFC000  }
0x43: {  	[hbm4b:s30+s2] =	stream.linear.scatter [tilespmem:s10], [sflag:$0x7], $0x4000, $0x38;
	[tilespmem:$0x10400] =	vst v63  }
0x44: {  	_ =	swait.ge [sflag:s19], $0x4000  }
0x45: {  	[sflag:s19] =	ssyncset.done $0x0  }
0x46: {  	s31 =	sadd.s32 $0x5400, s31;
	[sflag:s19] =	ssyncadd.s32 $0xFFFFC000  }
0x47: {  	[hbm4b:s31+s2] =	stream.linear.scatter [tilespmem:s14], [sflag:$0x8], $0x4000, $0x38;
	[tilespmem:$0x10400] =	vst v63  }
0x48: {  	s0 =	ssub.s32 $0x2, s0;
	_ =	swait.ge [sflag:s17], $0x4000  }
0x49: {  	s1 =	sshrl.u32 s0, $0x1;
	[sflag:s17] =	ssyncset.done $0x0  }
0x4a: {  	s0 =	ssub.s32 s0, s1;
	[sflag:s17] =	ssyncadd.s32 $0xFFFFC000  }
0x4b: {  	s0 =	smax.u32 s0, $0x1;
	_ =	swait.ge [sflag:s21], $0x4000  }
0x4c: {  	p0 =	sne.s32 s0, $0x1;
	[sflag:s21] =	ssyncset.done $0x0  }
.Ltmp0:
0x4d: {  	[sflag:s21] =	ssyncadd.s32 $0xFFFFC000;
	(pc) =	sbr.rel @!p0 .LBB2_2-.Ltmp0, $4  }
0x4e: {  	_ =	swait.ge [sflag:s24], $0x4000  }
0x4f: {  	[sflag:s24] =	ssyncset.done $0x0  }
0x50: {  	[sflag:s24] =	ssyncadd.s32 $0xFFFFC000  }
0x51: {  	s0 =	sadd.s32 $0xFFFFFFFF, s0;
	_ =	swait.ge [sflag:s26], $0x4000  }
.LBB2_1:
0x52: {  	[sflag:s26] =	ssyncset.done $0x0  }
0x53: {  	s1 =	rddreg [dreg:$0x4];
	[sflag:s26] =	ssyncadd.s32 $0xFFFFC000  }
0x54: {  	[tilespmem:s2], [sflag:$0x9] =	stream.strided.gather [hbm4b:s1+s3], $0x400, s4, s3, $0x38;
	[tilespmem:$0x10400] =	vst v63  }
0x55: {  	_ =	swait.ge [sflag:s5], $0x400  }
0x56: {  	[sflag:s5] =	ssyncset.done $0x0  }
0x57: {  	[sflag:s5] =	ssyncadd.s32 $0xFFFFFC00  }
0x58: {  	[tilespmem:s4], [sflag:$0x1] =	stream.indirect.gather [hbm4b:s6+s3], $0x80, s2, s3, $0xb8;
	[tilespmem:$0x10400] =	vst v63  }
0x59: {  	_ = 	snop  }
0x5a: {  	[tilespmem:s7], [sflag:$0x2] =	stream.indirect.gather [hbm4b:s6+s3], $0x80, s3, s3, $0xb8;
	[tilespmem:$0x10400] =	vst v63  }
0x5b: {  	_ =	swait.ge [sflag:s8], $0x4000  }
0x5c: {  	[sflag:s8] =	ssyncset.done $0x0  }
0x5d: {  	s1 =	rddreg [dreg:$0x5];
	[sflag:s8] =	ssyncadd.s32 $0xFFFFC000  }
0x5e: {  	[hbm4b:s1+s2] =	stream.linear.scatter [tilespmem:s4], [sflag:$0x5], $0x4000, $0x38;
	[tilespmem:$0x10400] =	vst v63  }
0x5f: {  	_ = 	snop  }
0x60: {  	[tilespmem:s10], [sflag:$0x3] =	stream.indirect.gather [hbm4b:s6+s3], $0x80, s9, s3, $0xb8;
	[tilespmem:$0x10400] =	vst v63  }
0x61: {  	_ =	swait.ge [sflag:s11], $0x4000  }
0x62: {  	[sflag:s11] =	ssyncset.done $0x0  }
0x63: {  	[sflag:s11] =	ssyncadd.s32 $0xFFFFC000  }
0x64: {  	[hbm4b:s12+s2] =	stream.linear.scatter [tilespmem:s7], [sflag:$0x6], $0x4000, $0x38;
	[tilespmem:$0x10400] =	vst v63  }
0x65: {  	_ = 	snop  }
0x66: {  	[tilespmem:s14], [sflag:$0x4] =	stream.indirect.gather [hbm4b:s6+s3], $0x80, s13, s3, $0xb8;
	[tilespmem:$0x10400] =	vst v63  }
0x67: {  	_ =	swait.ge [sflag:s15], $0x4000  }
0x68: {  	[sflag:s15] =	ssyncset.done $0x0  }
0x69: {  	[sflag:s15] =	ssyncadd.s32 $0xFFFFC000  }
0x6a: {  	[hbm4b:s16+s2] =	stream.linear.scatter [tilespmem:s10], [sflag:$0x7], $0x4000, $0x38;
	[tilespmem:$0x10400] =	vst v63  }
0x6b: {  	_ =	swait.ge [sflag:s17], $0x4000  }
0x6c: {  	[sflag:s17] =	ssyncset.done $0x0  }
0x6d: {  	[sflag:s17] =	ssyncadd.s32 $0xFFFFC000  }
0x6e: {  	[tilespmem:s4], [sflag:$0x1] =	stream.indirect.gather [hbm4b:s6+s3], $0x80, s18, s3, $0xb8;
	[tilespmem:$0x10400] =	vst v63  }
0x6f: {  	_ =	swait.ge [sflag:s19], $0x4000  }
0x70: {  	[sflag:s19] =	ssyncset.done $0x0  }
0x71: {  	[sflag:s19] =	ssyncadd.s32 $0xFFFFC000  }
0x72: {  	[hbm4b:s20+s2] =	stream.linear.scatter [tilespmem:s14], [sflag:$0x8], $0x4000, $0x38;
	[tilespmem:$0x10400] =	vst v63  }
0x73: {  	_ =	swait.ge [sflag:s21], $0x4000  }
0x74: {  	[sflag:s21] =	ssyncset.done $0x0  }
0x75: {  	[sflag:s21] =	ssyncadd.s32 $0xFFFFC000  }
0x76: {  	[tilespmem:s7], [sflag:$0x2] =	stream.indirect.gather [hbm4b:s6+s3], $0x80, s22, s3, $0xb8;
	[tilespmem:$0x10400] =	vst v63  }
0x77: {  	_ =	swait.ge [sflag:s8], $0x4000  }
0x78: {  	[sflag:s8] =	ssyncset.done $0x0  }
0x79: {  	[sflag:s8] =	ssyncadd.s32 $0xFFFFC000  }
0x7a: {  	[hbm4b:s23+s2] =	stream.linear.scatter [tilespmem:s4], [sflag:$0x5], $0x4000, $0x38;
	[tilespmem:$0x10400] =	vst v63  }
0x7b: {  	_ =	swait.ge [sflag:s24], $0x4000  }
0x7c: {  	[sflag:s24] =	ssyncset.done $0x0  }
0x7d: {  	[sflag:s24] =	ssyncadd.s32 $0xFFFFC000  }
0x7e: {  	[tilespmem:s10], [sflag:$0x3] =	stream.indirect.gather [hbm4b:s6+s3], $0x80, s25, s3, $0xb8;
	[tilespmem:$0x10400] =	vst v63  }
0x7f: {  	_ =	swait.ge [sflag:s11], $0x4000  }
0x80: {  	[sflag:s11] =	ssyncset.done $0x0  }
0x81: {  	[sflag:s11] =	ssyncadd.s32 $0xFFFFC000  }
0x82: {  	[hbm4b:s28+s2] =	stream.linear.scatter [tilespmem:s7], [sflag:$0x6], $0x4000, $0x38;
	[tilespmem:$0x10400] =	vst v63  }
0x83: {  	_ =	swait.ge [sflag:s26], $0x4000  }
0x84: {  	[sflag:s26] =	ssyncset.done $0x0  }
0x85: {  	[sflag:s26] =	ssyncadd.s32 $0xFFFFC000  }
0x86: {  	[tilespmem:s14], [sflag:$0x4] =	stream.indirect.gather [hbm4b:s6+s3], $0x80, s29, s3, $0xb8;
	[tilespmem:$0x10400] =	vst v63  }
0x87: {  	_ =	swait.ge [sflag:s15], $0x4000  }
0x88: {  	[sflag:s15] =	ssyncset.done $0x0  }
0x89: {  	[sflag:s15] =	ssyncadd.s32 $0xFFFFC000  }
0x8a: {  	[hbm4b:s30+s2] =	stream.linear.scatter [tilespmem:s10], [sflag:$0x7], $0x4000, $0x38;
	[tilespmem:$0x10400] =	vst v63  }
0x8b: {  	_ =	swait.ge [sflag:s19], $0x4000  }
0x8c: {  	[sflag:s19] =	ssyncset.done $0x0  }
0x8d: {  	[sflag:s19] =	ssyncadd.s32 $0xFFFFC000  }
0x8e: {  	[hbm4b:s31+s2] =	stream.linear.scatter [tilespmem:s14], [sflag:$0x8], $0x4000, $0x38;
	[tilespmem:$0x10400] =	vst v63  }
0x8f: {  	_ =	swait.ge [sflag:s17], $0x4000  }
0x90: {  	[sflag:s17] =	ssyncset.done $0x0  }
0x91: {  	[sflag:s17] =	ssyncadd.s32 $0xFFFFC000  }
0x92: {  	_ =	swait.ge [sflag:s21], $0x4000  }
0x93: {  	p0 =	sne.s32 s0, $0x1;
	[sflag:s21] =	ssyncset.done $0x0  }
.Ltmp1:
0x94: {  	[sflag:s21] =	ssyncadd.s32 $0xFFFFC000;
	(pc) =	sbr.rel @p0 .LBB2_1-.Ltmp1, $4  }
0x95: {  	_ =	swait.ge [sflag:s24], $0x4000  }
0x96: {  	[sflag:s24] =	ssyncset.done $0x0  }
0x97: {  	[sflag:s24] =	ssyncadd.s32 $0xFFFFC000  }
0x98: {  	s0 =	sadd.s32 $0xFFFFFFFF, s0;
	_ =	swait.ge [sflag:s26], $0x4000  }
.LBB2_2:
0x99: {  	[sflag:s26] =	ssyncset.done $0x0  }
0x9a: {  	[sflag:s26] =	ssyncadd.s32 $0xFFFFC000  }
0x9b: {  	_ =	sfence.sel $0x180000  }
0x9c: {  	[bflag:$0x0] =	sbarrier.arrive $0xFFFF  }
0x9d: {  	_ =	strace $0x9000004A  }
0x9e: {  	s0 =	stileid.u32;
	[bflag:$0x2] =	sbarrier.arrive $0xFFFF  }
0x9f: {  	p0 =	sne.s32 s0, $0x0;
	s0 =	rddreg [dreg:$0x3]  }
0xa0: {  	s0 =	sadd.s32 @!p0 $0x100000, s0  }
0xa1: {  	[sflag:s0] =	ssyncadd.tile.s32 @!p0 $0x1;
	_ =	shalt  }
.Lfunc_end2:
_tile_overlayer_lowered:
.L_overlay_start_2:
0xa2: {  	(tag) =	ssettag $0x2  }
0xa3: {  	s0 =	rddreg [dreg:$0x0];
	s2 =	stileid.u32  }
0xa4: {  	s1 =	rddreg [dreg:$0x1];
	p0 =	sne.s32 s2, $0x0  }
0xa5: {  	s3 =	rddreg [dreg:$0x2];
	[bflag:$0x3] =	sbarrier.arrive $0xFFFF;
	s2 =	simm.s32 @!p0 $0x1C09  }
0xa6: {  	[timem:s3], [sflag:s2] =	dma.local @!p0 [hbm:s0], s1  }
0xa7: {  	s0 =	simm.s32 @!p0 $0x9  }
0xa8: {  	_ =	swait.ge @!p0 [sflag:s0], s1  }
0xa9: {  	s1 =	ssub.s32 @!p0 $0x0, s1;
	[sflag:s0] =	ssyncset.done @!p0 $0x0  }
0xaa: {  	[sflag:s0] =	ssyncadd.s32 @!p0 s1  }
0xab: {  	[bflag:$0x3] =	sbarrier.arrive $0xFFFF  }
0xac: {  	_ =	shalt  }

// kernel: kernel.16.cloned.1.call-start
scs
__scs_entry_jumppad:
0x0: {  	(pc) =	sbr.rel $0x88, $3  }
0x1: {  	(tag) =	ssettag $0x0;
	lr =	simm.s32 $0x1  }
0x2: {  	[smem:$0x3F9D] =	sst lr;
	_ =	strace $0xD0000000  }
0x3: {  	_ = 	snop  }
0x4: {  	_ = 	snop  }
0x5: {  	_ = 	snop  }
0x6: {  	_ = 	snop  }
0x7: {  	_ = 	snop  }
__scs_overlays_trampoline_lowered:
0x8: {  	[smem:$0x3FAC] =	sst s0  }
0x9: {  	[smem:$0x3FAD] =	sst s1  }
0xa: {  	[smem:$0x3FAE] =	sst s2  }
0xb: {  	[smem:$0x3FAF] =	sst s3  }
0xc: {  	[smem:$0x3FB0] =	sst s4  }
0xd: {  	[smem:$0x3FB1] =	sst s5  }
0xe: {  	[smem:$0x3FB2] =	sst s6  }
0xf: {  	[smem:$0x3FB3] =	sst s7  }
0x10: {  	[smem:$0x3FB4] =	sst s8  }
0x11: {  	[smem:$0x3FB5] =	sst s9;
	s0 =	simm.s32 @!p0 $0x0  }
0x12: {  	s1 =	sld [smem:$0x3F9B];
	s0 =	simm.s32 @p0 $0x1  }
0x13: {  	[smem:$0x3FB6] =	sst s0;
	s0 =	simm.s32 @!p1 $0x0  }
0x14: {  	s2 =	sld [smem:$0x3F9A];
	s0 =	simm.s32 @p1 $0x1  }
0x15: {  	[smem:$0x3FB7] =	sst s0;
	s0 =	simm.s32 @!p2 $0x0  }
0x16: {  	s3 =	sld [smem:$0x3FDB];
	s0 =	simm.s32 @p2 $0x1  }
0x17: {  	s4 =	simm.s32 $0x1BF5;
	[smem:$0x3FB9] =	sst s0  }
0x18: {  	s0 =	sld [smem:$0x3F9C];
	_ =	swait.ge [sflag:s4], $0x0  }
0x19: {  	s7 =	sld [smem:$0x3F9D]  }
0x1a: {  	s8 =	sadd.s32 $0xFFFFE003, lr  }
0x1b: {  	s9 =	sadd.s32 $0xFFFFFEF7, lr;
	s5 =	simm.s32 $0xFFFFFFFF;
	p2 =	slt.u32 s8, $0xFFFFF086  }
0x1c: {  	p1 =	slt.u32 s9, $0xF7A;
	s5 =	simm.s32 @!p2 $0x0  }
0x1d: {  	s5 =	simm.s32 @p1 $0x1;
	p0 =	seq.s32 s7, s2  }
0x1e: {  	s7 =	smul.u32 @!p0 $0xF7A, s2;
	p2 =	seq.s32 @!p0 s5, $0x0  }
0x1f: {  	s9 =	smul.u32 $0xF7A, s1;
	s8 =	simm.s32 @!p0 $0x1BF5;
	p2 =	por !p2, p0  }
0x20: {  	[sflag:s8] =	ssyncset.s32 @!p0 $0xFFFFF086;
	s6 =	sadd.s32 @!p0 s3, s7;
	s7 =	simm.s32 @!p0 $0x108  }
0x21: {  	s3 =	sadd.s32 s3, s9;
	s6 =	sadd.s32 @!p0 $0x88, s6;
	s7 =	simm.s32 @p2 $0x1082  }
0x22: {  	[simem:s7], [sflag:s8] =	dma.local @!p0 [hbm:s6], $0xF7A  }
0x23: {  	s9 =	sor.u32 $0xD0000000, s2;
	s6 =	simm.s32 $0x108;
	_ =	swait.ge @!p0 [sflag:s8], $0x0  }
0x24: {  	s3 =	sadd.s32 $0x88, s3;
	s6 =	simm.s32 @!p1 $0x1082;
	[sflag:s4] =	ssyncset.s32 $0xFFFFF086  }
0x25: {  	[simem:s6], [sflag:s4] =	dma.local [hbm:s3], $0xF7A  }
0x26: {  	[smem:$0x3F9D] =	sst s1;
	(tag) =	ssettag s2;
	_ =	strace s9  }
0x27: {  	s1 =	sld [smem:$0x3FAD]  }
0x28: {  	s2 =	sld [smem:$0x3FAE]  }
0x29: {  	s4 =	sld [smem:$0x3FB0]  }
0x2a: {  	p0 =	seq.s32 s5, $0x0;
	s5 =	sld [smem:$0x3FB1]  }
0x2b: {  	s6 =	sld [smem:$0x3FB2]  }
0x2c: {  	s7 =	sld [smem:$0x3FB3]  }
0x2d: {  	s3 =	simm.s32 $0x108;
	s8 =	sld [smem:$0x3FB4]  }
0x2e: {  	s3 =	simm.s32 @!p0 $0x1082;
	s9 =	sld [smem:$0x3FB5]  }
0x2f: {  	lr =	sadd.s32 s0, s3;
	s0 =	sld [smem:$0x3FAC]  }
0x30: {  	s3 =	sld [smem:$0x3FAF]  }
0x31: {  	[smem:$0x3FB8] =	sst s10  }
0x32: {  	s10 =	sld [smem:$0x3FB6];
	_ =	sdelay $0x3  }
0x33: {  	p0 =	seq.s32 s10, $0x1;
	s10 =	sld [smem:$0x3FB8];
	_ =	sdelay $0x3  }
0x34: {  	[smem:$0x3FB8] =	sst s10  }
0x35: {  	s10 =	sld [smem:$0x3FB7];
	_ =	sdelay $0x3  }
0x36: {  	p1 =	seq.s32 s10, $0x1;
	s10 =	sld [smem:$0x3FB8];
	_ =	sdelay $0x3  }
0x37: {  	[smem:$0x3FB8] =	sst s10  }
0x38: {  	s10 =	sld [smem:$0x3FB9]  }
0x39: {  	_ = 	snop;
	(pc) =	sbr.ind lr, $3  }
0x3a: {  	_ = 	snop  }
0x3b: {  	_ = 	snop  }
0x3c: {  	p2 =	seq.s32 s10, $0x1;
	s10 =	sld [smem:$0x3FB8]  }
0x3d: {  	_ =	shalt  }
0x3e: {  	_ =	shalt  }
0x3f: {  	_ =	shalt  }
0x40: {  	_ =	shalt  }
0x41: {  	_ =	shalt  }
0x42: {  	_ =	shalt  }
0x43: {  	_ =	shalt  }
0x44: {  	_ =	shalt  }
0x45: {  	_ =	shalt  }
0x46: {  	_ =	shalt  }
0x47: {  	_ =	shalt  }
0x48: {  	_ =	shalt  }
0x49: {  	_ =	shalt  }
0x4a: {  	_ =	shalt  }
0x4b: {  	_ =	shalt  }
0x4c: {  	_ =	shalt  }
0x4d: {  	_ =	shalt  }
0x4e: {  	_ =	shalt  }
0x4f: {  	_ =	shalt  }
0x50: {  	_ =	shalt  }
0x51: {  	_ =	shalt  }
0x52: {  	_ =	shalt  }
0x53: {  	_ =	shalt  }
0x54: {  	_ =	shalt  }
0x55: {  	_ =	shalt  }
0x56: {  	_ =	shalt  }
0x57: {  	_ =	shalt  }
0x58: {  	_ =	shalt  }
0x59: {  	_ =	shalt  }
0x5a: {  	_ =	shalt  }
0x5b: {  	_ =	shalt  }
0x5c: {  	_ =	shalt  }
0x5d: {  	_ =	shalt  }
0x5e: {  	_ =	shalt  }
0x5f: {  	_ =	shalt  }
0x60: {  	_ =	shalt  }
0x61: {  	_ =	shalt  }
0x62: {  	_ =	shalt  }
0x63: {  	_ =	shalt  }
0x64: {  	_ =	shalt  }
0x65: {  	_ =	shalt  }
0x66: {  	_ =	shalt  }
0x67: {  	_ =	shalt  }
0x68: {  	_ =	shalt  }
0x69: {  	_ =	shalt  }
0x6a: {  	_ =	shalt  }
0x6b: {  	_ =	shalt  }
0x6c: {  	_ =	shalt  }
0x6d: {  	_ =	shalt  }
0x6e: {  	_ =	shalt  }
0x6f: {  	_ =	shalt  }
0x70: {  	_ =	shalt  }
0x71: {  	_ =	shalt  }
0x72: {  	_ =	shalt  }
0x73: {  	_ =	shalt  }
0x74: {  	_ =	shalt  }
0x75: {  	_ =	shalt  }
0x76: {  	_ =	shalt  }
0x77: {  	_ =	shalt  }
0x78: {  	_ =	shalt  }
0x79: {  	_ =	shalt  }
0x7a: {  	_ =	shalt  }
0x7b: {  	_ =	shalt  }
0x7c: {  	_ =	shalt  }
0x7d: {  	_ =	shalt  }
0x7e: {  	_ =	shalt  }
0x7f: {  	_ =	shalt  }
0x80: {  	_ =	shalt  }
0x81: {  	_ =	shalt  }
0x82: {  	_ =	shalt  }
0x83: {  	_ =	shalt  }
0x84: {  	_ =	shalt  }
0x85: {  	_ =	shalt  }
0x86: {  	_ =	shalt  }
0x87: {  	_ =	shalt  }
.Lfunc_end0:
.L_simem_size_0:
called_computation.2_lowered:
.L_overlay_start_0:
0x88: {  	s2 =	sld [smem:$0x3FD9]  }
0x89: {  	s3 =	sld [smem:$0x3FFE];
	_ =	sdelay $0x1  }
0x8a: {  	s1 =	srdreg.scid  }
0x8b: {  	s0 =	sand.u32 $0x1, s1  }
0x8c: {  	s17 =	sshll.u32 s0, $0xA;
	s2 =	sadd.s32 s3, s2  }
0x8d: {  	s2 =	sadd.s32 s2, s17  }
0x8e: {  	[smem:$0x3FC4] =	sst s2  }
0x8f: {  	_ = 	snop  }
0x90: {  	s18 =	sld [smem:$0x3FC9]  }
0x91: {  	s4 =	sld [smem:$0x3FC8];
	(tm) =	ssettm $0x1  }
0x92: {  	s19 =	sld [smem:$0x3FFB];
	_ =	sdelay $0x3  }
0x93: {  	_ =	strace s19  }
0x94: {  	s2 =	sld [smem:$0x3FFC];
	_ =	sdelay $0x3  }
0x95: {  	_ =	strace s2  }
0x96: {  	s2 =	sld [smem:$0x3FFD];
	_ =	sdelay $0x3  }
0x97: {  	_ =	strace s2  }
0x98: {  	_ =	strace $0x8FFFFFFF  }
0x99: {  	s20 =	sld [smem:$0x3FDB];
	_ =	sdelay $0x1  }
0x9a: {  	s5 =	simm.s32 $_scs_section_size  }
0x9b: {  	s6 =	simm.s32 $_size__tile_overlayer_lowered;
	s7 =	simm.s32 $_tile_overlayer_lowered  }
0x9c: {  	s8 =	simm.s32 $0x1BFF;
	s21 =	sshll.u32 s7, $0x1;
	s5 =	sadd.s32 s5, s20  }
0x9d: {  	s22 =	simm.s32 $0x0;
	s6 =	sshll.u32 s6, $0x1;
	s7 =	sadd.s32 s21, s5  }
0x9e: {  	[timem:s22], [sflag:s8] =	dma.local [hbm:s7], s6  }
0x9f: {  	_ =	swait.ge [sflag:s8], s6  }
0xa0: {  	s6 =	ssub.s32 $0x0, s6;
	[sflag:s8] =	ssyncset.done $0x0  }
0xa1: {  	[sflag:s8] =	ssyncadd.s32 s6;
	_ =	sdelay $0x1  }
0xa2: {  	s23 =	simm.s32 $0x1B8B  }
0xa3: {  	_ =	swait.ge [sflag:s23], $0x1  }
0xa4: {  	[sflag:s23] =	ssyncset.done $0x0  }
0xa5: {  	[sflag:s23] =	ssyncadd.s32 $0xFFFFFFFF  }
0xa6: {  	s6 =	sld [smem:$0x0]  }
0xa7: {  	s7 =	sand.u32 $0xFFFFFFFE, s1  }
0xa8: {  	p0 =	sne.s32 s1, s7  }
0xa9: {  	s7 =	sshll.u32 @p0 s7, $0xE  }
0xaa: {  	s7 =	sadd.s32 @p0 $0x11B8D, s7;
	s8 =	sshll.u32 @p0 s6, $0x11  }
0xab: {  	s7 =	sor.u32 @p0 s8, s7  }
0xac: {  	[sflag:s7] =	ssyncadd.remote.s32 @p0 $0x1;
	_ =	sdelay $0x1  }
0xad: {  	s7 =	simm.s32 @p0 $0x1B8D  }
0xae: {  	_ =	swait.eq @p0 [sflag:s7], $0x1  }
0xaf: {  	[sflag:s7] =	ssyncadd.s32 @p0 $0xFFFFFFFF  }
0xb0: {  	s8 =	sshll.u32 @!p0 s1, $0xE  }
0xb1: {  	s8 =	sor.u32 @!p0 $0x4000, s8;
	s7 =	simm.s32 @!p0 $0x1B8D  }
0xb2: {  	s6 =	sshll.u32 @!p0 s6, $0x11;
	s8 =	sadd.s32 @!p0 $0x11B8D, s8;
	_ =	swait.eq @!p0 [sflag:s7], $0x1  }
0xb3: {  	s6 =	sor.u32 @!p0 s6, s8;
	[sflag:s7] =	ssyncadd.s32 @!p0 $0xFFFFFFFF  }
0xb4: {  	s25 =	simm.s32 $0x1B8E;
	s24 =	sld [smem:$0x3FFE];
	[sflag:s6] =	ssyncadd.remote.s32 @!p0 $0x1  }
0xb5: {  	s26 =	simm.s32 $execute0_lowered;
	[smem:$0x3FD2] =	sst s25  }
0xb6: {  	s7 =	sshll.u32 s26, $0x1;
	_ =	strace $0x8000004C;
	[dreg:$0x1] =	wrdreg $0xFFFFFFFF  }
0xb7: {  	s28 =	simm.s32 $_size_execute0_lowered;
	s5 =	sadd.s32 s5, s7;
	[dreg:$0x0] =	wrdreg $0x0  }
0xb8: {  	s7 =	sshll.u32 s28, $0x1;
	[dreg:$0x2] =	wrdreg s5  }
0xb9: {  	[dreg:$0x3] =	wrdreg s7  }
0xba: {  	[dreg:$0x4] =	wrdreg $0xC0  }
0xbb: {  	_ =	task [dreg:s22], $0x5FFFF  }
0xbc: {  	[dreg:$0x1] =	wrdreg $0xFFFFFFFF  }
0xbd: {  	[dreg:$0x0] =	wrdreg $0x60  }
0xbe: {  	[dreg:$0x2] =	wrdreg s18  }
0xbf: {  	[dreg:$0x3] =	wrdreg s4  }
0xc0: {  	[dreg:$0x4] =	wrdreg s24  }
0xc1: {  	[dreg:$0x5] =	wrdreg $0xB  }
0xc2: {  	_ =	task.clear_ibuf [dreg:s22], $0x6FFFF;
	_ =	strace $0x9000004C  }
0xc3: {  	s29 =	simm.s32 $0xB;
	_ =	strace $0x8000004E  }
0xc4: {  	_ =	swait.ge [sflag:s29], $0x1  }
0xc5: {  	[sflag:s29] =	ssyncadd.s32 $0xFFFFFFFF  }
0xc6: {  	_ =	strace $0x9000004E  }
0xc7: {  	_ =	sfence  }
0xc8: {  	s30 =	sld [smem:$0x0];
	_ =	sdelay $0x2  }
0xc9: {  	s31 =	sshll.u32 s1, $0xD;
	s1 =	sshrl.u32 s1, $0x2  }
0xca: {  	s4 =	sand.u32 $0x4000, s31;
	s1 =	sadd.s32 s1, s30  }
0xcb: {  	s0 =	sor.u32 s4, s0;
	s1 =	sshll.u32 s1, $0x11  }
0xcc: {  	s0 =	sor.u32 s1, s0  }
0xcd: {  	s0 =	sadd.s32 $0x8F2B, s0  }
0xce: {  	[sflag:s0] =	ssyncadd.remote.s32 $0x1  }
0xcf: {  	_ =	sfence.sel $0xFFFF  }
0xd0: {  	[dreg:$0x0] =	wrdreg $0xFFFFFFFF;
	(pc) =	sbr.abs _section_cstart, $3  }
0xd1: {  	[dreg:$0x1] =	wrdreg $0xFFFFFFFF  }
0xd2: {  	_ =	task.clear_ibuf [dreg:s22], $0x2FFFF;
	_ =	strace $0x9FFFFFFF  }
0xd3: {  	(tm) =	ssettm $0x7FFFFFFF  }
tec
execute0_lowered:
.L_overlay_start_1:
0x0: {  	(tag) =	ssettag $0x1  }
0x1: {  	s6 =	rddreg [dreg:$0x0];
	s1 =	stileid.u32  }
0x2: {  	s3 =	rddreg [dreg:$0x1];
	s0 =	srdreg.scid;
	s2 =	sshll.u32 s1, $0x1  }
0x3: {  	s0 =	sand.u32 $0x1, s0;
	s7 =	sshrl.u32 s1, $0x2;
	s5 =	sand.u32 $0x6, s2  }
0x4: {  	s4 =	rddreg [dreg:$0x2];
	s8 =	sshll.u32 s7, $0x4;
	s5 =	sor.u32 s0, s5  }
0x5: {  	s2 =	simm.s32 $0x0;
	s3 =	sadd.s32 s8, s3;
	s9 =	sshll.u32 s5, $0xA  }
0x6: {  	s23 =	sshll.u32 s7, $0x11;
	s5 =	sshll.u32 s5, $0xE;
	s3 =	sadd.s32 s9, s3  }
0x7: {  	[smem:$0x7FF] =	sst s2;
	s5 =	sor.u32 s23, s5;
	s3 =	sadd.s32 $0x2000, s3  }
0x8: {  	_ =	strace $0x8000004D;
	s31 =	sadd.s32 s5, s4;
	[dreg:$0x4] =	wrdreg s3  }
0x9: {  	s4 =	simm.s32 $0x400;
	s24 =	sadd.s32 $0x81C00, s31;
	s25 =	rddreg [dreg:$0x4]  }
0xa: {  	s5 =	simm.s32 $0x9;
	s3 =	simm.s32 $0x80;
	[dreg:$0x5] =	wrdreg s24  }
0xb: {  	[tilespmem:s2], [sflag:$0x9] =	stream.strided.gather [hbm4b:s25+s3], $0x400, s4, s3, $0x38;
	[tilespmem:$0x10400] =	vst v63  }
0xc: {  	s7 =	sshll.u32 s7, $0x12;
	_ =	swait.ge [sflag:s5], $0x400  }
0xd: {  	s6 =	sadd.s32 s7, s6;
	[sflag:s5] =	ssyncset.done $0x0  }
0xe: {  	s6 =	sadd.s32 $0x200000, s6;
	[sflag:s5] =	ssyncadd.s32 $0xFFFFFC00  }
0xf: {  	[tilespmem:s4], [sflag:$0x1] =	stream.indirect.gather [hbm4b:s6+s3], $0x80, s2, s3, $0xb8;
	[tilespmem:$0x10400] =	vst v63  }
0x10: {  	s7 =	simm.s32 $0x4400;
	s8 =	simm.s32 $0x1  }
0x11: {  	[tilespmem:s7], [sflag:$0x2] =	stream.indirect.gather [hbm4b:s6+s3], $0x80, s3, s3, $0xb8;
	[tilespmem:$0x10400] =	vst v63  }
0x12: {  	_ =	swait.ge [sflag:s8], $0x4000  }
0x13: {  	[sflag:s8] =	ssyncset.done $0x0  }
0x14: {  	s26 =	rddreg [dreg:$0x5];
	[sflag:s8] =	ssyncadd.s32 $0xFFFFC000  }
0x15: {  	[hbm4b:s26+s2] =	stream.linear.scatter [tilespmem:s4], [sflag:$0x5], $0x4000, $0x38;
	[tilespmem:$0x10400] =	vst v63  }
0x16: {  	s10 =	simm.s32 $0x8400;
	s11 =	simm.s32 $0x2;
	s9 =	simm.s32 $0x100  }
0x17: {  	[tilespmem:s10], [sflag:$0x3] =	stream.indirect.gather [hbm4b:s6+s3], $0x80, s9, s3, $0xb8;
	[tilespmem:$0x10400] =	vst v63  }
0x18: {  	_ =	swait.ge [sflag:s11], $0x4000  }
0x19: {  	[sflag:s11] =	ssyncset.done $0x0  }
0x1a: {  	s12 =	sadd.s32 $0x82400, s31;
	[sflag:s11] =	ssyncadd.s32 $0xFFFFC000  }
0x1b: {  	[hbm4b:s12+s2] =	stream.linear.scatter [tilespmem:s7], [sflag:$0x6], $0x4000, $0x38;
	[tilespmem:$0x10400] =	vst v63  }
0x1c: {  	s13 =	simm.s32 $0x180;
	s14 =	simm.s32 $0xC400;
	s15 =	simm.s32 $0x3  }
0x1d: {  	[tilespmem:s14], [sflag:$0x4] =	stream.indirect.gather [hbm4b:s6+s3], $0x80, s13, s3, $0xb8;
	[tilespmem:$0x10400] =	vst v63  }
0x1e: {  	_ =	swait.ge [sflag:s15], $0x4000  }
0x1f: {  	[sflag:s15] =	ssyncset.done $0x0  }
0x20: {  	s17 =	simm.s32 $0x5;
	s16 =	sadd.s32 $0x82C00, s31;
	[sflag:s15] =	ssyncadd.s32 $0xFFFFC000  }
0x21: {  	[hbm4b:s16+s2] =	stream.linear.scatter [tilespmem:s10], [sflag:$0x7], $0x4000, $0x38;
	[tilespmem:$0x10400] =	vst v63  }
0x22: {  	_ =	swait.ge [sflag:s17], $0x4000  }
0x23: {  	[sflag:s17] =	ssyncset.done $0x0  }
0x24: {  	s18 =	simm.s32 $0x200;
	s19 =	simm.s32 $0x4;
	[sflag:s17] =	ssyncadd.s32 $0xFFFFC000  }
0x25: {  	[tilespmem:s4], [sflag:$0x1] =	stream.indirect.gather [hbm4b:s6+s3], $0x80, s18, s3, $0xb8;
	[tilespmem:$0x10400] =	vst v63  }
0x26: {  	_ =	swait.ge [sflag:s19], $0x4000  }
0x27: {  	[sflag:s19] =	ssyncset.done $0x0  }
0x28: {  	s21 =	simm.s32 $0x6;
	s20 =	sadd.s32 $0x83400, s31;
	[sflag:s19] =	ssyncadd.s32 $0xFFFFC000  }
0x29: {  	[hbm4b:s20+s2] =	stream.linear.scatter [tilespmem:s14], [sflag:$0x8], $0x4000, $0x38;
	[tilespmem:$0x10400] =	vst v63  }
0x2a: {  	_ =	swait.ge [sflag:s21], $0x4000  }
0x2b: {  	[sflag:s21] =	ssyncset.done $0x0  }
0x2c: {  	s22 =	simm.s32 $0x280;
	[sflag:s21] =	ssyncadd.s32 $0xFFFFC000  }
0x2d: {  	[tilespmem:s7], [sflag:$0x2] =	stream.indirect.gather [hbm4b:s6+s3], $0x80, s22, s3, $0xb8;
	[tilespmem:$0x10400] =	vst v63  }
0x2e: {  	_ =	swait.ge [sflag:s8], $0x4000  }
0x2f: {  	[sflag:s8] =	ssyncset.done $0x0  }
0x30: {  	s23 =	sadd.s32 $0x83C00, s31;
	s24 =	simm.s32 $0x7;
	[sflag:s8] =	ssyncadd.s32 $0xFFFFC000  }
0x31: {  	[hbm4b:s23+s2] =	stream.linear.scatter [tilespmem:s4], [sflag:$0x5], $0x4000, $0x38;
	[tilespmem:$0x10400] =	vst v63  }
0x32: {  	_ =	swait.ge [sflag:s24], $0x4000  }
0x33: {  	[sflag:s24] =	ssyncset.done $0x0  }
0x34: {  	s25 =	simm.s32 $0x300;
	[sflag:s24] =	ssyncadd.s32 $0xFFFFC000  }
0x35: {  	[tilespmem:s10], [sflag:$0x3] =	stream.indirect.gather [hbm4b:s6+s3], $0x80, s25, s3, $0xb8;
	[tilespmem:$0x10400] =	vst v63  }
0x36: {  	_ =	swait.ge [sflag:s11], $0x4000  }
0x37: {  	[sflag:s11] =	ssyncset.done $0x0  }
0x38: {  	s28 =	sadd.s32 $0x84400, s31;
	s26 =	simm.s32 $0x8;
	[sflag:s11] =	ssyncadd.s32 $0xFFFFC000  }
0x39: {  	[hbm4b:s28+s2] =	stream.linear.scatter [tilespmem:s7], [sflag:$0x6], $0x4000, $0x38;
	[tilespmem:$0x10400] =	vst v63  }
0x3a: {  	_ =	swait.ge [sflag:s26], $0x4000  }
0x3b: {  	[sflag:s26] =	ssyncset.done $0x0  }
0x3c: {  	s29 =	simm.s32 $0x380;
	[sflag:s26] =	ssyncadd.s32 $0xFFFFC000  }
0x3d: {  	[tilespmem:s14], [sflag:$0x4] =	stream.indirect.gather [hbm4b:s6+s3], $0x80, s29, s3, $0xb8;
	[tilespmem:$0x10400] =	vst v63  }
0x3e: {  	_ =	swait.ge [sflag:s15], $0x4000  }
0x3f: {  	[sflag:s15] =	ssyncset.done $0x0  }
0x40: {  	s30 =	sadd.s32 $0x84C00, s31;
	[sflag:s15] =	ssyncadd.s32 $0xFFFFC000  }
0x41: {  	[hbm4b:s30+s2] =	stream.linear.scatter [tilespmem:s10], [sflag:$0x7], $0x4000, $0x38;
	[tilespmem:$0x10400] =	vst v63  }
0x42: {  	_ =	swait.ge [sflag:s19], $0x4000  }
0x43: {  	[sflag:s19] =	ssyncset.done $0x0  }
0x44: {  	s31 =	sadd.s32 $0x85400, s31;
	[sflag:s19] =	ssyncadd.s32 $0xFFFFC000  }
0x45: {  	[hbm4b:s31+s2] =	stream.linear.scatter [tilespmem:s14], [sflag:$0x8], $0x4000, $0x38;
	[tilespmem:$0x10400] =	vst v63  }
0x46: {  	s0 =	ssub.s32 $0x2, s0;
	_ =	swait.ge [sflag:s17], $0x4000  }
0x47: {  	s1 =	sshrl.u32 s0, $0x1;
	[sflag:s17] =	ssyncset.done $0x0  }
0x48: {  	s0 =	ssub.s32 s0, s1;
	[sflag:s17] =	ssyncadd.s32 $0xFFFFC000  }
0x49: {  	s0 =	smax.u32 s0, $0x1;
	_ =	swait.ge [sflag:s21], $0x4000  }
0x4a: {  	p0 =	sne.s32 s0, $0x1;
	[sflag:s21] =	ssyncset.done $0x0  }
.Ltmp0:
0x4b: {  	[sflag:s21] =	ssyncadd.s32 $0xFFFFC000;
	(pc) =	sbr.rel @!p0 .LBB2_2-.Ltmp0, $4  }
0x4c: {  	_ =	swait.ge [sflag:s24], $0x4000  }
0x4d: {  	[sflag:s24] =	ssyncset.done $0x0  }
0x4e: {  	[sflag:s24] =	ssyncadd.s32 $0xFFFFC000  }
0x4f: {  	s0 =	sadd.s32 $0xFFFFFFFF, s0;
	_ =	swait.ge [sflag:s26], $0x4000  }
.LBB2_1:
0x50: {  	[sflag:s26] =	ssyncset.done $0x0  }
0x51: {  	s1 =	rddreg [dreg:$0x4];
	[sflag:s26] =	ssyncadd.s32 $0xFFFFC000  }
0x52: {  	[tilespmem:s2], [sflag:$0x9] =	stream.strided.gather [hbm4b:s1+s3], $0x400, s4, s3, $0x38;
	[tilespmem:$0x10400] =	vst v63  }
0x53: {  	_ =	swait.ge [sflag:s5], $0x400  }
0x54: {  	[sflag:s5] =	ssyncset.done $0x0  }
0x55: {  	[sflag:s5] =	ssyncadd.s32 $0xFFFFFC00  }
0x56: {  	[tilespmem:s4], [sflag:$0x1] =	stream.indirect.gather [hbm4b:s6+s3], $0x80, s2, s3, $0xb8;
	[tilespmem:$0x10400] =	vst v63  }
0x57: {  	_ = 	snop  }
0x58: {  	[tilespmem:s7], [sflag:$0x2] =	stream.indirect.gather [hbm4b:s6+s3], $0x80, s3, s3, $0xb8;
	[tilespmem:$0x10400] =	vst v63  }
0x59: {  	_ =	swait.ge [sflag:s8], $0x4000  }
0x5a: {  	[sflag:s8] =	ssyncset.done $0x0  }
0x5b: {  	s1 =	rddreg [dreg:$0x5];
	[sflag:s8] =	ssyncadd.s32 $0xFFFFC000  }
0x5c: {  	[hbm4b:s1+s2] =	stream.linear.scatter [tilespmem:s4], [sflag:$0x5], $0x4000, $0x38;
	[tilespmem:$0x10400] =	vst v63  }
0x5d: {  	_ = 	snop  }
0x5e: {  	[tilespmem:s10], [sflag:$0x3] =	stream.indirect.gather [hbm4b:s6+s3], $0x80, s9, s3, $0xb8;
	[tilespmem:$0x10400] =	vst v63  }
0x5f: {  	_ =	swait.ge [sflag:s11], $0x4000  }
0x60: {  	[sflag:s11] =	ssyncset.done $0x0  }
0x61: {  	[sflag:s11] =	ssyncadd.s32 $0xFFFFC000  }
0x62: {  	[hbm4b:s12+s2] =	stream.linear.scatter [tilespmem:s7], [sflag:$0x6], $0x4000, $0x38;
	[tilespmem:$0x10400] =	vst v63  }
0x63: {  	_ = 	snop  }
0x64: {  	[tilespmem:s14], [sflag:$0x4] =	stream.indirect.gather [hbm4b:s6+s3], $0x80, s13, s3, $0xb8;
	[tilespmem:$0x10400] =	vst v63  }
0x65: {  	_ =	swait.ge [sflag:s15], $0x4000  }
0x66: {  	[sflag:s15] =	ssyncset.done $0x0  }
0x67: {  	[sflag:s15] =	ssyncadd.s32 $0xFFFFC000  }
0x68: {  	[hbm4b:s16+s2] =	stream.linear.scatter [tilespmem:s10], [sflag:$0x7], $0x4000, $0x38;
	[tilespmem:$0x10400] =	vst v63  }
0x69: {  	_ =	swait.ge [sflag:s17], $0x4000  }
0x6a: {  	[sflag:s17] =	ssyncset.done $0x0  }
0x6b: {  	[sflag:s17] =	ssyncadd.s32 $0xFFFFC000  }
0x6c: {  	[tilespmem:s4], [sflag:$0x1] =	stream.indirect.gather [hbm4b:s6+s3], $0x80, s18, s3, $0xb8;
	[tilespmem:$0x10400] =	vst v63  }
0x6d: {  	_ =	swait.ge [sflag:s19], $0x4000  }
0x6e: {  	[sflag:s19] =	ssyncset.done $0x0  }
0x6f: {  	[sflag:s19] =	ssyncadd.s32 $0xFFFFC000  }
0x70: {  	[hbm4b:s20+s2] =	stream.linear.scatter [tilespmem:s14], [sflag:$0x8], $0x4000, $0x38;
	[tilespmem:$0x10400] =	vst v63  }
0x71: {  	_ =	swait.ge [sflag:s21], $0x4000  }
0x72: {  	[sflag:s21] =	ssyncset.done $0x0  }
0x73: {  	[sflag:s21] =	ssyncadd.s32 $0xFFFFC000  }
0x74: {  	[tilespmem:s7], [sflag:$0x2] =	stream.indirect.gather [hbm4b:s6+s3], $0x80, s22, s3, $0xb8;
	[tilespmem:$0x10400] =	vst v63  }
0x75: {  	_ =	swait.ge [sflag:s8], $0x4000  }
0x76: {  	[sflag:s8] =	ssyncset.done $0x0  }
0x77: {  	[sflag:s8] =	ssyncadd.s32 $0xFFFFC000  }
0x78: {  	[hbm4b:s23+s2] =	stream.linear.scatter [tilespmem:s4], [sflag:$0x5], $0x4000, $0x38;
	[tilespmem:$0x10400] =	vst v63  }
0x79: {  	_ =	swait.ge [sflag:s24], $0x4000  }
0x7a: {  	[sflag:s24] =	ssyncset.done $0x0  }
0x7b: {  	[sflag:s24] =	ssyncadd.s32 $0xFFFFC000  }
0x7c: {  	[tilespmem:s10], [sflag:$0x3] =	stream.indirect.gather [hbm4b:s6+s3], $0x80, s25, s3, $0xb8;
	[tilespmem:$0x10400] =	vst v63  }
0x7d: {  	_ =	swait.ge [sflag:s11], $0x4000  }
0x7e: {  	[sflag:s11] =	ssyncset.done $0x0  }
0x7f: {  	[sflag:s11] =	ssyncadd.s32 $0xFFFFC000  }
0x80: {  	[hbm4b:s28+s2] =	stream.linear.scatter [tilespmem:s7], [sflag:$0x6], $0x4000, $0x38;
	[tilespmem:$0x10400] =	vst v63  }
0x81: {  	_ =	swait.ge [sflag:s26], $0x4000  }
0x82: {  	[sflag:s26] =	ssyncset.done $0x0  }
0x83: {  	[sflag:s26] =	ssyncadd.s32 $0xFFFFC000  }
0x84: {  	[tilespmem:s14], [sflag:$0x4] =	stream.indirect.gather [hbm4b:s6+s3], $0x80, s29, s3, $0xb8;
	[tilespmem:$0x10400] =	vst v63  }
0x85: {  	_ =	swait.ge [sflag:s15], $0x4000  }
0x86: {  	[sflag:s15] =	ssyncset.done $0x0  }
0x87: {  	[sflag:s15] =	ssyncadd.s32 $0xFFFFC000  }
0x88: {  	[hbm4b:s30+s2] =	stream.linear.scatter [tilespmem:s10], [sflag:$0x7], $0x4000, $0x38;
	[tilespmem:$0x10400] =	vst v63  }
0x89: {  	_ =	swait.ge [sflag:s19], $0x4000  }
0x8a: {  	[sflag:s19] =	ssyncset.done $0x0  }
0x8b: {  	[sflag:s19] =	ssyncadd.s32 $0xFFFFC000  }
0x8c: {  	[hbm4b:s31+s2] =	stream.linear.scatter [tilespmem:s14], [sflag:$0x8], $0x4000, $0x38;
	[tilespmem:$0x10400] =	vst v63  }
0x8d: {  	_ =	swait.ge [sflag:s17], $0x4000  }
0x8e: {  	[sflag:s17] =	ssyncset.done $0x0  }
0x8f: {  	[sflag:s17] =	ssyncadd.s32 $0xFFFFC000  }
0x90: {  	_ =	swait.ge [sflag:s21], $0x4000  }
0x91: {  	p0 =	sne.s32 s0, $0x1;
	[sflag:s21] =	ssyncset.done $0x0  }
.Ltmp1:
0x92: {  	[sflag:s21] =	ssyncadd.s32 $0xFFFFC000;
	(pc) =	sbr.rel @p0 .LBB2_1-.Ltmp1, $4  }
0x93: {  	_ =	swait.ge [sflag:s24], $0x4000  }
0x94: {  	[sflag:s24] =	ssyncset.done $0x0  }
0x95: {  	[sflag:s24] =	ssyncadd.s32 $0xFFFFC000  }
0x96: {  	s0 =	sadd.s32 $0xFFFFFFFF, s0;
	_ =	swait.ge [sflag:s26], $0x4000  }
.LBB2_2:
0x97: {  	[sflag:s26] =	ssyncset.done $0x0  }
0x98: {  	[sflag:s26] =	ssyncadd.s32 $0xFFFFC000  }
0x99: {  	_ =	sfence.sel $0x180000  }
0x9a: {  	[bflag:$0x0] =	sbarrier.arrive $0xFFFF  }
0x9b: {  	_ =	strace $0x9000004D  }
0x9c: {  	s0 =	stileid.u32;
	[bflag:$0x2] =	sbarrier.arrive $0xFFFF  }
0x9d: {  	p0 =	sne.s32 s0, $0x0;
	s0 =	rddreg [dreg:$0x3]  }
0x9e: {  	s0 =	sadd.s32 @!p0 $0x100000, s0  }
0x9f: {  	[sflag:s0] =	ssyncadd.tile.s32 @!p0 $0x1;
	_ =	shalt  }
.Lfunc_end2:
_tile_overlayer_lowered:
.L_overlay_start_2:
0xa0: {  	(tag) =	ssettag $0x2  }
0xa1: {  	s0 =	rddreg [dreg:$0x0];
	s2 =	stileid.u32  }
0xa2: {  	s1 =	rddreg [dreg:$0x1];
	p0 =	sne.s32 s2, $0x0  }
0xa3: {  	s3 =	rddreg [dreg:$0x2];
	[bflag:$0x3] =	sbarrier.arrive $0xFFFF;
	s2 =	simm.s32 @!p0 $0x1C09  }
0xa4: {  	[timem:s3], [sflag:s2] =	dma.local @!p0 [hbm:s0], s1  }
0xa5: {  	s0 =	simm.s32 @!p0 $0x9  }
0xa6: {  	_ =	swait.ge @!p0 [sflag:s0], s1  }
0xa7: {  	s1 =	ssub.s32 @!p0 $0x0, s1;
	[sflag:s0] =	ssyncset.done @!p0 $0x0  }
0xa8: {  	[sflag:s0] =	ssyncadd.s32 @!p0 s1  }
0xa9: {  	[bflag:$0x3] =	sbarrier.arrive $0xFFFF  }
0xaa: {  	_ =	shalt  }

// kernel: kernel.19.cloned.1.call-start
scs
__scs_entry_jumppad:
0x0: {  	(pc) =	sbr.rel $0x88, $3  }
0x1: {  	(tag) =	ssettag $0x0;
	lr =	simm.s32 $0x1  }
0x2: {  	[smem:$0x3F9D] =	sst lr;
	_ =	strace $0xD0000000  }
0x3: {  	_ = 	snop  }
0x4: {  	_ = 	snop  }
0x5: {  	_ = 	snop  }
0x6: {  	_ = 	snop  }
0x7: {  	_ = 	snop  }
__scs_overlays_trampoline_lowered:
0x8: {  	[smem:$0x3FAC] =	sst s0  }
0x9: {  	[smem:$0x3FAD] =	sst s1  }
0xa: {  	[smem:$0x3FAE] =	sst s2  }
0xb: {  	[smem:$0x3FAF] =	sst s3  }
0xc: {  	[smem:$0x3FB0] =	sst s4  }
0xd: {  	[smem:$0x3FB1] =	sst s5  }
0xe: {  	[smem:$0x3FB2] =	sst s6  }
0xf: {  	[smem:$0x3FB3] =	sst s7  }
0x10: {  	[smem:$0x3FB4] =	sst s8  }
0x11: {  	[smem:$0x3FB5] =	sst s9;
	s0 =	simm.s32 @!p0 $0x0  }
0x12: {  	s1 =	sld [smem:$0x3F9B];
	s0 =	simm.s32 @p0 $0x1  }
0x13: {  	[smem:$0x3FB6] =	sst s0;
	s0 =	simm.s32 @!p1 $0x0  }
0x14: {  	s2 =	sld [smem:$0x3F9A];
	s0 =	simm.s32 @p1 $0x1  }
0x15: {  	[smem:$0x3FB7] =	sst s0;
	s0 =	simm.s32 @!p2 $0x0  }
0x16: {  	s3 =	sld [smem:$0x3FDB];
	s0 =	simm.s32 @p2 $0x1  }
0x17: {  	s4 =	simm.s32 $0x1BF5;
	[smem:$0x3FB9] =	sst s0  }
0x18: {  	s0 =	sld [smem:$0x3F9C];
	_ =	swait.ge [sflag:s4], $0x0  }
0x19: {  	s7 =	sld [smem:$0x3F9D]  }
0x1a: {  	s8 =	sadd.s32 $0xFFFFE003, lr  }
0x1b: {  	s9 =	sadd.s32 $0xFFFFFEF7, lr;
	s5 =	simm.s32 $0xFFFFFFFF;
	p2 =	slt.u32 s8, $0xFFFFF086  }
0x1c: {  	p1 =	slt.u32 s9, $0xF7A;
	s5 =	simm.s32 @!p2 $0x0  }
0x1d: {  	s5 =	simm.s32 @p1 $0x1;
	p0 =	seq.s32 s7, s2  }
0x1e: {  	s7 =	smul.u32 @!p0 $0xF7A, s2;
	p2 =	seq.s32 @!p0 s5, $0x0  }
0x1f: {  	s9 =	smul.u32 $0xF7A, s1;
	s8 =	simm.s32 @!p0 $0x1BF5;
	p2 =	por !p2, p0  }
0x20: {  	[sflag:s8] =	ssyncset.s32 @!p0 $0xFFFFF086;
	s6 =	sadd.s32 @!p0 s3, s7;
	s7 =	simm.s32 @!p0 $0x108  }
0x21: {  	s3 =	sadd.s32 s3, s9;
	s6 =	sadd.s32 @!p0 $0x88, s6;
	s7 =	simm.s32 @p2 $0x1082  }
0x22: {  	[simem:s7], [sflag:s8] =	dma.local @!p0 [hbm:s6], $0xF7A  }
0x23: {  	s9 =	sor.u32 $0xD0000000, s2;
	s6 =	simm.s32 $0x108;
	_ =	swait.ge @!p0 [sflag:s8], $0x0  }
0x24: {  	s3 =	sadd.s32 $0x88, s3;
	s6 =	simm.s32 @!p1 $0x1082;
	[sflag:s4] =	ssyncset.s32 $0xFFFFF086  }
0x25: {  	[simem:s6], [sflag:s4] =	dma.local [hbm:s3], $0xF7A  }
0x26: {  	[smem:$0x3F9D] =	sst s1;
	(tag) =	ssettag s2;
	_ =	strace s9  }
0x27: {  	s1 =	sld [smem:$0x3FAD]  }
0x28: {  	s2 =	sld [smem:$0x3FAE]  }
0x29: {  	s4 =	sld [smem:$0x3FB0]  }
0x2a: {  	p0 =	seq.s32 s5, $0x0;
	s5 =	sld [smem:$0x3FB1]  }
0x2b: {  	s6 =	sld [smem:$0x3FB2]  }
0x2c: {  	s7 =	sld [smem:$0x3FB3]  }
0x2d: {  	s3 =	simm.s32 $0x108;
	s8 =	sld [smem:$0x3FB4]  }
0x2e: {  	s3 =	simm.s32 @!p0 $0x1082;
	s9 =	sld [smem:$0x3FB5]  }
0x2f: {  	lr =	sadd.s32 s0, s3;
	s0 =	sld [smem:$0x3FAC]  }
0x30: {  	s3 =	sld [smem:$0x3FAF]  }
0x31: {  	[smem:$0x3FB8] =	sst s10  }
0x32: {  	s10 =	sld [smem:$0x3FB6];
	_ =	sdelay $0x3  }
0x33: {  	p0 =	seq.s32 s10, $0x1;
	s10 =	sld [smem:$0x3FB8];
	_ =	sdelay $0x3  }
0x34: {  	[smem:$0x3FB8] =	sst s10  }
0x35: {  	s10 =	sld [smem:$0x3FB7];
	_ =	sdelay $0x3  }
0x36: {  	p1 =	seq.s32 s10, $0x1;
	s10 =	sld [smem:$0x3FB8];
	_ =	sdelay $0x3  }
0x37: {  	[smem:$0x3FB8] =	sst s10  }
0x38: {  	s10 =	sld [smem:$0x3FB9]  }
0x39: {  	_ = 	snop;
	(pc) =	sbr.ind lr, $3  }
0x3a: {  	_ = 	snop  }
0x3b: {  	_ = 	snop  }
0x3c: {  	p2 =	seq.s32 s10, $0x1;
	s10 =	sld [smem:$0x3FB8]  }
0x3d: {  	_ =	shalt  }
0x3e: {  	_ =	shalt  }
0x3f: {  	_ =	shalt  }
0x40: {  	_ =	shalt  }
0x41: {  	_ =	shalt  }
0x42: {  	_ =	shalt  }
0x43: {  	_ =	shalt  }
0x44: {  	_ =	shalt  }
0x45: {  	_ =	shalt  }
0x46: {  	_ =	shalt  }
0x47: {  	_ =	shalt  }
0x48: {  	_ =	shalt  }
0x49: {  	_ =	shalt  }
0x4a: {  	_ =	shalt  }
0x4b: {  	_ =	shalt  }
0x4c: {  	_ =	shalt  }
0x4d: {  	_ =	shalt  }
0x4e: {  	_ =	shalt  }
0x4f: {  	_ =	shalt  }
0x50: {  	_ =	shalt  }
0x51: {  	_ =	shalt  }
0x52: {  	_ =	shalt  }
0x53: {  	_ =	shalt  }
0x54: {  	_ =	shalt  }
0x55: {  	_ =	shalt  }
0x56: {  	_ =	shalt  }
0x57: {  	_ =	shalt  }
0x58: {  	_ =	shalt  }
0x59: {  	_ =	shalt  }
0x5a: {  	_ =	shalt  }
0x5b: {  	_ =	shalt  }
0x5c: {  	_ =	shalt  }
0x5d: {  	_ =	shalt  }
0x5e: {  	_ =	shalt  }
0x5f: {  	_ =	shalt  }
0x60: {  	_ =	shalt  }
0x61: {  	_ =	shalt  }
0x62: {  	_ =	shalt  }
0x63: {  	_ =	shalt  }
0x64: {  	_ =	shalt  }
0x65: {  	_ =	shalt  }
0x66: {  	_ =	shalt  }
0x67: {  	_ =	shalt  }
0x68: {  	_ =	shalt  }
0x69: {  	_ =	shalt  }
0x6a: {  	_ =	shalt  }
0x6b: {  	_ =	shalt  }
0x6c: {  	_ =	shalt  }
0x6d: {  	_ =	shalt  }
0x6e: {  	_ =	shalt  }
0x6f: {  	_ =	shalt  }
0x70: {  	_ =	shalt  }
0x71: {  	_ =	shalt  }
0x72: {  	_ =	shalt  }
0x73: {  	_ =	shalt  }
0x74: {  	_ =	shalt  }
0x75: {  	_ =	shalt  }
0x76: {  	_ =	shalt  }
0x77: {  	_ =	shalt  }
0x78: {  	_ =	shalt  }
0x79: {  	_ =	shalt  }
0x7a: {  	_ =	shalt  }
0x7b: {  	_ =	shalt  }
0x7c: {  	_ =	shalt  }
0x7d: {  	_ =	shalt  }
0x7e: {  	_ =	shalt  }
0x7f: {  	_ =	shalt  }
0x80: {  	_ =	shalt  }
0x81: {  	_ =	shalt  }
0x82: {  	_ =	shalt  }
0x83: {  	_ =	shalt  }
0x84: {  	_ =	shalt  }
0x85: {  	_ =	shalt  }
0x86: {  	_ =	shalt  }
0x87: {  	_ =	shalt  }
.Lfunc_end0:
.L_simem_size_0:
called_computation.3_lowered:
.L_overlay_start_0:
0x88: {  	s2 =	sld [smem:$0x3FD9]  }
0x89: {  	s3 =	sld [smem:$0x3FFE];
	_ =	sdelay $0x1  }
0x8a: {  	s1 =	srdreg.scid  }
0x8b: {  	s0 =	sand.u32 $0x1, s1  }
0x8c: {  	s17 =	sshll.u32 s0, $0xA;
	s2 =	sadd.s32 s3, s2  }
0x8d: {  	s2 =	sadd.s32 s2, s17  }
0x8e: {  	[smem:$0x3FC4] =	sst s2  }
0x8f: {  	_ = 	snop  }
0x90: {  	s18 =	sld [smem:$0x3FC9]  }
0x91: {  	s4 =	sld [smem:$0x3FC8];
	(tm) =	ssettm $0x1  }
0x92: {  	s19 =	sld [smem:$0x3FFB];
	_ =	sdelay $0x3  }
0x93: {  	_ =	strace s19  }
0x94: {  	s2 =	sld [smem:$0x3FFC];
	_ =	sdelay $0x3  }
0x95: {  	_ =	strace s2  }
0x96: {  	s2 =	sld [smem:$0x3FFD];
	_ =	sdelay $0x3  }
0x97: {  	_ =	strace s2  }
0x98: {  	_ =	strace $0x8FFFFFFF  }
0x99: {  	s20 =	sld [smem:$0x3FDB];
	_ =	sdelay $0x1  }
0x9a: {  	s5 =	simm.s32 $_scs_section_size  }
0x9b: {  	s6 =	simm.s32 $_size__tile_overlayer_lowered;
	s7 =	simm.s32 $_tile_overlayer_lowered  }
0x9c: {  	s8 =	simm.s32 $0x1BFF;
	s21 =	sshll.u32 s7, $0x1;
	s5 =	sadd.s32 s5, s20  }
0x9d: {  	s22 =	simm.s32 $0x0;
	s6 =	sshll.u32 s6, $0x1;
	s7 =	sadd.s32 s21, s5  }
0x9e: {  	[timem:s22], [sflag:s8] =	dma.local [hbm:s7], s6  }
0x9f: {  	_ =	swait.ge [sflag:s8], s6  }
0xa0: {  	s6 =	ssub.s32 $0x0, s6;
	[sflag:s8] =	ssyncset.done $0x0  }
0xa1: {  	[sflag:s8] =	ssyncadd.s32 s6;
	_ =	sdelay $0x1  }
0xa2: {  	s23 =	simm.s32 $0x1B8B  }
0xa3: {  	_ =	swait.ge [sflag:s23], $0x1  }
0xa4: {  	[sflag:s23] =	ssyncset.done $0x0  }
0xa5: {  	[sflag:s23] =	ssyncadd.s32 $0xFFFFFFFF  }
0xa6: {  	s6 =	sld [smem:$0x0]  }
0xa7: {  	s7 =	sand.u32 $0xFFFFFFFE, s1  }
0xa8: {  	p0 =	sne.s32 s1, s7  }
0xa9: {  	s7 =	sshll.u32 @p0 s7, $0xE  }
0xaa: {  	s7 =	sadd.s32 @p0 $0x11B8D, s7;
	s8 =	sshll.u32 @p0 s6, $0x11  }
0xab: {  	s7 =	sor.u32 @p0 s8, s7  }
0xac: {  	[sflag:s7] =	ssyncadd.remote.s32 @p0 $0x1;
	_ =	sdelay $0x1  }
0xad: {  	s7 =	simm.s32 @p0 $0x1B8D  }
0xae: {  	_ =	swait.eq @p0 [sflag:s7], $0x1  }
0xaf: {  	[sflag:s7] =	ssyncadd.s32 @p0 $0xFFFFFFFF  }
0xb0: {  	s8 =	sshll.u32 @!p0 s1, $0xE  }
0xb1: {  	s8 =	sor.u32 @!p0 $0x4000, s8;
	s7 =	simm.s32 @!p0 $0x1B8D  }
0xb2: {  	s6 =	sshll.u32 @!p0 s6, $0x11;
	s8 =	sadd.s32 @!p0 $0x11B8D, s8;
	_ =	swait.eq @!p0 [sflag:s7], $0x1  }
0xb3: {  	s6 =	sor.u32 @!p0 s6, s8;
	[sflag:s7] =	ssyncadd.s32 @!p0 $0xFFFFFFFF  }
0xb4: {  	s25 =	simm.s32 $0x1B8E;
	s24 =	sld [smem:$0x3FFE];
	[sflag:s6] =	ssyncadd.remote.s32 @!p0 $0x1  }
0xb5: {  	s26 =	simm.s32 $execute0_lowered;
	[smem:$0x3FD2] =	sst s25  }
0xb6: {  	s7 =	sshll.u32 s26, $0x1;
	_ =	strace $0x8000004F;
	[dreg:$0x1] =	wrdreg $0xFFFFFFFF  }
0xb7: {  	s28 =	simm.s32 $_size_execute0_lowered;
	s5 =	sadd.s32 s5, s7;
	[dreg:$0x0] =	wrdreg $0x0  }
0xb8: {  	s7 =	sshll.u32 s28, $0x1;
	[dreg:$0x2] =	wrdreg s5  }
0xb9: {  	[dreg:$0x3] =	wrdreg s7  }
0xba: {  	[dreg:$0x4] =	wrdreg $0xC0  }
0xbb: {  	_ =	task [dreg:s22], $0x5FFFF  }
0xbc: {  	[dreg:$0x1] =	wrdreg $0xFFFFFFFF  }
0xbd: {  	[dreg:$0x0] =	wrdreg $0x60  }
0xbe: {  	[dreg:$0x2] =	wrdreg s18  }
0xbf: {  	[dreg:$0x3] =	wrdreg s4  }
0xc0: {  	[dreg:$0x4] =	wrdreg s24  }
0xc1: {  	[dreg:$0x5] =	wrdreg $0xC  }
0xc2: {  	_ =	task.clear_ibuf [dreg:s22], $0x6FFFF;
	_ =	strace $0x9000004F  }
0xc3: {  	s29 =	simm.s32 $0xC;
	_ =	strace $0x80000051  }
0xc4: {  	_ =	swait.ge [sflag:s29], $0x1  }
0xc5: {  	[sflag:s29] =	ssyncadd.s32 $0xFFFFFFFF  }
0xc6: {  	_ =	strace $0x90000051  }
0xc7: {  	_ =	sfence  }
0xc8: {  	s30 =	sld [smem:$0x0];
	_ =	sdelay $0x2  }
0xc9: {  	s31 =	sshll.u32 s1, $0xD;
	s1 =	sshrl.u32 s1, $0x2  }
0xca: {  	s4 =	sand.u32 $0x4000, s31;
	s1 =	sadd.s32 s1, s30  }
0xcb: {  	s0 =	sor.u32 s4, s0;
	s1 =	sshll.u32 s1, $0x11  }
0xcc: {  	s0 =	sor.u32 s1, s0  }
0xcd: {  	s0 =	sadd.s32 $0x8F2B, s0  }
0xce: {  	[sflag:s0] =	ssyncadd.remote.s32 $0x1  }
0xcf: {  	_ =	sfence.sel $0xFFFF  }
0xd0: {  	[dreg:$0x0] =	wrdreg $0xFFFFFFFF;
	(pc) =	sbr.abs _section_cstart, $3  }
0xd1: {  	[dreg:$0x1] =	wrdreg $0xFFFFFFFF  }
0xd2: {  	_ =	task.clear_ibuf [dreg:s22], $0x2FFFF;
	_ =	strace $0x9FFFFFFF  }
0xd3: {  	(tm) =	ssettm $0x7FFFFFFF  }
tec
execute0_lowered:
.L_overlay_start_1:
0x0: {  	(tag) =	ssettag $0x1  }
0x1: {  	s6 =	rddreg [dreg:$0x0]  }
0x2: {  	s3 =	rddreg [dreg:$0x1];
	s1 =	stileid.u32  }
0x3: {  	s4 =	rddreg [dreg:$0x2];
	s5 =	sshrl.u32 s1, $0x2  }
0x4: {  	s0 =	srdreg.scid;
	s2 =	sshll.u32 s1, $0x1;
	s7 =	sor.u32 $0xC, s5  }
0x5: {  	s0 =	sand.u32 $0x1, s0;
	s8 =	sand.u32 $0x6, s2;
	s9 =	sshll.u32 s7, $0x4  }
0x6: {  	s5 =	sshll.u32 s5, $0x11;
	s8 =	sor.u32 s0, s8;
	s9 =	sand.u32 $0x70, s9  }
0x7: {  	s10 =	sshll.u32 s8, $0xA;
	s8 =	sshll.u32 s8, $0xE;
	s3 =	sadd.s32 s9, s3  }
0x8: {  	s2 =	simm.s32 $0x0;
	s5 =	sor.u32 s5, s8;
	s3 =	sadd.s32 s10, s3  }
0x9: {  	[smem:$0x7FF] =	sst s2;
	s31 =	sadd.s32 s5, s4;
	s3 =	sadd.s32 $0x2000, s3  }
0xa: {  	_ =	strace $0x80000050;
	s24 =	sadd.s32 $0x101C00, s31;
	[dreg:$0x4] =	wrdreg s3  }
0xb: {  	s4 =	simm.s32 $0x400;
	[dreg:$0x5] =	wrdreg s24  }
0xc: {  	s5 =	simm.s32 $0x9;
	s3 =	simm.s32 $0x80;
	s25 =	rddreg [dreg:$0x4]  }
0xd: {  	[tilespmem:s2], [sflag:$0x9] =	stream.strided.gather [hbm4b:s25+s3], $0x400, s4, s3, $0x38;
	[tilespmem:$0x10400] =	vst v63  }
0xe: {  	_ =	swait.ge [sflag:s5], $0x400  }
0xf: {  	s7 =	sshll.u32 s7, $0x12;
	[sflag:s5] =	ssyncset.done $0x0  }
0x10: {  	s6 =	sadd.s32 s6, s7;
	[sflag:s5] =	ssyncadd.s32 $0xFFFFFC00  }
0x11: {  	[tilespmem:s4], [sflag:$0x1] =	stream.indirect.gather [hbm4b:s6+s3], $0x80, s2, s3, $0xb8;
	[tilespmem:$0x10400] =	vst v63  }
0x12: {  	s7 =	simm.s32 $0x4400;
	s8 =	simm.s32 $0x1  }
0x13: {  	[tilespmem:s7], [sflag:$0x2] =	stream.indirect.gather [hbm4b:s6+s3], $0x80, s3, s3, $0xb8;
	[tilespmem:$0x10400] =	vst v63  }
0x14: {  	_ =	swait.ge [sflag:s8], $0x4000  }
0x15: {  	[sflag:s8] =	ssyncset.done $0x0  }
0x16: {  	s26 =	rddreg [dreg:$0x5];
	[sflag:s8] =	ssyncadd.s32 $0xFFFFC000  }
0x17: {  	[hbm4b:s26+s2] =	stream.linear.scatter [tilespmem:s4], [sflag:$0x5], $0x4000, $0x38;
	[tilespmem:$0x10400] =	vst v63  }
0x18: {  	s11 =	simm.s32 $0x2;
	s9 =	simm.s32 $0x100;
	s10 =	simm.s32 $0x8400  }
0x19: {  	[tilespmem:s10], [sflag:$0x3] =	stream.indirect.gather [hbm4b:s6+s3], $0x80, s9, s3, $0xb8;
	[tilespmem:$0x10400] =	vst v63  }
0x1a: {  	_ =	swait.ge [sflag:s11], $0x4000  }
0x1b: {  	[sflag:s11] =	ssyncset.done $0x0  }
0x1c: {  	s12 =	sadd.s32 $0x102400, s31;
	[sflag:s11] =	ssyncadd.s32 $0xFFFFC000  }
0x1d: {  	[hbm4b:s12+s2] =	stream.linear.scatter [tilespmem:s7], [sflag:$0x6], $0x4000, $0x38;
	[tilespmem:$0x10400] =	vst v63  }
0x1e: {  	s13 =	simm.s32 $0x180;
	s14 =	simm.s32 $0xC400;
	s15 =	simm.s32 $0x3  }
0x1f: {  	[tilespmem:s14], [sflag:$0x4] =	stream.indirect.gather [hbm4b:s6+s3], $0x80, s13, s3, $0xb8;
	[tilespmem:$0x10400] =	vst v63  }
0x20: {  	_ =	swait.ge [sflag:s15], $0x4000  }
0x21: {  	[sflag:s15] =	ssyncset.done $0x0  }
0x22: {  	s17 =	simm.s32 $0x5;
	s16 =	sadd.s32 $0x102C00, s31;
	[sflag:s15] =	ssyncadd.s32 $0xFFFFC000  }
0x23: {  	[hbm4b:s16+s2] =	stream.linear.scatter [tilespmem:s10], [sflag:$0x7], $0x4000, $0x38;
	[tilespmem:$0x10400] =	vst v63  }
0x24: {  	_ =	swait.ge [sflag:s17], $0x4000  }
0x25: {  	[sflag:s17] =	ssyncset.done $0x0  }
0x26: {  	s18 =	simm.s32 $0x200;
	s19 =	simm.s32 $0x4;
	[sflag:s17] =	ssyncadd.s32 $0xFFFFC000  }
0x27: {  	[tilespmem:s4], [sflag:$0x1] =	stream.indirect.gather [hbm4b:s6+s3], $0x80, s18, s3, $0xb8;
	[tilespmem:$0x10400] =	vst v63  }
0x28: {  	_ =	swait.ge [sflag:s19], $0x4000  }
0x29: {  	[sflag:s19] =	ssyncset.done $0x0  }
0x2a: {  	s21 =	simm.s32 $0x6;
	s20 =	sadd.s32 $0x103400, s31;
	[sflag:s19] =	ssyncadd.s32 $0xFFFFC000  }
0x2b: {  	[hbm4b:s20+s2] =	stream.linear.scatter [tilespmem:s14], [sflag:$0x8], $0x4000, $0x38;
	[tilespmem:$0x10400] =	vst v63  }
0x2c: {  	_ =	swait.ge [sflag:s21], $0x4000  }
0x2d: {  	[sflag:s21] =	ssyncset.done $0x0  }
0x2e: {  	s22 =	simm.s32 $0x280;
	[sflag:s21] =	ssyncadd.s32 $0xFFFFC000  }
0x2f: {  	[tilespmem:s7], [sflag:$0x2] =	stream.indirect.gather [hbm4b:s6+s3], $0x80, s22, s3, $0xb8;
	[tilespmem:$0x10400] =	vst v63  }
0x30: {  	_ =	swait.ge [sflag:s8], $0x4000  }
0x31: {  	[sflag:s8] =	ssyncset.done $0x0  }
0x32: {  	s23 =	sadd.s32 $0x103C00, s31;
	s24 =	simm.s32 $0x7;
	[sflag:s8] =	ssyncadd.s32 $0xFFFFC000  }
0x33: {  	[hbm4b:s23+s2] =	stream.linear.scatter [tilespmem:s4], [sflag:$0x5], $0x4000, $0x38;
	[tilespmem:$0x10400] =	vst v63  }
0x34: {  	_ =	swait.ge [sflag:s24], $0x4000  }
0x35: {  	[sflag:s24] =	ssyncset.done $0x0  }
0x36: {  	s25 =	simm.s32 $0x300;
	[sflag:s24] =	ssyncadd.s32 $0xFFFFC000  }
0x37: {  	[tilespmem:s10], [sflag:$0x3] =	stream.indirect.gather [hbm4b:s6+s3], $0x80, s25, s3, $0xb8;
	[tilespmem:$0x10400] =	vst v63  }
0x38: {  	_ =	swait.ge [sflag:s11], $0x4000  }
0x39: {  	[sflag:s11] =	ssyncset.done $0x0  }
0x3a: {  	s28 =	sadd.s32 $0x104400, s31;
	s26 =	simm.s32 $0x8;
	[sflag:s11] =	ssyncadd.s32 $0xFFFFC000  }
0x3b: {  	[hbm4b:s28+s2] =	stream.linear.scatter [tilespmem:s7], [sflag:$0x6], $0x4000, $0x38;
	[tilespmem:$0x10400] =	vst v63  }
0x3c: {  	_ =	swait.ge [sflag:s26], $0x4000  }
0x3d: {  	[sflag:s26] =	ssyncset.done $0x0  }
0x3e: {  	s29 =	simm.s32 $0x380;
	[sflag:s26] =	ssyncadd.s32 $0xFFFFC000  }
0x3f: {  	[tilespmem:s14], [sflag:$0x4] =	stream.indirect.gather [hbm4b:s6+s3], $0x80, s29, s3, $0xb8;
	[tilespmem:$0x10400] =	vst v63  }
0x40: {  	_ =	swait.ge [sflag:s15], $0x4000  }
0x41: {  	[sflag:s15] =	ssyncset.done $0x0  }
0x42: {  	s30 =	sadd.s32 $0x104C00, s31;
	[sflag:s15] =	ssyncadd.s32 $0xFFFFC000  }
0x43: {  	[hbm4b:s30+s2] =	stream.linear.scatter [tilespmem:s10], [sflag:$0x7], $0x4000, $0x38;
	[tilespmem:$0x10400] =	vst v63  }
0x44: {  	_ =	swait.ge [sflag:s19], $0x4000  }
0x45: {  	[sflag:s19] =	ssyncset.done $0x0  }
0x46: {  	s31 =	sadd.s32 $0x105400, s31;
	[sflag:s19] =	ssyncadd.s32 $0xFFFFC000  }
0x47: {  	[hbm4b:s31+s2] =	stream.linear.scatter [tilespmem:s14], [sflag:$0x8], $0x4000, $0x38;
	[tilespmem:$0x10400] =	vst v63  }
0x48: {  	s0 =	ssub.s32 $0x2, s0;
	_ =	swait.ge [sflag:s17], $0x4000  }
0x49: {  	s1 =	sshrl.u32 s0, $0x1;
	[sflag:s17] =	ssyncset.done $0x0  }
0x4a: {  	s0 =	ssub.s32 s0, s1;
	[sflag:s17] =	ssyncadd.s32 $0xFFFFC000  }
0x4b: {  	s0 =	smax.u32 s0, $0x1;
	_ =	swait.ge [sflag:s21], $0x4000  }
0x4c: {  	p0 =	sne.s32 s0, $0x1;
	[sflag:s21] =	ssyncset.done $0x0  }
.Ltmp0:
0x4d: {  	[sflag:s21] =	ssyncadd.s32 $0xFFFFC000;
	(pc) =	sbr.rel @!p0 .LBB2_2-.Ltmp0, $4  }
0x4e: {  	_ =	swait.ge [sflag:s24], $0x4000  }
0x4f: {  	[sflag:s24] =	ssyncset.done $0x0  }
0x50: {  	[sflag:s24] =	ssyncadd.s32 $0xFFFFC000  }
0x51: {  	s0 =	sadd.s32 $0xFFFFFFFF, s0;
	_ =	swait.ge [sflag:s26], $0x4000  }
.LBB2_1:
0x52: {  	[sflag:s26] =	ssyncset.done $0x0  }
0x53: {  	s1 =	rddreg [dreg:$0x4];
	[sflag:s26] =	ssyncadd.s32 $0xFFFFC000  }
0x54: {  	[tilespmem:s2], [sflag:$0x9] =	stream.strided.gather [hbm4b:s1+s3], $0x400, s4, s3, $0x38;
	[tilespmem:$0x10400] =	vst v63  }
0x55: {  	_ =	swait.ge [sflag:s5], $0x400  }
0x56: {  	[sflag:s5] =	ssyncset.done $0x0  }
0x57: {  	[sflag:s5] =	ssyncadd.s32 $0xFFFFFC00  }
0x58: {  	[tilespmem:s4], [sflag:$0x1] =	stream.indirect.gather [hbm4b:s6+s3], $0x80, s2, s3, $0xb8;
	[tilespmem:$0x10400] =	vst v63  }
0x59: {  	_ = 	snop  }
0x5a: {  	[tilespmem:s7], [sflag:$0x2] =	stream.indirect.gather [hbm4b:s6+s3], $0x80, s3, s3, $0xb8;
	[tilespmem:$0x10400] =	vst v63  }
0x5b: {  	_ =	swait.ge [sflag:s8], $0x4000  }
0x5c: {  	[sflag:s8] =	ssyncset.done $0x0  }
0x5d: {  	s1 =	rddreg [dreg:$0x5];
	[sflag:s8] =	ssyncadd.s32 $0xFFFFC000  }
0x5e: {  	[hbm4b:s1+s2] =	stream.linear.scatter [tilespmem:s4], [sflag:$0x5], $0x4000, $0x38;
	[tilespmem:$0x10400] =	vst v63  }
0x5f: {  	_ = 	snop  }
0x60: {  	[tilespmem:s10], [sflag:$0x3] =	stream.indirect.gather [hbm4b:s6+s3], $0x80, s9, s3, $0xb8;
	[tilespmem:$0x10400] =	vst v63  }
0x61: {  	_ =	swait.ge [sflag:s11], $0x4000  }
0x62: {  	[sflag:s11] =	ssyncset.done $0x0  }
0x63: {  	[sflag:s11] =	ssyncadd.s32 $0xFFFFC000  }
0x64: {  	[hbm4b:s12+s2] =	stream.linear.scatter [tilespmem:s7], [sflag:$0x6], $0x4000, $0x38;
	[tilespmem:$0x10400] =	vst v63  }
0x65: {  	_ = 	snop  }
0x66: {  	[tilespmem:s14], [sflag:$0x4] =	stream.indirect.gather [hbm4b:s6+s3], $0x80, s13, s3, $0xb8;
	[tilespmem:$0x10400] =	vst v63  }
0x67: {  	_ =	swait.ge [sflag:s15], $0x4000  }
0x68: {  	[sflag:s15] =	ssyncset.done $0x0  }
0x69: {  	[sflag:s15] =	ssyncadd.s32 $0xFFFFC000  }
0x6a: {  	[hbm4b:s16+s2] =	stream.linear.scatter [tilespmem:s10], [sflag:$0x7], $0x4000, $0x38;
	[tilespmem:$0x10400] =	vst v63  }
0x6b: {  	_ =	swait.ge [sflag:s17], $0x4000  }
0x6c: {  	[sflag:s17] =	ssyncset.done $0x0  }
0x6d: {  	[sflag:s17] =	ssyncadd.s32 $0xFFFFC000  }
0x6e: {  	[tilespmem:s4], [sflag:$0x1] =	stream.indirect.gather [hbm4b:s6+s3], $0x80, s18, s3, $0xb8;
	[tilespmem:$0x10400] =	vst v63  }
0x6f: {  	_ =	swait.ge [sflag:s19], $0x4000  }
0x70: {  	[sflag:s19] =	ssyncset.done $0x0  }
0x71: {  	[sflag:s19] =	ssyncadd.s32 $0xFFFFC000  }
0x72: {  	[hbm4b:s20+s2] =	stream.linear.scatter [tilespmem:s14], [sflag:$0x8], $0x4000, $0x38;
	[tilespmem:$0x10400] =	vst v63  }
0x73: {  	_ =	swait.ge [sflag:s21], $0x4000  }
0x74: {  	[sflag:s21] =	ssyncset.done $0x0  }
0x75: {  	[sflag:s21] =	ssyncadd.s32 $0xFFFFC000  }
0x76: {  	[tilespmem:s7], [sflag:$0x2] =	stream.indirect.gather [hbm4b:s6+s3], $0x80, s22, s3, $0xb8;
	[tilespmem:$0x10400] =	vst v63  }
0x77: {  	_ =	swait.ge [sflag:s8], $0x4000  }
0x78: {  	[sflag:s8] =	ssyncset.done $0x0  }
0x79: {  	[sflag:s8] =	ssyncadd.s32 $0xFFFFC000  }
0x7a: {  	[hbm4b:s23+s2] =	stream.linear.scatter [tilespmem:s4], [sflag:$0x5], $0x4000, $0x38;
	[tilespmem:$0x10400] =	vst v63  }
0x7b: {  	_ =	swait.ge [sflag:s24], $0x4000  }
0x7c: {  	[sflag:s24] =	ssyncset.done $0x0  }
0x7d: {  	[sflag:s24] =	ssyncadd.s32 $0xFFFFC000  }
0x7e: {  	[tilespmem:s10], [sflag:$0x3] =	stream.indirect.gather [hbm4b:s6+s3], $0x80, s25, s3, $0xb8;
	[tilespmem:$0x10400] =	vst v63  }
0x7f: {  	_ =	swait.ge [sflag:s11], $0x4000  }
0x80: {  	[sflag:s11] =	ssyncset.done $0x0  }
0x81: {  	[sflag:s11] =	ssyncadd.s32 $0xFFFFC000  }
0x82: {  	[hbm4b:s28+s2] =	stream.linear.scatter [tilespmem:s7], [sflag:$0x6], $0x4000, $0x38;
	[tilespmem:$0x10400] =	vst v63  }
0x83: {  	_ =	swait.ge [sflag:s26], $0x4000  }
0x84: {  	[sflag:s26] =	ssyncset.done $0x0  }
0x85: {  	[sflag:s26] =	ssyncadd.s32 $0xFFFFC000  }
0x86: {  	[tilespmem:s14], [sflag:$0x4] =	stream.indirect.gather [hbm4b:s6+s3], $0x80, s29, s3, $0xb8;
	[tilespmem:$0x10400] =	vst v63  }
0x87: {  	_ =	swait.ge [sflag:s15], $0x4000  }
0x88: {  	[sflag:s15] =	ssyncset.done $0x0  }
0x89: {  	[sflag:s15] =	ssyncadd.s32 $0xFFFFC000  }
0x8a: {  	[hbm4b:s30+s2] =	stream.linear.scatter [tilespmem:s10], [sflag:$0x7], $0x4000, $0x38;
	[tilespmem:$0x10400] =	vst v63  }
0x8b: {  	_ =	swait.ge [sflag:s19], $0x4000  }
0x8c: {  	[sflag:s19] =	ssyncset.done $0x0  }
0x8d: {  	[sflag:s19] =	ssyncadd.s32 $0xFFFFC000  }
0x8e: {  	[hbm4b:s31+s2] =	stream.linear.scatter [tilespmem:s14], [sflag:$0x8], $0x4000, $0x38;
	[tilespmem:$0x10400] =	vst v63  }
0x8f: {  	_ =	swait.ge [sflag:s17], $0x4000  }
0x90: {  	[sflag:s17] =	ssyncset.done $0x0  }
0x91: {  	[sflag:s17] =	ssyncadd.s32 $0xFFFFC000  }
0x92: {  	_ =	swait.ge [sflag:s21], $0x4000  }
0x93: {  	p0 =	sne.s32 s0, $0x1;
	[sflag:s21] =	ssyncset.done $0x0  }
.Ltmp1:
0x94: {  	[sflag:s21] =	ssyncadd.s32 $0xFFFFC000;
	(pc) =	sbr.rel @p0 .LBB2_1-.Ltmp1, $4  }
0x95: {  	_ =	swait.ge [sflag:s24], $0x4000  }
0x96: {  	[sflag:s24] =	ssyncset.done $0x0  }
0x97: {  	[sflag:s24] =	ssyncadd.s32 $0xFFFFC000  }
0x98: {  	s0 =	sadd.s32 $0xFFFFFFFF, s0;
	_ =	swait.ge [sflag:s26], $0x4000  }
.LBB2_2:
0x99: {  	[sflag:s26] =	ssyncset.done $0x0  }
0x9a: {  	[sflag:s26] =	ssyncadd.s32 $0xFFFFC000  }
0x9b: {  	_ =	sfence.sel $0x180000  }
0x9c: {  	[bflag:$0x0] =	sbarrier.arrive $0xFFFF  }
0x9d: {  	_ =	strace $0x90000050  }
0x9e: {  	s0 =	stileid.u32;
	[bflag:$0x2] =	sbarrier.arrive $0xFFFF  }
0x9f: {  	p0 =	sne.s32 s0, $0x0;
	s0 =	rddreg [dreg:$0x3]  }
0xa0: {  	s0 =	sadd.s32 @!p0 $0x100000, s0  }
0xa1: {  	[sflag:s0] =	ssyncadd.tile.s32 @!p0 $0x1;
	_ =	shalt  }
.Lfunc_end2:
_tile_overlayer_lowered:
.L_overlay_start_2:
0xa2: {  	(tag) =	ssettag $0x2  }
0xa3: {  	s0 =	rddreg [dreg:$0x0];
	s2 =	stileid.u32  }
0xa4: {  	s1 =	rddreg [dreg:$0x1];
	p0 =	sne.s32 s2, $0x0  }
0xa5: {  	s3 =	rddreg [dreg:$0x2];
	[bflag:$0x3] =	sbarrier.arrive $0xFFFF;
	s2 =	simm.s32 @!p0 $0x1C09  }
0xa6: {  	[timem:s3], [sflag:s2] =	dma.local @!p0 [hbm:s0], s1  }
0xa7: {  	s0 =	simm.s32 @!p0 $0x9  }
0xa8: {  	_ =	swait.ge @!p0 [sflag:s0], s1  }
0xa9: {  	s1 =	ssub.s32 @!p0 $0x0, s1;
	[sflag:s0] =	ssyncset.done @!p0 $0x0  }
0xaa: {  	[sflag:s0] =	ssyncadd.s32 @!p0 s1  }
0xab: {  	[bflag:$0x3] =	sbarrier.arrive $0xFFFF  }
0xac: {  	_ =	shalt  }

</sc_bundles>
